<compile_context>
chip_gen: v7x
topology: tpu7x:2x2x1
jax: 0.10.2.dev20260603
libtpu: 0.0.44.dev20260713+nightly
codegen_flags: <defaults>
</compile_context>

<pallas_src>
import functools

import jax
import jax.numpy as jnp
from jax import lax
from jax.experimental import pallas as pl
from jax.experimental.pallas import tpu as pltpu
from jax.experimental.pallas import tpu_sc as plsc

NC = 2
NS = 16
NW = NC * NS
L = 16
CH = 8192
U = 8


def _make_sc_call(n_cuts, n_seg):
    S = n_seg // NW
    SP = S + 8
    NCHAN = 20
    ACC = NCHAN * SP
    IPW = S + 32
    mesh = plsc.VectorSubcoreMesh(core_axis_name="c", subcore_axis_name="s")

    @functools.partial(
        pl.kernel,
        mesh=mesh,
        compiler_params=pltpu.CompilerParams(needs_layout_passes=False),
        out_type=jax.ShapeDtypeStruct((NCHAN * n_seg,), jnp.float32),
        scratch_types=[
            pltpu.VMEM((IPW,), jnp.int32),
            pltpu.VMEM((16,), jnp.float32),
            pltpu.VMEM((CH,), jnp.float32),
            pltpu.VMEM((ACC,), jnp.float32),
            pltpu.SemaphoreType.DMA,
        ],
    )
    def sc_call(coords_hbm, ip_hbm, bins_hbm, out_hbm,
                ip_v, bins_v, cbuf0, acc, sem0):
        cid = lax.axis_index("c")
        sid = lax.axis_index("s")
        w = sid * NC + cid
        pltpu.sync_copy(ip_hbm.at[pl.ds(w * S, IPW)], ip_v)
        pltpu.sync_copy(bins_hbm, bins_v)

        zero16 = jnp.zeros((16,), jnp.float32)

        def zbody(j, carry):
            acc[pl.ds(j * 16, 16)] = zero16
            return carry

        lax.fori_loop(0, ACC // 16, zbody, 0)

        ip_head = ip_v[pl.ds(0, 16)]
        ip_tail = ip_v[pl.ds(S, 16)]
        c0 = ip_head[0]
        c1 = ip_tail[0]
        k_lo = c0 // CH
        k_hi = (c1 + CH - 1) // CH

        bv = bins_v[...]
        b0 = bv[0]
        inv_w = 1.0 / jnp.full((16,), bv[1] - b0, jnp.float32)
        iota_i = lax.iota(jnp.int32, 16)

        ones_f = jnp.full((16,), 1.0, jnp.float32)

        def copy_handle(k, cbuf, sem):
            return pltpu.make_async_copy(
                coords_hbm.at[pl.ds(k * CH, CH)], cbuf, sem)

        def process_chunk(k, cbuf, carry, masked):
            def vreg_body(v, carry):
                datas = []
                for u in range(U):
                    x = cbuf[pl.ds((v * U + u) * 16, 16)]
                    base = k * CH + (v * U + u) * 16
                    pos = base + iota_i
                    a = jnp.abs(x)
                    q = (x - b0) * inv_w + 0.5
                    ch = jnp.clip(q.astype(jnp.int32), 0, 10)
                    g1 = plsc.load_gather(bins_v, [ch])
                    cnt = ch + (g1 < x).astype(jnp.int32)
                    bin_ = jnp.clip(cnt - 1, 0, 9)
                    datas.append((pos, a, bin_))

                p, nxt = carry
                g_last = k * CH + (v * U + U) * 16 - 1

                def wcond(cc):
                    pp, nn = cc[0], cc[1]
                    return (pp < S) & (nn <= g_last)

                def wbody(cc):
                    pp, nn = cc[0], cc[1]
                    svs = tuple(
                        sv + (d[0] >= nn).astype(jnp.int32)
                        for sv, d in zip(cc[2:], datas))
                    pp = pp + 1
                    return (pp, ip_v[pl.ds(pp + 1, 16)][0]) + svs

                init = (p, nxt) + tuple(
                    jnp.full((16,), p, jnp.int32) for _ in range(U))
                res = lax.while_loop(wcond, wbody, init)
                p, nxt = res[0], res[1]
                for segv, (pos, a, bin_) in zip(res[2:], datas):
                    if masked:
                        segv = jnp.where(pos >= c0, segv, S)
                    keyc = segv + bin_ * SP
                    plsc.addupdate_scatter(acc, [keyc], ones_f)
                    plsc.addupdate_scatter(acc, [keyc + 10 * SP], a)
                return (p, nxt)

            return lax.fori_loop(0, CH // (16 * U), vreg_body, carry)

        def make_chunk_body(masked):
            def chunk_body(k, carry):
                copy_handle(k, cbuf0, sem0).start()
                copy_handle(k, cbuf0, sem0).wait()
                return process_chunk(k, cbuf0, carry, masked)
            return chunk_body

        carry = (jnp.int32(0), ip_head[1])
        carry = lax.fori_loop(k_lo, jnp.minimum(k_lo + 1, k_hi),
                              make_chunk_body(True), carry)
        lax.fori_loop(k_lo + 1, k_hi, make_chunk_body(False), carry)

        wb = [pltpu.make_async_copy(acc.at[pl.ds(c * SP, S)],
                                    out_hbm.at[pl.ds(c * n_seg + w * S, S)],
                                    sem0) for c in range(NCHAN)]
        for h in wb:
            h.start()
        for h in wb:
            h.wait()

    return sc_call


def _post_body(acc_ref, lib_ref, out_ref):
    x = acc_ref[...]
    lib = lib_ref[...][None, :, None]
    raw = x[:10]
    bc = raw / lib
    cnt = jnp.sum(raw, axis=0, keepdims=True)
    cx = jnp.log1p(jnp.sum(bc, axis=0, keepdims=True))
    asum = jnp.sum(x[10:20], axis=0, keepdims=True)
    mean_rc = jnp.where(cnt > 0.0, asum / jnp.maximum(cnt, 1.0), 0.0) / 100000.0
    out = jnp.concatenate([
        bc,
        bc - jnp.mean(bc, axis=1, keepdims=True),
        cx,
        cx - jnp.mean(cx, axis=1, keepdims=True),
        mean_rc - jnp.mean(mean_rc, axis=1, keepdims=True),
        mean_rc,
    ], axis=0)
    out_ref[...] = out


def kernel(relative_coordinates, local_clusterxvariant_indptr, n_variants,
           n_clusters, cluster_cut_lib, bins):
    n_cuts = relative_coordinates.shape[0]
    n_seg = local_clusterxvariant_indptr.shape[0] - 1
    n_clusters_s = cluster_cut_lib.shape[0]
    n_variants_s = n_seg // n_clusters_s

    ip_pad = jnp.concatenate([
        local_clusterxvariant_indptr.astype(jnp.int32),
        jnp.full((31,), n_cuts, jnp.int32),
    ])
    bins_pad = jnp.concatenate([
        bins.astype(jnp.float32),
        jnp.full((5,), 4e9, jnp.float32),
    ])

    sc_call = _make_sc_call(n_cuts, n_seg)
    acc = sc_call(relative_coordinates, ip_pad, bins_pad)
    acc = acc.reshape(20, n_clusters_s, n_variants_s)

    out_t = pl.pallas_call(
        _post_body,
        out_shape=jax.ShapeDtypeStruct((24, n_clusters_s, n_variants_s),
                                       jnp.float32),
    )(acc, cluster_cut_lib)
    return jnp.transpose(out_t, (1, 2, 0))

# --- scband reference (transcript-rebuilt; emitter-appended) ---
"""Pipeline reference for scband-variant-embedder-84774064488749 (READ-ONLY COPY).

The authoritative reference and input builder live on the scoring server;
editing this copy changes nothing except your own understanding.
"""

import jax, jax.numpy as jnp
import numpy as np

WINDOW_SIZE = 100000
N_BIN_PTS = 11
N_CLUSTERS = 64
N_VARIANTS = 1000
N_CUTS = 4000000


def setup_inputs(seed: int = 0):
    key = jax.random.key(seed)
    k1, k2 = jax.random.split(key, 2)
    relative_coordinates = jax.random.uniform(k1, (N_CUTS,), minval=-float(WINDOW_SIZE), maxval=float(WINDOW_SIZE), dtype=jnp.float32)
    inner = jnp.sort(jax.random.randint(k2, (N_CLUSTERS * N_VARIANTS - 1,), 0, N_CUTS, dtype=jnp.int32))
    local_clusterxvariant_indptr = jnp.concatenate([jnp.zeros((1,), jnp.int32), inner, jnp.full((1,), N_CUTS, jnp.int32)])
    # buffer: cluster_cut_lib.to(float) / 1e6 with raw lib size 2e6 cuts per cluster
    cluster_cut_lib = jnp.full((N_CLUSTERS,), 2.0, jnp.float32)
    bins = jnp.linspace(-WINDOW_SIZE - 1.0, WINDOW_SIZE + 1.0, N_BIN_PTS).astype(jnp.float32)
    return {
        "relative_coordinates": relative_coordinates,
        "local_clusterxvariant_indptr": local_clusterxvariant_indptr,
        "n_variants": N_VARIANTS,
        "n_clusters": N_CLUSTERS,
        "cluster_cut_lib": cluster_cut_lib,
        "bins": bins,
    }


def reference(relative_coordinates, local_clusterxvariant_indptr, n_variants, n_clusters, cluster_cut_lib, bins):
    n_bins = bins.shape[0] - 1
    n_clusters_s = cluster_cut_lib.shape[0]
    n_variants_s = (local_clusterxvariant_indptr.shape[0] - 1) // n_clusters_s
    # histogram bin assignment per cut
    bin_idx = jnp.clip(jnp.searchsorted(bins, relative_coordinates) - 1, 0, n_bins - 1)
    # indptr -> segment ids (indptr_to_indices)
    diffs = jnp.diff(local_clusterxvariant_indptr)
    seg_ids = jnp.repeat(jnp.arange(n_clusters_s * n_variants_s), diffs, total_repeat_length=relative_coordinates.shape[0])
    # per (cluster, variant, bin) counts via bincount
    bc = jnp.bincount(bin_idx + seg_ids * n_bins, length=n_clusters_s * n_variants_s * n_bins)
    bc = bc.reshape((n_clusters_s, n_variants_s, n_bins)).astype(jnp.float32)
    bc = bc / cluster_cut_lib[:, None, None]
    cx_counts = jnp.log1p(bc.sum(-1, keepdims=True))
    # segment_mean_csr of |relative_coordinates|
    seg_sum = jax.ops.segment_sum(jnp.abs(relative_coordinates), seg_ids, num_segments=n_clusters_s * n_variants_s)
    cnt = diffs.astype(jnp.float32)
    mean_rc = jnp.where(cnt > 0, seg_sum / jnp.maximum(cnt, 1.0), 0.0)
    mean_rc = mean_rc.reshape((n_clusters_s, n_variants_s, 1)) / float(WINDOW_SIZE)
    out = jnp.concatenate([
        bc,
        bc - bc.mean(0, keepdims=True),
        cx_counts,
        cx_counts - cx_counts.mean(0, keepdims=True),
        mean_rc - mean_rc.mean(0, keepdims=True),
        mean_rc,
    ], axis=-1)
    out = out + (jnp.asarray(n_variants) * 0 + jnp.asarray(n_clusters) * 0).astype(out.dtype)
    return out

if __name__ == "__main__":
    import jax
    _d = setup_inputs()
    print(jax.jit(kernel)(*tuple(_d.values())))

</pallas_src>

<mosaic_0001>
#map = affine_map<(d0, d1) -> (0)>
module attributes {stable_mosaic.version = 14 : i64} {
  func.func @sc_call(%arg0: i32, %arg1: i32, %arg2: memref<4000000xf32, #tpu.memory_space<hbm>>, %arg3: memref<64032xi32, #tpu.memory_space<hbm>>, %arg4: memref<16xf32, #tpu.memory_space<hbm>>, %arg5: memref<1280000xf32, #tpu.memory_space<hbm>>, %arg6: memref<2032xi32, #tpu.memory_space<vmem>>, %arg7: memref<16xf32, #tpu.memory_space<vmem>>, %arg8: memref<8192xf32, #tpu.memory_space<vmem>>, %arg9: memref<40160xf32, #tpu.memory_space<vmem>>, %arg10: memref<!tpu.dma_semaphore, #tpu.memory_space<semaphore_mem>>) attributes {dimension_semantics = [#tpu.dimension_semantics<core_parallel>, #tpu.dimension_semantics<subcore_parallel>], iteration_bounds = array<i64: 2, 16>, scalar_prefetch = 0 : i64, scratch_operands = 5 : i64, tpu.core_type = #tpu.core_type<sc_vector_subcore>, window_params = [{transform_indices = #map}, {transform_indices = #map}, {transform_indices = #map}, {transform_indices = #map}]} {
    %mul3A = arith.constant 2 : i32
    %mul3A_0 = arith.muli %arg1, %mul3A : i32
    %add3A = arith.addi %mul3A_0, %arg0 : i32
    %mul3A_1 = arith.constant 2000 : i32
    %mul3A_2 = arith.muli %add3A, %mul3A_1 : i32
    "tpu.region"() ({
      %run_scoped3A = tpu.sem_alloc : memref<!tpu.dma_semaphore, #tpu.memory_space<semaphore_mem>>
      %dma_start3A_415 = tpu.memref_slice %arg3[%mul3A_2] : memref<64032xi32, #tpu.memory_space<hbm>> -> memref<2032xi32, #tpu.memory_space<hbm>>
      %dma_start3A_416 = tpu.memref_slice %arg3[%mul3A_2] : memref<64032xi32, #tpu.memory_space<hbm>> -> memref<2032xi32, #tpu.memory_space<hbm>>
      tpu.enqueue_dma source(%dma_start3A_416 : memref<2032xi32, #tpu.memory_space<hbm>>) target(%arg6 : memref<2032xi32, #tpu.memory_space<vmem>>) target_semaphore(%run_scoped3A : memref<!tpu.dma_semaphore, #tpu.memory_space<semaphore_mem>>)
      %dma_wait3A_417 = tpu.memref_slice %arg3[%mul3A_2] : memref<64032xi32, #tpu.memory_space<hbm>> -> memref<2032xi32, #tpu.memory_space<hbm>>
      %dma_wait3A_418 = tpu.memref_slice %arg3[%mul3A_2] : memref<64032xi32, #tpu.memory_space<hbm>> -> memref<2032xi32, #tpu.memory_space<hbm>>
      tpu.wait_dma2 semaphore(%run_scoped3A : memref<!tpu.dma_semaphore, #tpu.memory_space<semaphore_mem>>) src(%dma_wait3A_418 : memref<2032xi32, #tpu.memory_space<hbm>>) dst(%arg6 : memref<2032xi32, #tpu.memory_space<vmem>>)
      tpu.yield
    }) : () -> ()
    "tpu.region"() ({
      %run_scoped3A = tpu.sem_alloc : memref<!tpu.dma_semaphore, #tpu.memory_space<semaphore_mem>>
      tpu.enqueue_dma source(%arg4 : memref<16xf32, #tpu.memory_space<hbm>>) target(%arg7 : memref<16xf32, #tpu.memory_space<vmem>>) target_semaphore(%run_scoped3A : memref<!tpu.dma_semaphore, #tpu.memory_space<semaphore_mem>>)
      tpu.wait_dma2 semaphore(%run_scoped3A : memref<!tpu.dma_semaphore, #tpu.memory_space<semaphore_mem>>) src(%arg4 : memref<16xf32, #tpu.memory_space<hbm>>) dst(%arg7 : memref<16xf32, #tpu.memory_space<vmem>>)
      tpu.yield
    }) : () -> ()
    %broadcast_in_dim3A = arith.constant 0.000000e+00 : f32
    %broadcast_in_dim3A_3 = vector.broadcast %broadcast_in_dim3A : f32 to vector<16xf32>
    %scan3A = arith.constant 0 : i32
    %scan3A_4 = arith.constant 0 : i32
    %scan3A_5 = arith.constant 2510 : i32
    %scan3A_6 = arith.addi %scan3A_4, %scan3A_5 : i32
    %scan3A_7 = arith.constant 1 : i32
    scf.for %scan3A_415 = %scan3A_4 to %scan3A_6 step %scan3A_7  : i32 {
      %mul3A_416 = arith.constant 16 : i32
      %mul3A_417 = arith.muli %scan3A_415, %mul3A_416 : i32
      %swap3A = arith.index_cast %mul3A_417 : i32 to index
      %swap3A_418 = tpu.vector_load %arg9[%swap3A] {strides = array<i32>} : memref<40160xf32, #tpu.memory_space<vmem>>, vector<16xf32>,
      tpu.vector_store %arg9[%swap3A], %broadcast_in_dim3A_3 {strides = array<i32>} : memref<40160xf32, #tpu.memory_space<vmem>>, vector<16xf32>,
    }
    %scan3A_8 = arith.constant 2510 : i32
    %get3A = arith.constant 0 : index
    %get3A_9 = tpu.vector_load %arg6[%get3A] {strides = array<i32>} : memref<2032xi32, #tpu.memory_space<vmem>>, vector<16xi32>,
    %get3A_10 = arith.constant 2000 : index
    %get3A_11 = tpu.vector_load %arg6[%get3A_10] {strides = array<i32>} : memref<2032xi32, #tpu.memory_space<vmem>>, vector<16xi32>,
    %slice3A = vector.extract_strided_slice %get3A_9 {offsets = [0], sizes = [1], strides = [1]} : vector<16xi32> to vector<1xi32>
    %squeeze3A = vector.extract %slice3A[0] : i32 from vector<1xi32>
    %slice3A_12 = vector.extract_strided_slice %get3A_11 {offsets = [0], sizes = [1], strides = [1]} : vector<16xi32> to vector<1xi32>
    %squeeze3A_13 = vector.extract %slice3A_12[0] : i32 from vector<1xi32>
    %jit3A = arith.constant 8192 : i32
    %div3A = arith.divsi %squeeze3A, %jit3A : i32
    %sign3A = arith.constant 0 : i32
    %sign3A_14 = arith.cmpi sgt, %squeeze3A, %sign3A : i32
    %sign3A_15 = arith.extui %sign3A_14 : i1 to i32
    %sign3A_16 = arith.constant 0 : i32
    %sign3A_17 = arith.cmpi slt, %squeeze3A, %sign3A_16 : i32
    %sign3A_18 = arith.extui %sign3A_17 : i1 to i32
    %sign3A_19 = arith.subi %sign3A_15, %sign3A_18 : i32
    %sign3A_20 = arith.constant 0 : i32
    %sign3A_21 = arith.cmpi sgt, %jit3A, %sign3A_20 : i32
    %sign3A_22 = arith.extui %sign3A_21 : i1 to i32
    %sign3A_23 = arith.constant 0 : i32
    %sign3A_24 = arith.cmpi slt, %jit3A, %sign3A_23 : i32
    %sign3A_25 = arith.extui %sign3A_24 : i1 to i32
    %sign3A_26 = arith.subi %sign3A_22, %sign3A_25 : i32
    %ne3A = arith.cmpi ne, %sign3A_19, %sign3A_26 : i32
    %rem3A = arith.remsi %squeeze3A, %jit3A : i32
    %ne3A_27 = arith.constant 0 : i32
    %ne3A_28 = arith.cmpi ne, %rem3A, %ne3A_27 : i32
    %and3A = arith.andi %ne3A, %ne3A_28 : i1
    %sub3A = arith.constant 1 : i32
    %sub3A_29 = arith.subi %div3A, %sub3A : i32
    %select_n3A = arith.select %and3A, %sub3A_29, %div3A : i32
    %add3A_30 = arith.constant 8192 : i32
    %add3A_31 = arith.addi %squeeze3A_13, %add3A_30 : i32
    %sub3A_32 = arith.constant 1 : i32
    %sub3A_33 = arith.subi %add3A_31, %sub3A_32 : i32
    %jit3A_34 = arith.constant 8192 : i32
    %div3A_35 = arith.divsi %sub3A_33, %jit3A_34 : i32
    %sign3A_36 = arith.constant 0 : i32
    %sign3A_37 = arith.cmpi sgt, %sub3A_33, %sign3A_36 : i32
    %sign3A_38 = arith.extui %sign3A_37 : i1 to i32
    %sign3A_39 = arith.constant 0 : i32
    %sign3A_40 = arith.cmpi slt, %sub3A_33, %sign3A_39 : i32
    %sign3A_41 = arith.extui %sign3A_40 : i1 to i32
    %sign3A_42 = arith.subi %sign3A_38, %sign3A_41 : i32
    %sign3A_43 = arith.constant 0 : i32
    %sign3A_44 = arith.cmpi sgt, %jit3A_34, %sign3A_43 : i32
    %sign3A_45 = arith.extui %sign3A_44 : i1 to i32
    %sign3A_46 = arith.constant 0 : i32
    %sign3A_47 = arith.cmpi slt, %jit3A_34, %sign3A_46 : i32
    %sign3A_48 = arith.extui %sign3A_47 : i1 to i32
    %sign3A_49 = arith.subi %sign3A_45, %sign3A_48 : i32
    %ne3A_50 = arith.cmpi ne, %sign3A_42, %sign3A_49 : i32
    %rem3A_51 = arith.remsi %sub3A_33, %jit3A_34 : i32
    %ne3A_52 = arith.constant 0 : i32
    %ne3A_53 = arith.cmpi ne, %rem3A_51, %ne3A_52 : i32
    %and3A_54 = arith.andi %ne3A_50, %ne3A_53 : i1
    %sub3A_55 = arith.constant 1 : i32
    %sub3A_56 = arith.subi %div3A_35, %sub3A_55 : i32
    %select_n3A_57 = arith.select %and3A_54, %sub3A_56, %div3A_35 : i32
    %get3A_58 = arith.constant 0 : index
    %get3A_59 = tpu.vector_load %arg7[%get3A_58] {strides = array<i32>} : memref<16xf32, #tpu.memory_space<vmem>>, vector<16xf32>,
    %slice3A_60 = vector.extract_strided_slice %get3A_59 {offsets = [0], sizes = [1], strides = [1]} : vector<16xf32> to vector<1xf32>
    %squeeze3A_61 = vector.extract %slice3A_60[0] : f32 from vector<1xf32>
    %slice3A_62 = vector.extract_strided_slice %get3A_59 {offsets = [1], sizes = [1], strides = [1]} : vector<16xf32> to vector<1xf32>
    %squeeze3A_63 = vector.extract %slice3A_62[0] : f32 from vector<1xf32>
    %sub3A_64 = arith.subf %squeeze3A_63, %squeeze3A_61 : f32
    %broadcast_in_dim3A_65 = vector.broadcast %sub3A_64 : f32 to vector<16xf32>
    %div3A_66 = arith.constant 1.000000e+00 : f32
    %div3A_67 = vector.broadcast %div3A_66 : f32 to vector<16xf32>
    %div3A_68 = arith.divf %div3A_67, %broadcast_in_dim3A_65 : vector<16xf32>
    %iota3A = tpu.iota {dimensions = array<i32: 0>} : vector<16xi32>
    %broadcast_in_dim3A_69 = arith.constant 1.000000e+00 : f32
    %broadcast_in_dim3A_70 = vector.broadcast %broadcast_in_dim3A_69 : f32 to vector<16xf32>
    %slice3A_71 = vector.extract_strided_slice %get3A_9 {offsets = [1], sizes = [1], strides = [1]} : vector<16xi32> to vector<1xi32>
    %squeeze3A_72 = vector.extract %slice3A_71[0] : i32 from vector<1xi32>
    %add3A_73 = arith.constant 1 : i32
    %add3A_74 = arith.addi %select_n3A, %add3A_73 : i32
    %min3A = arith.minsi %add3A_74, %select_n3A_57 : i32
    %while3A = arith.constant 0 : i32
    %while3A_75 = arith.subi %min3A, %select_n3A : i32
    %while3A_76 = arith.addi %select_n3A, %while3A_75 : i32
    %while3A_77 = arith.constant 1 : i32
    %while3A_78 = arith.divsi %while3A_75, %while3A_77 : i32
    %while3A_79 = arith.muli %while3A_78, %while3A_77 : i32
    %while3A_80 = arith.addi %select_n3A, %while3A_79 : i32
    %while3A_81 = arith.constant 1 : i32
    %while3A_82:2 = scf.for %while3A_415 = %select_n3A to %while3A_80 step %while3A_81 iter_args(%while3A_416 = %while3A, %while3A_417 = %squeeze3A_72) -> (i32, i32)  : i32 {
      %mul3A_418 = arith.constant 8192 : i32
      %mul3A_419 = arith.muli %while3A_415, %mul3A_418 : i32
      %dma_start3A_420 = tpu.memref_slice %arg2[%mul3A_419] : memref<4000000xf32, #tpu.memory_space<hbm>> -> memref<8192xf32, #tpu.memory_space<hbm>>
      %dma_start3A_421 = tpu.memref_slice %arg2[%mul3A_419] : memref<4000000xf32, #tpu.memory_space<hbm>> -> memref<8192xf32, #tpu.memory_space<hbm>>
      tpu.enqueue_dma source(%dma_start3A_421 : memref<8192xf32, #tpu.memory_space<hbm>>) target(%arg8 : memref<8192xf32, #tpu.memory_space<vmem>>) target_semaphore(%arg10 : memref<!tpu.dma_semaphore, #tpu.memory_space<semaphore_mem>>)
      %mul3A_422 = arith.constant 8192 : i32
      %mul3A_423 = arith.muli %while3A_415, %mul3A_422 : i32
      %dma_wait3A_424 = tpu.memref_slice %arg2[%mul3A_423] : memref<4000000xf32, #tpu.memory_space<hbm>> -> memref<8192xf32, #tpu.memory_space<hbm>>
      %dma_wait3A_425 = tpu.memref_slice %arg2[%mul3A_423] : memref<4000000xf32, #tpu.memory_space<hbm>> -> memref<8192xf32, #tpu.memory_space<hbm>>
      tpu.wait_dma2 semaphore(%arg10 : memref<!tpu.dma_semaphore, #tpu.memory_space<semaphore_mem>>) src(%dma_wait3A_425 : memref<8192xf32, #tpu.memory_space<hbm>>) dst(%arg8 : memref<8192xf32, #tpu.memory_space<vmem>>)
      %scan3A_426 = arith.constant 0 : i32
      %scan3A_427 = arith.constant 64 : i32
      %scan3A_428 = arith.addi %scan3A_426, %scan3A_427 : i32
      %scan3A_429 = arith.constant 1 : i32
      %scan3A_430:2 = scf.for %scan3A_432 = %scan3A_426 to %scan3A_428 step %scan3A_429 iter_args(%scan3A_433 = %while3A_416, %scan3A_434 = %while3A_417) -> (i32, i32)  : i32 {
        %mul3A_435 = arith.constant 8 : i32
        %mul3A_436 = arith.muli %scan3A_432, %mul3A_435 : i32
        %add3A_437 = arith.constant 0 : i32
        %add3A_438 = arith.addi %mul3A_436, %add3A_437 : i32
        %mul3A_439 = arith.constant 16 : i32
        %mul3A_440 = arith.muli %add3A_438, %mul3A_439 : i32
        %get3A_441 = arith.index_cast %mul3A_440 : i32 to index
        %get3A_442 = tpu.vector_load %arg8[%get3A_441] {strides = array<i32>} : memref<8192xf32, #tpu.memory_space<vmem>>, vector<16xf32>,
        %mul3A_443 = arith.constant 8192 : i32
        %mul3A_444 = arith.muli %while3A_415, %mul3A_443 : i32
        %mul3A_445 = arith.constant 8 : i32
        %mul3A_446 = arith.muli %scan3A_432, %mul3A_445 : i32
        %add3A_447 = arith.constant 0 : i32
        %add3A_448 = arith.addi %mul3A_446, %add3A_447 : i32
        %mul3A_449 = arith.constant 16 : i32
        %mul3A_450 = arith.muli %add3A_448, %mul3A_449 : i32
        %add3A_451 = arith.addi %mul3A_444, %mul3A_450 : i32
        %add3A_452 = vector.broadcast %add3A_451 : i32 to vector<16xi32>
        %add3A_453 = arith.addi %add3A_452, %iota3A : vector<16xi32>
        %abs3A = math.absf %get3A_442 : vector<16xf32>
        %sub3A_454 = vector.broadcast %squeeze3A_61 : f32 to vector<16xf32>
        %sub3A_455 = arith.subf %get3A_442, %sub3A_454 : vector<16xf32>
        %mul3A_456 = arith.mulf %sub3A_455, %div3A_68 : vector<16xf32>
        %add3A_457 = arith.constant 5.000000e-01 : f32
        %add3A_458 = vector.broadcast %add3A_457 : f32 to vector<16xf32>
        %add3A_459 = arith.addf %mul3A_456, %add3A_458 : vector<16xf32>
        %convert_element_type3A = arith.fptosi %add3A_459 : vector<16xf32> to vector<16xi32>
        %jit3A_460 = arith.constant 0 : i32
        %jit3A_461 = arith.constant 10 : i32
        %max3A = vector.broadcast %jit3A_460 : i32 to vector<16xi32>
        %max3A_462 = arith.maxsi %max3A, %convert_element_type3A : vector<16xi32>
        %min3A_463 = vector.broadcast %jit3A_461 : i32 to vector<16xi32>
        %min3A_464 = arith.minsi %min3A_463, %max3A_462 : vector<16xi32>
        %gather3A = tpu.vector_load_idx %arg7[%min3A_464] : memref<16xf32, #tpu.memory_space<vmem>>[vector<16xi32>], vector<16xf32>,
        %lt3A = arith.cmpf olt, %gather3A, %get3A_442 : vector<16xf32>
        %convert_element_type3A_465 = arith.extui %lt3A : vector<16xi1> to vector<16xi32>
        %add3A_466 = arith.addi %min3A_464, %convert_element_type3A_465 : vector<16xi32>
        %sub3A_467 = arith.constant 1 : i32
        %sub3A_468 = vector.broadcast %sub3A_467 : i32 to vector<16xi32>
        %sub3A_469 = arith.subi %add3A_466, %sub3A_468 : vector<16xi32>
        %jit3A_470 = arith.constant 0 : i32
        %jit3A_471 = arith.constant 9 : i32
        %max3A_472 = vector.broadcast %jit3A_470 : i32 to vector<16xi32>
        %max3A_473 = arith.maxsi %max3A_472, %sub3A_469 : vector<16xi32>
        %min3A_474 = vector.broadcast %jit3A_471 : i32 to vector<16xi32>
        %min3A_475 = arith.minsi %min3A_474, %max3A_473 : vector<16xi32>
        %mul3A_476 = arith.constant 8 : i32
        %mul3A_477 = arith.muli %scan3A_432, %mul3A_476 : i32
        %add3A_478 = arith.constant 1 : i32
        %add3A_479 = arith.addi %mul3A_477, %add3A_478 : i32
        %mul3A_480 = arith.constant 16 : i32
        %mul3A_481 = arith.muli %add3A_479, %mul3A_480 : i32
        %get3A_482 = arith.index_cast %mul3A_481 : i32 to index
        %get3A_483 = tpu.vector_load %arg8[%get3A_482] {strides = array<i32>} : memref<8192xf32, #tpu.memory_space<vmem>>, vector<16xf32>,
        %mul3A_484 = arith.constant 8192 : i32
        %mul3A_485 = arith.muli %while3A_415, %mul3A_484 : i32
        %mul3A_486 = arith.constant 8 : i32
        %mul3A_487 = arith.muli %scan3A_432, %mul3A_486 : i32
        %add3A_488 = arith.constant 1 : i32
        %add3A_489 = arith.addi %mul3A_487, %add3A_488 : i32
        %mul3A_490 = arith.constant 16 : i32
        %mul3A_491 = arith.muli %add3A_489, %mul3A_490 : i32
        %add3A_492 = arith.addi %mul3A_485, %mul3A_491 : i32
        %add3A_493 = vector.broadcast %add3A_492 : i32 to vector<16xi32>
        %add3A_494 = arith.addi %add3A_493, %iota3A : vector<16xi32>
        %abs3A_495 = math.absf %get3A_483 : vector<16xf32>
        %sub3A_496 = vector.broadcast %squeeze3A_61 : f32 to vector<16xf32>
        %sub3A_497 = arith.subf %get3A_483, %sub3A_496 : vector<16xf32>
        %mul3A_498 = arith.mulf %sub3A_497, %div3A_68 : vector<16xf32>
        %add3A_499 = arith.constant 5.000000e-01 : f32
        %add3A_500 = vector.broadcast %add3A_499 : f32 to vector<16xf32>
        %add3A_501 = arith.addf %mul3A_498, %add3A_500 : vector<16xf32>
        %convert_element_type3A_502 = arith.fptosi %add3A_501 : vector<16xf32> to vector<16xi32>
        %jit3A_503 = arith.constant 0 : i32
        %jit3A_504 = arith.constant 10 : i32
        %max3A_505 = vector.broadcast %jit3A_503 : i32 to vector<16xi32>
        %max3A_506 = arith.maxsi %max3A_505, %convert_element_type3A_502 : vector<16xi32>
        %min3A_507 = vector.broadcast %jit3A_504 : i32 to vector<16xi32>
        %min3A_508 = arith.minsi %min3A_507, %max3A_506 : vector<16xi32>
        %gather3A_509 = tpu.vector_load_idx %arg7[%min3A_508] : memref<16xf32, #tpu.memory_space<vmem>>[vector<16xi32>], vector<16xf32>,
        %lt3A_510 = arith.cmpf olt, %gather3A_509, %get3A_483 : vector<16xf32>
        %convert_element_type3A_511 = arith.extui %lt3A_510 : vector<16xi1> to vector<16xi32>
        %add3A_512 = arith.addi %min3A_508, %convert_element_type3A_511 : vector<16xi32>
        %sub3A_513 = arith.constant 1 : i32
        %sub3A_514 = vector.broadcast %sub3A_513 : i32 to vector<16xi32>
        %sub3A_515 = arith.subi %add3A_512, %sub3A_514 : vector<16xi32>
        %jit3A_516 = arith.constant 0 : i32
        %jit3A_517 = arith.constant 9 : i32
        %max3A_518 = vector.broadcast %jit3A_516 : i32 to vector<16xi32>
        %max3A_519 = arith.maxsi %max3A_518, %sub3A_515 : vector<16xi32>
        %min3A_520 = vector.broadcast %jit3A_517 : i32 to vector<16xi32>
        %min3A_521 = arith.minsi %min3A_520, %max3A_519 : vector<16xi32>
        %mul3A_522 = arith.constant 8 : i32
        %mul3A_523 = arith.muli %scan3A_432, %mul3A_522 : i32
        %add3A_524 = arith.constant 2 : i32
        %add3A_525 = arith.addi %mul3A_523, %add3A_524 : i32
        %mul3A_526 = arith.constant 16 : i32
        %mul3A_527 = arith.muli %add3A_525, %mul3A_526 : i32
        %get3A_528 = arith.index_cast %mul3A_527 : i32 to index
        %get3A_529 = tpu.vector_load %arg8[%get3A_528] {strides = array<i32>} : memref<8192xf32, #tpu.memory_space<vmem>>, vector<16xf32>,
        %mul3A_530 = arith.constant 8192 : i32
        %mul3A_531 = arith.muli %while3A_415, %mul3A_530 : i32
        %mul3A_532 = arith.constant 8 : i32
        %mul3A_533 = arith.muli %scan3A_432, %mul3A_532 : i32
        %add3A_534 = arith.constant 2 : i32
        %add3A_535 = arith.addi %mul3A_533, %add3A_534 : i32
        %mul3A_536 = arith.constant 16 : i32
        %mul3A_537 = arith.muli %add3A_535, %mul3A_536 : i32
        %add3A_538 = arith.addi %mul3A_531, %mul3A_537 : i32
        %add3A_539 = vector.broadcast %add3A_538 : i32 to vector<16xi32>
        %add3A_540 = arith.addi %add3A_539, %iota3A : vector<16xi32>
        %abs3A_541 = math.absf %get3A_529 : vector<16xf32>
        %sub3A_542 = vector.broadcast %squeeze3A_61 : f32 to vector<16xf32>
        %sub3A_543 = arith.subf %get3A_529, %sub3A_542 : vector<16xf32>
        %mul3A_544 = arith.mulf %sub3A_543, %div3A_68 : vector<16xf32>
        %add3A_545 = arith.constant 5.000000e-01 : f32
        %add3A_546 = vector.broadcast %add3A_545 : f32 to vector<16xf32>
        %add3A_547 = arith.addf %mul3A_544, %add3A_546 : vector<16xf32>
        %convert_element_type3A_548 = arith.fptosi %add3A_547 : vector<16xf32> to vector<16xi32>
        %jit3A_549 = arith.constant 0 : i32
        %jit3A_550 = arith.constant 10 : i32
        %max3A_551 = vector.broadcast %jit3A_549 : i32 to vector<16xi32>
        %max3A_552 = arith.maxsi %max3A_551, %convert_element_type3A_548 : vector<16xi32>
        %min3A_553 = vector.broadcast %jit3A_550 : i32 to vector<16xi32>
        %min3A_554 = arith.minsi %min3A_553, %max3A_552 : vector<16xi32>
        %gather3A_555 = tpu.vector_load_idx %arg7[%min3A_554] : memref<16xf32, #tpu.memory_space<vmem>>[vector<16xi32>], vector<16xf32>,
        %lt3A_556 = arith.cmpf olt, %gather3A_555, %get3A_529 : vector<16xf32>
        %convert_element_type3A_557 = arith.extui %lt3A_556 : vector<16xi1> to vector<16xi32>
        %add3A_558 = arith.addi %min3A_554, %convert_element_type3A_557 : vector<16xi32>
        %sub3A_559 = arith.constant 1 : i32
        %sub3A_560 = vector.broadcast %sub3A_559 : i32 to vector<16xi32>
        %sub3A_561 = arith.subi %add3A_558, %sub3A_560 : vector<16xi32>
        %jit3A_562 = arith.constant 0 : i32
        %jit3A_563 = arith.constant 9 : i32
        %max3A_564 = vector.broadcast %jit3A_562 : i32 to vector<16xi32>
        %max3A_565 = arith.maxsi %max3A_564, %sub3A_561 : vector<16xi32>
        %min3A_566 = vector.broadcast %jit3A_563 : i32 to vector<16xi32>
        %min3A_567 = arith.minsi %min3A_566, %max3A_565 : vector<16xi32>
        %mul3A_568 = arith.constant 8 : i32
        %mul3A_569 = arith.muli %scan3A_432, %mul3A_568 : i32
        %add3A_570 = arith.constant 3 : i32
        %add3A_571 = arith.addi %mul3A_569, %add3A_570 : i32
        %mul3A_572 = arith.constant 16 : i32
        %mul3A_573 = arith.muli %add3A_571, %mul3A_572 : i32
        %get3A_574 = arith.index_cast %mul3A_573 : i32 to index
        %get3A_575 = tpu.vector_load %arg8[%get3A_574] {strides = array<i32>} : memref<8192xf32, #tpu.memory_space<vmem>>, vector<16xf32>,
        %mul3A_576 = arith.constant 8192 : i32
        %mul3A_577 = arith.muli %while3A_415, %mul3A_576 : i32
        %mul3A_578 = arith.constant 8 : i32
        %mul3A_579 = arith.muli %scan3A_432, %mul3A_578 : i32
        %add3A_580 = arith.constant 3 : i32
        %add3A_581 = arith.addi %mul3A_579, %add3A_580 : i32
        %mul3A_582 = arith.constant 16 : i32
        %mul3A_583 = arith.muli %add3A_581, %mul3A_582 : i32
        %add3A_584 = arith.addi %mul3A_577, %mul3A_583 : i32
        %add3A_585 = vector.broadcast %add3A_584 : i32 to vector<16xi32>
        %add3A_586 = arith.addi %add3A_585, %iota3A : vector<16xi32>
        %abs3A_587 = math.absf %get3A_575 : vector<16xf32>
        %sub3A_588 = vector.broadcast %squeeze3A_61 : f32 to vector<16xf32>
        %sub3A_589 = arith.subf %get3A_575, %sub3A_588 : vector<16xf32>
        %mul3A_590 = arith.mulf %sub3A_589, %div3A_68 : vector<16xf32>
        %add3A_591 = arith.constant 5.000000e-01 : f32
        %add3A_592 = vector.broadcast %add3A_591 : f32 to vector<16xf32>
        %add3A_593 = arith.addf %mul3A_590, %add3A_592 : vector<16xf32>
        %convert_element_type3A_594 = arith.fptosi %add3A_593 : vector<16xf32> to vector<16xi32>
        %jit3A_595 = arith.constant 0 : i32
        %jit3A_596 = arith.constant 10 : i32
        %max3A_597 = vector.broadcast %jit3A_595 : i32 to vector<16xi32>
        %max3A_598 = arith.maxsi %max3A_597, %convert_element_type3A_594 : vector<16xi32>
        %min3A_599 = vector.broadcast %jit3A_596 : i32 to vector<16xi32>
        %min3A_600 = arith.minsi %min3A_599, %max3A_598 : vector<16xi32>
        %gather3A_601 = tpu.vector_load_idx %arg7[%min3A_600] : memref<16xf32, #tpu.memory_space<vmem>>[vector<16xi32>], vector<16xf32>,
        %lt3A_602 = arith.cmpf olt, %gather3A_601, %get3A_575 : vector<16xf32>
        %convert_element_type3A_603 = arith.extui %lt3A_602 : vector<16xi1> to vector<16xi32>
        %add3A_604 = arith.addi %min3A_600, %convert_element_type3A_603 : vector<16xi32>
        %sub3A_605 = arith.constant 1 : i32
        %sub3A_606 = vector.broadcast %sub3A_605 : i32 to vector<16xi32>
        %sub3A_607 = arith.subi %add3A_604, %sub3A_606 : vector<16xi32>
        %jit3A_608 = arith.constant 0 : i32
        %jit3A_609 = arith.constant 9 : i32
        %max3A_610 = vector.broadcast %jit3A_608 : i32 to vector<16xi32>
        %max3A_611 = arith.maxsi %max3A_610, %sub3A_607 : vector<16xi32>
        %min3A_612 = vector.broadcast %jit3A_609 : i32 to vector<16xi32>
        %min3A_613 = arith.minsi %min3A_612, %max3A_611 : vector<16xi32>
        %mul3A_614 = arith.constant 8 : i32
        %mul3A_615 = arith.muli %scan3A_432, %mul3A_614 : i32
        %add3A_616 = arith.constant 4 : i32
        %add3A_617 = arith.addi %mul3A_615, %add3A_616 : i32
        %mul3A_618 = arith.constant 16 : i32
        %mul3A_619 = arith.muli %add3A_617, %mul3A_618 : i32
        %get3A_620 = arith.index_cast %mul3A_619 : i32 to index
        %get3A_621 = tpu.vector_load %arg8[%get3A_620] {strides = array<i32>} : memref<8192xf32, #tpu.memory_space<vmem>>, vector<16xf32>,
        %mul3A_622 = arith.constant 8192 : i32
        %mul3A_623 = arith.muli %while3A_415, %mul3A_622 : i32
        %mul3A_624 = arith.constant 8 : i32
        %mul3A_625 = arith.muli %scan3A_432, %mul3A_624 : i32
        %add3A_626 = arith.constant 4 : i32
        %add3A_627 = arith.addi %mul3A_625, %add3A_626 : i32
        %mul3A_628 = arith.constant 16 : i32
        %mul3A_629 = arith.muli %add3A_627, %mul3A_628 : i32
        %add3A_630 = arith.addi %mul3A_623, %mul3A_629 : i32
        %add3A_631 = vector.broadcast %add3A_630 : i32 to vector<16xi32>
        %add3A_632 = arith.addi %add3A_631, %iota3A : vector<16xi32>
        %abs3A_633 = math.absf %get3A_621 : vector<16xf32>
        %sub3A_634 = vector.broadcast %squeeze3A_61 : f32 to vector<16xf32>
        %sub3A_635 = arith.subf %get3A_621, %sub3A_634 : vector<16xf32>
        %mul3A_636 = arith.mulf %sub3A_635, %div3A_68 : vector<16xf32>
        %add3A_637 = arith.constant 5.000000e-01 : f32
        %add3A_638 = vector.broadcast %add3A_637 : f32 to vector<16xf32>
        %add3A_639 = arith.addf %mul3A_636, %add3A_638 : vector<16xf32>
        %convert_element_type3A_640 = arith.fptosi %add3A_639 : vector<16xf32> to vector<16xi32>
        %jit3A_641 = arith.constant 0 : i32
        %jit3A_642 = arith.constant 10 : i32
        %max3A_643 = vector.broadcast %jit3A_641 : i32 to vector<16xi32>
        %max3A_644 = arith.maxsi %max3A_643, %convert_element_type3A_640 : vector<16xi32>
        %min3A_645 = vector.broadcast %jit3A_642 : i32 to vector<16xi32>
        %min3A_646 = arith.minsi %min3A_645, %max3A_644 : vector<16xi32>
        %gather3A_647 = tpu.vector_load_idx %arg7[%min3A_646] : memref<16xf32, #tpu.memory_space<vmem>>[vector<16xi32>], vector<16xf32>,
        %lt3A_648 = arith.cmpf olt, %gather3A_647, %get3A_621 : vector<16xf32>
        %convert_element_type3A_649 = arith.extui %lt3A_648 : vector<16xi1> to vector<16xi32>
        %add3A_650 = arith.addi %min3A_646, %convert_element_type3A_649 : vector<16xi32>
        %sub3A_651 = arith.constant 1 : i32
        %sub3A_652 = vector.broadcast %sub3A_651 : i32 to vector<16xi32>
        %sub3A_653 = arith.subi %add3A_650, %sub3A_652 : vector<16xi32>
        %jit3A_654 = arith.constant 0 : i32
        %jit3A_655 = arith.constant 9 : i32
        %max3A_656 = vector.broadcast %jit3A_654 : i32 to vector<16xi32>
        %max3A_657 = arith.maxsi %max3A_656, %sub3A_653 : vector<16xi32>
        %min3A_658 = vector.broadcast %jit3A_655 : i32 to vector<16xi32>
        %min3A_659 = arith.minsi %min3A_658, %max3A_657 : vector<16xi32>
        %mul3A_660 = arith.constant 8 : i32
        %mul3A_661 = arith.muli %scan3A_432, %mul3A_660 : i32
        %add3A_662 = arith.constant 5 : i32
        %add3A_663 = arith.addi %mul3A_661, %add3A_662 : i32
        %mul3A_664 = arith.constant 16 : i32
        %mul3A_665 = arith.muli %add3A_663, %mul3A_664 : i32
        %get3A_666 = arith.index_cast %mul3A_665 : i32 to index
        %get3A_667 = tpu.vector_load %arg8[%get3A_666] {strides = array<i32>} : memref<8192xf32, #tpu.memory_space<vmem>>, vector<16xf32>,
        %mul3A_668 = arith.constant 8192 : i32
        %mul3A_669 = arith.muli %while3A_415, %mul3A_668 : i32
        %mul3A_670 = arith.constant 8 : i32
        %mul3A_671 = arith.muli %scan3A_432, %mul3A_670 : i32
        %add3A_672 = arith.constant 5 : i32
        %add3A_673 = arith.addi %mul3A_671, %add3A_672 : i32
        %mul3A_674 = arith.constant 16 : i32
        %mul3A_675 = arith.muli %add3A_673, %mul3A_674 : i32
        %add3A_676 = arith.addi %mul3A_669, %mul3A_675 : i32
        %add3A_677 = vector.broadcast %add3A_676 : i32 to vector<16xi32>
        %add3A_678 = arith.addi %add3A_677, %iota3A : vector<16xi32>
        %abs3A_679 = math.absf %get3A_667 : vector<16xf32>
        %sub3A_680 = vector.broadcast %squeeze3A_61 : f32 to vector<16xf32>
        %sub3A_681 = arith.subf %get3A_667, %sub3A_680 : vector<16xf32>
        %mul3A_682 = arith.mulf %sub3A_681, %div3A_68 : vector<16xf32>
        %add3A_683 = arith.constant 5.000000e-01 : f32
        %add3A_684 = vector.broadcast %add3A_683 : f32 to vector<16xf32>
        %add3A_685 = arith.addf %mul3A_682, %add3A_684 : vector<16xf32>
        %convert_element_type3A_686 = arith.fptosi %add3A_685 : vector<16xf32> to vector<16xi32>
        %jit3A_687 = arith.constant 0 : i32
        %jit3A_688 = arith.constant 10 : i32
        %max3A_689 = vector.broadcast %jit3A_687 : i32 to vector<16xi32>
        %max3A_690 = arith.maxsi %max3A_689, %convert_element_type3A_686 : vector<16xi32>
        %min3A_691 = vector.broadcast %jit3A_688 : i32 to vector<16xi32>
        %min3A_692 = arith.minsi %min3A_691, %max3A_690 : vector<16xi32>
        %gather3A_693 = tpu.vector_load_idx %arg7[%min3A_692] : memref<16xf32, #tpu.memory_space<vmem>>[vector<16xi32>], vector<16xf32>,
        %lt3A_694 = arith.cmpf olt, %gather3A_693, %get3A_667 : vector<16xf32>
        %convert_element_type3A_695 = arith.extui %lt3A_694 : vector<16xi1> to vector<16xi32>
        %add3A_696 = arith.addi %min3A_692, %convert_element_type3A_695 : vector<16xi32>
        %sub3A_697 = arith.constant 1 : i32
        %sub3A_698 = vector.broadcast %sub3A_697 : i32 to vector<16xi32>
        %sub3A_699 = arith.subi %add3A_696, %sub3A_698 : vector<16xi32>
        %jit3A_700 = arith.constant 0 : i32
        %jit3A_701 = arith.constant 9 : i32
        %max3A_702 = vector.broadcast %jit3A_700 : i32 to vector<16xi32>
        %max3A_703 = arith.maxsi %max3A_702, %sub3A_699 : vector<16xi32>
        %min3A_704 = vector.broadcast %jit3A_701 : i32 to vector<16xi32>
        %min3A_705 = arith.minsi %min3A_704, %max3A_703 : vector<16xi32>
        %mul3A_706 = arith.constant 8 : i32
        %mul3A_707 = arith.muli %scan3A_432, %mul3A_706 : i32
        %add3A_708 = arith.constant 6 : i32
        %add3A_709 = arith.addi %mul3A_707, %add3A_708 : i32
        %mul3A_710 = arith.constant 16 : i32
        %mul3A_711 = arith.muli %add3A_709, %mul3A_710 : i32
        %get3A_712 = arith.index_cast %mul3A_711 : i32 to index
        %get3A_713 = tpu.vector_load %arg8[%get3A_712] {strides = array<i32>} : memref<8192xf32, #tpu.memory_space<vmem>>, vector<16xf32>,
        %mul3A_714 = arith.constant 8192 : i32
        %mul3A_715 = arith.muli %while3A_415, %mul3A_714 : i32
        %mul3A_716 = arith.constant 8 : i32
        %mul3A_717 = arith.muli %scan3A_432, %mul3A_716 : i32
        %add3A_718 = arith.constant 6 : i32
        %add3A_719 = arith.addi %mul3A_717, %add3A_718 : i32
        %mul3A_720 = arith.constant 16 : i32
        %mul3A_721 = arith.muli %add3A_719, %mul3A_720 : i32
        %add3A_722 = arith.addi %mul3A_715, %mul3A_721 : i32
        %add3A_723 = vector.broadcast %add3A_722 : i32 to vector<16xi32>
        %add3A_724 = arith.addi %add3A_723, %iota3A : vector<16xi32>
        %abs3A_725 = math.absf %get3A_713 : vector<16xf32>
        %sub3A_726 = vector.broadcast %squeeze3A_61 : f32 to vector<16xf32>
        %sub3A_727 = arith.subf %get3A_713, %sub3A_726 : vector<16xf32>
        %mul3A_728 = arith.mulf %sub3A_727, %div3A_68 : vector<16xf32>
        %add3A_729 = arith.constant 5.000000e-01 : f32
        %add3A_730 = vector.broadcast %add3A_729 : f32 to vector<16xf32>
        %add3A_731 = arith.addf %mul3A_728, %add3A_730 : vector<16xf32>
        %convert_element_type3A_732 = arith.fptosi %add3A_731 : vector<16xf32> to vector<16xi32>
        %jit3A_733 = arith.constant 0 : i32
        %jit3A_734 = arith.constant 10 : i32
        %max3A_735 = vector.broadcast %jit3A_733 : i32 to vector<16xi32>
        %max3A_736 = arith.maxsi %max3A_735, %convert_element_type3A_732 : vector<16xi32>
        %min3A_737 = vector.broadcast %jit3A_734 : i32 to vector<16xi32>
        %min3A_738 = arith.minsi %min3A_737, %max3A_736 : vector<16xi32>
        %gather3A_739 = tpu.vector_load_idx %arg7[%min3A_738] : memref<16xf32, #tpu.memory_space<vmem>>[vector<16xi32>], vector<16xf32>,
        %lt3A_740 = arith.cmpf olt, %gather3A_739, %get3A_713 : vector<16xf32>
        %convert_element_type3A_741 = arith.extui %lt3A_740 : vector<16xi1> to vector<16xi32>
        %add3A_742 = arith.addi %min3A_738, %convert_element_type3A_741 : vector<16xi32>
        %sub3A_743 = arith.constant 1 : i32
        %sub3A_744 = vector.broadcast %sub3A_743 : i32 to vector<16xi32>
        %sub3A_745 = arith.subi %add3A_742, %sub3A_744 : vector<16xi32>
        %jit3A_746 = arith.constant 0 : i32
        %jit3A_747 = arith.constant 9 : i32
        %max3A_748 = vector.broadcast %jit3A_746 : i32 to vector<16xi32>
        %max3A_749 = arith.maxsi %max3A_748, %sub3A_745 : vector<16xi32>
        %min3A_750 = vector.broadcast %jit3A_747 : i32 to vector<16xi32>
        %min3A_751 = arith.minsi %min3A_750, %max3A_749 : vector<16xi32>
        %mul3A_752 = arith.constant 8 : i32
        %mul3A_753 = arith.muli %scan3A_432, %mul3A_752 : i32
        %add3A_754 = arith.constant 7 : i32
        %add3A_755 = arith.addi %mul3A_753, %add3A_754 : i32
        %mul3A_756 = arith.constant 16 : i32
        %mul3A_757 = arith.muli %add3A_755, %mul3A_756 : i32
        %get3A_758 = arith.index_cast %mul3A_757 : i32 to index
        %get3A_759 = tpu.vector_load %arg8[%get3A_758] {strides = array<i32>} : memref<8192xf32, #tpu.memory_space<vmem>>, vector<16xf32>,
        %mul3A_760 = arith.constant 8192 : i32
        %mul3A_761 = arith.muli %while3A_415, %mul3A_760 : i32
        %mul3A_762 = arith.constant 8 : i32
        %mul3A_763 = arith.muli %scan3A_432, %mul3A_762 : i32
        %add3A_764 = arith.constant 7 : i32
        %add3A_765 = arith.addi %mul3A_763, %add3A_764 : i32
        %mul3A_766 = arith.constant 16 : i32
        %mul3A_767 = arith.muli %add3A_765, %mul3A_766 : i32
        %add3A_768 = arith.addi %mul3A_761, %mul3A_767 : i32
        %add3A_769 = vector.broadcast %add3A_768 : i32 to vector<16xi32>
        %add3A_770 = arith.addi %add3A_769, %iota3A : vector<16xi32>
        %abs3A_771 = math.absf %get3A_759 : vector<16xf32>
        %sub3A_772 = vector.broadcast %squeeze3A_61 : f32 to vector<16xf32>
        %sub3A_773 = arith.subf %get3A_759, %sub3A_772 : vector<16xf32>
        %mul3A_774 = arith.mulf %sub3A_773, %div3A_68 : vector<16xf32>
        %add3A_775 = arith.constant 5.000000e-01 : f32
        %add3A_776 = vector.broadcast %add3A_775 : f32 to vector<16xf32>
        %add3A_777 = arith.addf %mul3A_774, %add3A_776 : vector<16xf32>
        %convert_element_type3A_778 = arith.fptosi %add3A_777 : vector<16xf32> to vector<16xi32>
        %jit3A_779 = arith.constant 0 : i32
        %jit3A_780 = arith.constant 10 : i32
        %max3A_781 = vector.broadcast %jit3A_779 : i32 to vector<16xi32>
        %max3A_782 = arith.maxsi %max3A_781, %convert_element_type3A_778 : vector<16xi32>
        %min3A_783 = vector.broadcast %jit3A_780 : i32 to vector<16xi32>
        %min3A_784 = arith.minsi %min3A_783, %max3A_782 : vector<16xi32>
        %gather3A_785 = tpu.vector_load_idx %arg7[%min3A_784] : memref<16xf32, #tpu.memory_space<vmem>>[vector<16xi32>], vector<16xf32>,
        %lt3A_786 = arith.cmpf olt, %gather3A_785, %get3A_759 : vector<16xf32>
        %convert_element_type3A_787 = arith.extui %lt3A_786 : vector<16xi1> to vector<16xi32>
        %add3A_788 = arith.addi %min3A_784, %convert_element_type3A_787 : vector<16xi32>
        %sub3A_789 = arith.constant 1 : i32
        %sub3A_790 = vector.broadcast %sub3A_789 : i32 to vector<16xi32>
        %sub3A_791 = arith.subi %add3A_788, %sub3A_790 : vector<16xi32>
        %jit3A_792 = arith.constant 0 : i32
        %jit3A_793 = arith.constant 9 : i32
        %max3A_794 = vector.broadcast %jit3A_792 : i32 to vector<16xi32>
        %max3A_795 = arith.maxsi %max3A_794, %sub3A_791 : vector<16xi32>
        %min3A_796 = vector.broadcast %jit3A_793 : i32 to vector<16xi32>
        %min3A_797 = arith.minsi %min3A_796, %max3A_795 : vector<16xi32>
        %mul3A_798 = arith.constant 8192 : i32
        %mul3A_799 = arith.muli %while3A_415, %mul3A_798 : i32
        %mul3A_800 = arith.constant 8 : i32
        %mul3A_801 = arith.muli %scan3A_432, %mul3A_800 : i32
        %add3A_802 = arith.constant 8 : i32
        %add3A_803 = arith.addi %mul3A_801, %add3A_802 : i32
        %mul3A_804 = arith.constant 16 : i32
        %mul3A_805 = arith.muli %add3A_803, %mul3A_804 : i32
        %add3A_806 = arith.addi %mul3A_799, %mul3A_805 : i32
        %sub3A_807 = arith.constant 1 : i32
        %sub3A_808 = arith.subi %add3A_806, %sub3A_807 : i32
        %broadcast_in_dim3A_809 = vector.broadcast %scan3A_433 : i32 to vector<16xi32>
        %broadcast_in_dim3A_810 = vector.broadcast %scan3A_433 : i32 to vector<16xi32>
        %broadcast_in_dim3A_811 = vector.broadcast %scan3A_433 : i32 to vector<16xi32>
        %broadcast_in_dim3A_812 = vector.broadcast %scan3A_433 : i32 to vector<16xi32>
        %broadcast_in_dim3A_813 = vector.broadcast %scan3A_433 : i32 to vector<16xi32>
        %broadcast_in_dim3A_814 = vector.broadcast %scan3A_433 : i32 to vector<16xi32>
        %broadcast_in_dim3A_815 = vector.broadcast %scan3A_433 : i32 to vector<16xi32>
        %broadcast_in_dim3A_816 = vector.broadcast %scan3A_433 : i32 to vector<16xi32>
        %while3A_817:10 = scf.while (%while3A_913 = %scan3A_433, %while3A_914 = %scan3A_434, %while3A_915 = %broadcast_in_dim3A_809, %while3A_916 = %broadcast_in_dim3A_810, %while3A_917 = %broadcast_in_dim3A_811, %while3A_918 = %broadcast_in_dim3A_812, %while3A_919 = %broadcast_in_dim3A_813, %while3A_920 = %broadcast_in_dim3A_814, %while3A_921 = %broadcast_in_dim3A_815, %while3A_922 = %broadcast_in_dim3A_816) : (i32, i32, vector<16xi32>, vector<16xi32>, vector<16xi32>, vector<16xi32>, vector<16xi32>, vector<16xi32>, vector<16xi32>, vector<16xi32>) -> (i32, i32, vector<16xi32>, vector<16xi32>, vector<16xi32>, vector<16xi32>, vector<16xi32>, vector<16xi32>, vector<16xi32>, vector<16xi32>) {
          %lt3A_923 = arith.constant 2000 : i32
          %lt3A_924 = arith.cmpi slt, %while3A_913, %lt3A_923 : i32
          %le3A = arith.cmpi sle, %while3A_914, %sub3A_808 : i32
          %and3A_925 = arith.andi %lt3A_924, %le3A : i1
          scf.condition(%and3A_925) %while3A_913, %while3A_914, %while3A_915, %while3A_916, %while3A_917, %while3A_918, %while3A_919, %while3A_920, %while3A_921, %while3A_922 : i32, i32, vector<16xi32>, vector<16xi32>, vector<16xi32>, vector<16xi32>, vector<16xi32>, vector<16xi32>, vector<16xi32>, vector<16xi32>
        } do {
        ^bb0(%while3A_913: i32, %while3A_914: i32, %while3A_915: vector<16xi32>, %while3A_916: vector<16xi32>, %while3A_917: vector<16xi32>, %while3A_918: vector<16xi32>, %while3A_919: vector<16xi32>, %while3A_920: vector<16xi32>, %while3A_921: vector<16xi32>, %while3A_922: vector<16xi32>):
          %ge3A_923 = vector.broadcast %while3A_914 : i32 to vector<16xi32>
          %ge3A_924 = arith.cmpi sge, %add3A_453, %ge3A_923 : vector<16xi32>
          %convert_element_type3A_925 = arith.extui %ge3A_924 : vector<16xi1> to vector<16xi32>
          %add3A_926 = arith.addi %while3A_915, %convert_element_type3A_925 : vector<16xi32>
          %ge3A_927 = vector.broadcast %while3A_914 : i32 to vector<16xi32>
          %ge3A_928 = arith.cmpi sge, %add3A_494, %ge3A_927 : vector<16xi32>
          %convert_element_type3A_929 = arith.extui %ge3A_928 : vector<16xi1> to vector<16xi32>
          %add3A_930 = arith.addi %while3A_916, %convert_element_type3A_929 : vector<16xi32>
          %ge3A_931 = vector.broadcast %while3A_914 : i32 to vector<16xi32>
          %ge3A_932 = arith.cmpi sge, %add3A_540, %ge3A_931 : vector<16xi32>
          %convert_element_type3A_933 = arith.extui %ge3A_932 : vector<16xi1> to vector<16xi32>
          %add3A_934 = arith.addi %while3A_917, %convert_element_type3A_933 : vector<16xi32>
          %ge3A_935 = vector.broadcast %while3A_914 : i32 to vector<16xi32>
          %ge3A_936 = arith.cmpi sge, %add3A_586, %ge3A_935 : vector<16xi32>
          %convert_element_type3A_937 = arith.extui %ge3A_936 : vector<16xi1> to vector<16xi32>
          %add3A_938 = arith.addi %while3A_918, %convert_element_type3A_937 : vector<16xi32>
          %ge3A_939 = vector.broadcast %while3A_914 : i32 to vector<16xi32>
          %ge3A_940 = arith.cmpi sge, %add3A_632, %ge3A_939 : vector<16xi32>
          %convert_element_type3A_941 = arith.extui %ge3A_940 : vector<16xi1> to vector<16xi32>
          %add3A_942 = arith.addi %while3A_919, %convert_element_type3A_941 : vector<16xi32>
          %ge3A_943 = vector.broadcast %while3A_914 : i32 to vector<16xi32>
          %ge3A_944 = arith.cmpi sge, %add3A_678, %ge3A_943 : vector<16xi32>
          %convert_element_type3A_945 = arith.extui %ge3A_944 : vector<16xi1> to vector<16xi32>
          %add3A_946 = arith.addi %while3A_920, %convert_element_type3A_945 : vector<16xi32>
          %ge3A_947 = vector.broadcast %while3A_914 : i32 to vector<16xi32>
          %ge3A_948 = arith.cmpi sge, %add3A_724, %ge3A_947 : vector<16xi32>
          %convert_element_type3A_949 = arith.extui %ge3A_948 : vector<16xi1> to vector<16xi32>
          %add3A_950 = arith.addi %while3A_921, %convert_element_type3A_949 : vector<16xi32>
          %ge3A_951 = vector.broadcast %while3A_914 : i32 to vector<16xi32>
          %ge3A_952 = arith.cmpi sge, %add3A_770, %ge3A_951 : vector<16xi32>
          %convert_element_type3A_953 = arith.extui %ge3A_952 : vector<16xi1> to vector<16xi32>
          %add3A_954 = arith.addi %while3A_922, %convert_element_type3A_953 : vector<16xi32>
          %add3A_955 = arith.constant 1 : i32
          %add3A_956 = arith.addi %while3A_913, %add3A_955 : i32
          %add3A_957 = arith.constant 1 : i32
          %add3A_958 = arith.addi %add3A_956, %add3A_957 : i32
          %get3A_959 = arith.index_cast %add3A_958 : i32 to index
          %get3A_960 = tpu.vector_load %arg6[%get3A_959] {strides = array<i32>} : memref<2032xi32, #tpu.memory_space<vmem>>, vector<16xi32>,
          %slice3A_961 = vector.extract_strided_slice %get3A_960 {offsets = [0], sizes = [1], strides = [1]} : vector<16xi32> to vector<1xi32>
          %squeeze3A_962 = vector.extract %slice3A_961[0] : i32 from vector<1xi32>
          scf.yield %add3A_956, %squeeze3A_962, %add3A_926, %add3A_930, %add3A_934, %add3A_938, %add3A_942, %add3A_946, %add3A_950, %add3A_954 : i32, i32, vector<16xi32>, vector<16xi32>, vector<16xi32>, vector<16xi32>, vector<16xi32>, vector<16xi32>, vector<16xi32>, vector<16xi32>
        }
        %ge3A = vector.broadcast %squeeze3A : i32 to vector<16xi32>
        %ge3A_818 = arith.cmpi sge, %add3A_453, %ge3A : vector<16xi32>
        %jit3A_819 = arith.constant 2000 : i32
        %broadcast_in_dim3A_820 = vector.broadcast %jit3A_819 : i32 to vector<16xi32>
        %select_n3A_821 = arith.select %ge3A_818, %while3A_817#2, %broadcast_in_dim3A_820 : vector<16xi1>, vector<16xi32>
        %mul3A_822 = arith.constant 2008 : i32
        %mul3A_823 = vector.broadcast %mul3A_822 : i32 to vector<16xi32>
        %mul3A_824 = arith.muli %min3A_475, %mul3A_823 : vector<16xi32>
        %add3A_825 = arith.addi %select_n3A_821, %mul3A_824 : vector<16xi32>
        tpu.vector_store_idx %arg9[%add3A_825], %broadcast_in_dim3A_70 {add = true} : memref<40160xf32, #tpu.memory_space<vmem>>[vector<16xi32>], vector<16xf32>,
        %add3A_826 = arith.constant 20080 : i32
        %add3A_827 = vector.broadcast %add3A_826 : i32 to vector<16xi32>
        %add3A_828 = arith.addi %add3A_825, %add3A_827 : vector<16xi32>
        tpu.vector_store_idx %arg9[%add3A_828], %abs3A {add = true} : memref<40160xf32, #tpu.memory_space<vmem>>[vector<16xi32>], vector<16xf32>,
        %ge3A_829 = vector.broadcast %squeeze3A : i32 to vector<16xi32>
        %ge3A_830 = arith.cmpi sge, %add3A_494, %ge3A_829 : vector<16xi32>
        %jit3A_831 = arith.constant 2000 : i32
        %broadcast_in_dim3A_832 = vector.broadcast %jit3A_831 : i32 to vector<16xi32>
        %select_n3A_833 = arith.select %ge3A_830, %while3A_817#3, %broadcast_in_dim3A_832 : vector<16xi1>, vector<16xi32>
        %mul3A_834 = arith.constant 2008 : i32
        %mul3A_835 = vector.broadcast %mul3A_834 : i32 to vector<16xi32>
        %mul3A_836 = arith.muli %min3A_521, %mul3A_835 : vector<16xi32>
        %add3A_837 = arith.addi %select_n3A_833, %mul3A_836 : vector<16xi32>
        tpu.vector_store_idx %arg9[%add3A_837], %broadcast_in_dim3A_70 {add = true} : memref<40160xf32, #tpu.memory_space<vmem>>[vector<16xi32>], vector<16xf32>,
        %add3A_838 = arith.constant 20080 : i32
        %add3A_839 = vector.broadcast %add3A_838 : i32 to vector<16xi32>
        %add3A_840 = arith.addi %add3A_837, %add3A_839 : vector<16xi32>
        tpu.vector_store_idx %arg9[%add3A_840], %abs3A_495 {add = true} : memref<40160xf32, #tpu.memory_space<vmem>>[vector<16xi32>], vector<16xf32>,
        %ge3A_841 = vector.broadcast %squeeze3A : i32 to vector<16xi32>
        %ge3A_842 = arith.cmpi sge, %add3A_540, %ge3A_841 : vector<16xi32>
        %jit3A_843 = arith.constant 2000 : i32
        %broadcast_in_dim3A_844 = vector.broadcast %jit3A_843 : i32 to vector<16xi32>
        %select_n3A_845 = arith.select %ge3A_842, %while3A_817#4, %broadcast_in_dim3A_844 : vector<16xi1>, vector<16xi32>
        %mul3A_846 = arith.constant 2008 : i32
        %mul3A_847 = vector.broadcast %mul3A_846 : i32 to vector<16xi32>
        %mul3A_848 = arith.muli %min3A_567, %mul3A_847 : vector<16xi32>
        %add3A_849 = arith.addi %select_n3A_845, %mul3A_848 : vector<16xi32>
        tpu.vector_store_idx %arg9[%add3A_849], %broadcast_in_dim3A_70 {add = true} : memref<40160xf32, #tpu.memory_space<vmem>>[vector<16xi32>], vector<16xf32>,
        %add3A_850 = arith.constant 20080 : i32
        %add3A_851 = vector.broadcast %add3A_850 : i32 to vector<16xi32>
        %add3A_852 = arith.addi %add3A_849, %add3A_851 : vector<16xi32>
        tpu.vector_store_idx %arg9[%add3A_852], %abs3A_541 {add = true} : memref<40160xf32, #tpu.memory_space<vmem>>[vector<16xi32>], vector<16xf32>,
        %ge3A_853 = vector.broadcast %squeeze3A : i32 to vector<16xi32>
        %ge3A_854 = arith.cmpi sge, %add3A_586, %ge3A_853 : vector<16xi32>
        %jit3A_855 = arith.constant 2000 : i32
        %broadcast_in_dim3A_856 = vector.broadcast %jit3A_855 : i32 to vector<16xi32>
        %select_n3A_857 = arith.select %ge3A_854, %while3A_817#5, %broadcast_in_dim3A_856 : vector<16xi1>, vector<16xi32>
        %mul3A_858 = arith.constant 2008 : i32
        %mul3A_859 = vector.broadcast %mul3A_858 : i32 to vector<16xi32>
        %mul3A_860 = arith.muli %min3A_613, %mul3A_859 : vector<16xi32>
        %add3A_861 = arith.addi %select_n3A_857, %mul3A_860 : vector<16xi32>
        tpu.vector_store_idx %arg9[%add3A_861], %broadcast_in_dim3A_70 {add = true} : memref<40160xf32, #tpu.memory_space<vmem>>[vector<16xi32>], vector<16xf32>,
        %add3A_862 = arith.constant 20080 : i32
        %add3A_863 = vector.broadcast %add3A_862 : i32 to vector<16xi32>
        %add3A_864 = arith.addi %add3A_861, %add3A_863 : vector<16xi32>
        tpu.vector_store_idx %arg9[%add3A_864], %abs3A_587 {add = true} : memref<40160xf32, #tpu.memory_space<vmem>>[vector<16xi32>], vector<16xf32>,
        %ge3A_865 = vector.broadcast %squeeze3A : i32 to vector<16xi32>
        %ge3A_866 = arith.cmpi sge, %add3A_632, %ge3A_865 : vector<16xi32>
        %jit3A_867 = arith.constant 2000 : i32
        %broadcast_in_dim3A_868 = vector.broadcast %jit3A_867 : i32 to vector<16xi32>
        %select_n3A_869 = arith.select %ge3A_866, %while3A_817#6, %broadcast_in_dim3A_868 : vector<16xi1>, vector<16xi32>
        %mul3A_870 = arith.constant 2008 : i32
        %mul3A_871 = vector.broadcast %mul3A_870 : i32 to vector<16xi32>
        %mul3A_872 = arith.muli %min3A_659, %mul3A_871 : vector<16xi32>
        %add3A_873 = arith.addi %select_n3A_869, %mul3A_872 : vector<16xi32>
        tpu.vector_store_idx %arg9[%add3A_873], %broadcast_in_dim3A_70 {add = true} : memref<40160xf32, #tpu.memory_space<vmem>>[vector<16xi32>], vector<16xf32>,
        %add3A_874 = arith.constant 20080 : i32
        %add3A_875 = vector.broadcast %add3A_874 : i32 to vector<16xi32>
        %add3A_876 = arith.addi %add3A_873, %add3A_875 : vector<16xi32>
        tpu.vector_store_idx %arg9[%add3A_876], %abs3A_633 {add = true} : memref<40160xf32, #tpu.memory_space<vmem>>[vector<16xi32>], vector<16xf32>,
        %ge3A_877 = vector.broadcast %squeeze3A : i32 to vector<16xi32>
        %ge3A_878 = arith.cmpi sge, %add3A_678, %ge3A_877 : vector<16xi32>
        %jit3A_879 = arith.constant 2000 : i32
        %broadcast_in_dim3A_880 = vector.broadcast %jit3A_879 : i32 to vector<16xi32>
        %select_n3A_881 = arith.select %ge3A_878, %while3A_817#7, %broadcast_in_dim3A_880 : vector<16xi1>, vector<16xi32>
        %mul3A_882 = arith.constant 2008 : i32
        %mul3A_883 = vector.broadcast %mul3A_882 : i32 to vector<16xi32>
        %mul3A_884 = arith.muli %min3A_705, %mul3A_883 : vector<16xi32>
        %add3A_885 = arith.addi %select_n3A_881, %mul3A_884 : vector<16xi32>
        tpu.vector_store_idx %arg9[%add3A_885], %broadcast_in_dim3A_70 {add = true} : memref<40160xf32, #tpu.memory_space<vmem>>[vector<16xi32>], vector<16xf32>,
        %add3A_886 = arith.constant 20080 : i32
        %add3A_887 = vector.broadcast %add3A_886 : i32 to vector<16xi32>
        %add3A_888 = arith.addi %add3A_885, %add3A_887 : vector<16xi32>
        tpu.vector_store_idx %arg9[%add3A_888], %abs3A_679 {add = true} : memref<40160xf32, #tpu.memory_space<vmem>>[vector<16xi32>], vector<16xf32>,
        %ge3A_889 = vector.broadcast %squeeze3A : i32 to vector<16xi32>
        %ge3A_890 = arith.cmpi sge, %add3A_724, %ge3A_889 : vector<16xi32>
        %jit3A_891 = arith.constant 2000 : i32
        %broadcast_in_dim3A_892 = vector.broadcast %jit3A_891 : i32 to vector<16xi32>
        %select_n3A_893 = arith.select %ge3A_890, %while3A_817#8, %broadcast_in_dim3A_892 : vector<16xi1>, vector<16xi32>
        %mul3A_894 = arith.constant 2008 : i32
        %mul3A_895 = vector.broadcast %mul3A_894 : i32 to vector<16xi32>
        %mul3A_896 = arith.muli %min3A_751, %mul3A_895 : vector<16xi32>
        %add3A_897 = arith.addi %select_n3A_893, %mul3A_896 : vector<16xi32>
        tpu.vector_store_idx %arg9[%add3A_897], %broadcast_in_dim3A_70 {add = true} : memref<40160xf32, #tpu.memory_space<vmem>>[vector<16xi32>], vector<16xf32>,
        %add3A_898 = arith.constant 20080 : i32
        %add3A_899 = vector.broadcast %add3A_898 : i32 to vector<16xi32>
        %add3A_900 = arith.addi %add3A_897, %add3A_899 : vector<16xi32>
        tpu.vector_store_idx %arg9[%add3A_900], %abs3A_725 {add = true} : memref<40160xf32, #tpu.memory_space<vmem>>[vector<16xi32>], vector<16xf32>,
        %ge3A_901 = vector.broadcast %squeeze3A : i32 to vector<16xi32>
        %ge3A_902 = arith.cmpi sge, %add3A_770, %ge3A_901 : vector<16xi32>
        %jit3A_903 = arith.constant 2000 : i32
        %broadcast_in_dim3A_904 = vector.broadcast %jit3A_903 : i32 to vector<16xi32>
        %select_n3A_905 = arith.select %ge3A_902, %while3A_817#9, %broadcast_in_dim3A_904 : vector<16xi1>, vector<16xi32>
        %mul3A_906 = arith.constant 2008 : i32
        %mul3A_907 = vector.broadcast %mul3A_906 : i32 to vector<16xi32>
        %mul3A_908 = arith.muli %min3A_797, %mul3A_907 : vector<16xi32>
        %add3A_909 = arith.addi %select_n3A_905, %mul3A_908 : vector<16xi32>
        tpu.vector_store_idx %arg9[%add3A_909], %broadcast_in_dim3A_70 {add = true} : memref<40160xf32, #tpu.memory_space<vmem>>[vector<16xi32>], vector<16xf32>,
        %add3A_910 = arith.constant 20080 : i32
        %add3A_911 = vector.broadcast %add3A_910 : i32 to vector<16xi32>
        %add3A_912 = arith.addi %add3A_909, %add3A_911 : vector<16xi32>
        tpu.vector_store_idx %arg9[%add3A_912], %abs3A_771 {add = true} : memref<40160xf32, #tpu.memory_space<vmem>>[vector<16xi32>], vector<16xf32>,
        scf.yield %while3A_817#0, %while3A_817#1 : i32, i32
      }
      %scan3A_431 = arith.constant 64 : i32
      scf.yield %scan3A_430#0, %scan3A_430#1 : i32, i32
    }
    %while3A_83 = arith.constant 1 : i32
    %while3A_84:2 = scf.for %while3A_415 = %while3A_80 to %while3A_76 step %while3A_83 iter_args(%while3A_416 = %while3A_82#0, %while3A_417 = %while3A_82#1) -> (i32, i32)  : i32 {
      %mul3A_418 = arith.constant 8192 : i32
      %mul3A_419 = arith.muli %while3A_415, %mul3A_418 : i32
      %dma_start3A_420 = tpu.memref_slice %arg2[%mul3A_419] : memref<4000000xf32, #tpu.memory_space<hbm>> -> memref<8192xf32, #tpu.memory_space<hbm>>
      %dma_start3A_421 = tpu.memref_slice %arg2[%mul3A_419] : memref<4000000xf32, #tpu.memory_space<hbm>> -> memref<8192xf32, #tpu.memory_space<hbm>>
      tpu.enqueue_dma source(%dma_start3A_421 : memref<8192xf32, #tpu.memory_space<hbm>>) target(%arg8 : memref<8192xf32, #tpu.memory_space<vmem>>) target_semaphore(%arg10 : memref<!tpu.dma_semaphore, #tpu.memory_space<semaphore_mem>>)
      %mul3A_422 = arith.constant 8192 : i32
      %mul3A_423 = arith.muli %while3A_415, %mul3A_422 : i32
      %dma_wait3A_424 = tpu.memref_slice %arg2[%mul3A_423] : memref<4000000xf32, #tpu.memory_space<hbm>> -> memref<8192xf32, #tpu.memory_space<hbm>>
      %dma_wait3A_425 = tpu.memref_slice %arg2[%mul3A_423] : memref<4000000xf32, #tpu.memory_space<hbm>> -> memref<8192xf32, #tpu.memory_space<hbm>>
      tpu.wait_dma2 semaphore(%arg10 : memref<!tpu.dma_semaphore, #tpu.memory_space<semaphore_mem>>) src(%dma_wait3A_425 : memref<8192xf32, #tpu.memory_space<hbm>>) dst(%arg8 : memref<8192xf32, #tpu.memory_space<vmem>>)
      %scan3A_426 = arith.constant 0 : i32
      %scan3A_427 = arith.constant 64 : i32
      %scan3A_428 = arith.addi %scan3A_426, %scan3A_427 : i32
      %scan3A_429 = arith.constant 1 : i32
      %scan3A_430:2 = scf.for %scan3A_432 = %scan3A_426 to %scan3A_428 step %scan3A_429 iter_args(%scan3A_433 = %while3A_416, %scan3A_434 = %while3A_417) -> (i32, i32)  : i32 {
        %mul3A_435 = arith.constant 8 : i32
        %mul3A_436 = arith.muli %scan3A_432, %mul3A_435 : i32
        %add3A_437 = arith.constant 0 : i32
        %add3A_438 = arith.addi %mul3A_436, %add3A_437 : i32
        %mul3A_439 = arith.constant 16 : i32
        %mul3A_440 = arith.muli %add3A_438, %mul3A_439 : i32
        %get3A_441 = arith.index_cast %mul3A_440 : i32 to index
        %get3A_442 = tpu.vector_load %arg8[%get3A_441] {strides = array<i32>} : memref<8192xf32, #tpu.memory_space<vmem>>, vector<16xf32>,
        %mul3A_443 = arith.constant 8192 : i32
        %mul3A_444 = arith.muli %while3A_415, %mul3A_443 : i32
        %mul3A_445 = arith.constant 8 : i32
        %mul3A_446 = arith.muli %scan3A_432, %mul3A_445 : i32
        %add3A_447 = arith.constant 0 : i32
        %add3A_448 = arith.addi %mul3A_446, %add3A_447 : i32
        %mul3A_449 = arith.constant 16 : i32
        %mul3A_450 = arith.muli %add3A_448, %mul3A_449 : i32
        %add3A_451 = arith.addi %mul3A_444, %mul3A_450 : i32
        %add3A_452 = vector.broadcast %add3A_451 : i32 to vector<16xi32>
        %add3A_453 = arith.addi %add3A_452, %iota3A : vector<16xi32>
        %abs3A = math.absf %get3A_442 : vector<16xf32>
        %sub3A_454 = vector.broadcast %squeeze3A_61 : f32 to vector<16xf32>
        %sub3A_455 = arith.subf %get3A_442, %sub3A_454 : vector<16xf32>
        %mul3A_456 = arith.mulf %sub3A_455, %div3A_68 : vector<16xf32>
        %add3A_457 = arith.constant 5.000000e-01 : f32
        %add3A_458 = vector.broadcast %add3A_457 : f32 to vector<16xf32>
        %add3A_459 = arith.addf %mul3A_456, %add3A_458 : vector<16xf32>
        %convert_element_type3A = arith.fptosi %add3A_459 : vector<16xf32> to vector<16xi32>
        %jit3A_460 = arith.constant 0 : i32
        %jit3A_461 = arith.constant 10 : i32
        %max3A = vector.broadcast %jit3A_460 : i32 to vector<16xi32>
        %max3A_462 = arith.maxsi %max3A, %convert_element_type3A : vector<16xi32>
        %min3A_463 = vector.broadcast %jit3A_461 : i32 to vector<16xi32>
        %min3A_464 = arith.minsi %min3A_463, %max3A_462 : vector<16xi32>
        %gather3A = tpu.vector_load_idx %arg7[%min3A_464] : memref<16xf32, #tpu.memory_space<vmem>>[vector<16xi32>], vector<16xf32>,
        %lt3A = arith.cmpf olt, %gather3A, %get3A_442 : vector<16xf32>
        %convert_element_type3A_465 = arith.extui %lt3A : vector<16xi1> to vector<16xi32>
        %add3A_466 = arith.addi %min3A_464, %convert_element_type3A_465 : vector<16xi32>
        %sub3A_467 = arith.constant 1 : i32
        %sub3A_468 = vector.broadcast %sub3A_467 : i32 to vector<16xi32>
        %sub3A_469 = arith.subi %add3A_466, %sub3A_468 : vector<16xi32>
        %jit3A_470 = arith.constant 0 : i32
        %jit3A_471 = arith.constant 9 : i32
        %max3A_472 = vector.broadcast %jit3A_470 : i32 to vector<16xi32>
        %max3A_473 = arith.maxsi %max3A_472, %sub3A_469 : vector<16xi32>
        %min3A_474 = vector.broadcast %jit3A_471 : i32 to vector<16xi32>
        %min3A_475 = arith.minsi %min3A_474, %max3A_473 : vector<16xi32>
        %mul3A_476 = arith.constant 8 : i32
        %mul3A_477 = arith.muli %scan3A_432, %mul3A_476 : i32
        %add3A_478 = arith.constant 1 : i32
        %add3A_479 = arith.addi %mul3A_477, %add3A_478 : i32
        %mul3A_480 = arith.constant 16 : i32
        %mul3A_481 = arith.muli %add3A_479, %mul3A_480 : i32
        %get3A_482 = arith.index_cast %mul3A_481 : i32 to index
        %get3A_483 = tpu.vector_load %arg8[%get3A_482] {strides = array<i32>} : memref<8192xf32, #tpu.memory_space<vmem>>, vector<16xf32>,
        %mul3A_484 = arith.constant 8192 : i32
        %mul3A_485 = arith.muli %while3A_415, %mul3A_484 : i32
        %mul3A_486 = arith.constant 8 : i32
        %mul3A_487 = arith.muli %scan3A_432, %mul3A_486 : i32
        %add3A_488 = arith.constant 1 : i32
        %add3A_489 = arith.addi %mul3A_487, %add3A_488 : i32
        %mul3A_490 = arith.constant 16 : i32
        %mul3A_491 = arith.muli %add3A_489, %mul3A_490 : i32
        %add3A_492 = arith.addi %mul3A_485, %mul3A_491 : i32
        %add3A_493 = vector.broadcast %add3A_492 : i32 to vector<16xi32>
        %add3A_494 = arith.addi %add3A_493, %iota3A : vector<16xi32>
        %abs3A_495 = math.absf %get3A_483 : vector<16xf32>
        %sub3A_496 = vector.broadcast %squeeze3A_61 : f32 to vector<16xf32>
        %sub3A_497 = arith.subf %get3A_483, %sub3A_496 : vector<16xf32>
        %mul3A_498 = arith.mulf %sub3A_497, %div3A_68 : vector<16xf32>
        %add3A_499 = arith.constant 5.000000e-01 : f32
        %add3A_500 = vector.broadcast %add3A_499 : f32 to vector<16xf32>
        %add3A_501 = arith.addf %mul3A_498, %add3A_500 : vector<16xf32>
        %convert_element_type3A_502 = arith.fptosi %add3A_501 : vector<16xf32> to vector<16xi32>
        %jit3A_503 = arith.constant 0 : i32
        %jit3A_504 = arith.constant 10 : i32
        %max3A_505 = vector.broadcast %jit3A_503 : i32 to vector<16xi32>
        %max3A_506 = arith.maxsi %max3A_505, %convert_element_type3A_502 : vector<16xi32>
        %min3A_507 = vector.broadcast %jit3A_504 : i32 to vector<16xi32>
        %min3A_508 = arith.minsi %min3A_507, %max3A_506 : vector<16xi32>
        %gather3A_509 = tpu.vector_load_idx %arg7[%min3A_508] : memref<16xf32, #tpu.memory_space<vmem>>[vector<16xi32>], vector<16xf32>,
        %lt3A_510 = arith.cmpf olt, %gather3A_509, %get3A_483 : vector<16xf32>
        %convert_element_type3A_511 = arith.extui %lt3A_510 : vector<16xi1> to vector<16xi32>
        %add3A_512 = arith.addi %min3A_508, %convert_element_type3A_511 : vector<16xi32>
        %sub3A_513 = arith.constant 1 : i32
        %sub3A_514 = vector.broadcast %sub3A_513 : i32 to vector<16xi32>
        %sub3A_515 = arith.subi %add3A_512, %sub3A_514 : vector<16xi32>
        %jit3A_516 = arith.constant 0 : i32
        %jit3A_517 = arith.constant 9 : i32
        %max3A_518 = vector.broadcast %jit3A_516 : i32 to vector<16xi32>
        %max3A_519 = arith.maxsi %max3A_518, %sub3A_515 : vector<16xi32>
        %min3A_520 = vector.broadcast %jit3A_517 : i32 to vector<16xi32>
        %min3A_521 = arith.minsi %min3A_520, %max3A_519 : vector<16xi32>
        %mul3A_522 = arith.constant 8 : i32
        %mul3A_523 = arith.muli %scan3A_432, %mul3A_522 : i32
        %add3A_524 = arith.constant 2 : i32
        %add3A_525 = arith.addi %mul3A_523, %add3A_524 : i32
        %mul3A_526 = arith.constant 16 : i32
        %mul3A_527 = arith.muli %add3A_525, %mul3A_526 : i32
        %get3A_528 = arith.index_cast %mul3A_527 : i32 to index
        %get3A_529 = tpu.vector_load %arg8[%get3A_528] {strides = array<i32>} : memref<8192xf32, #tpu.memory_space<vmem>>, vector<16xf32>,
        %mul3A_530 = arith.constant 8192 : i32
        %mul3A_531 = arith.muli %while3A_415, %mul3A_530 : i32
        %mul3A_532 = arith.constant 8 : i32
        %mul3A_533 = arith.muli %scan3A_432, %mul3A_532 : i32
        %add3A_534 = arith.constant 2 : i32
        %add3A_535 = arith.addi %mul3A_533, %add3A_534 : i32
        %mul3A_536 = arith.constant 16 : i32
        %mul3A_537 = arith.muli %add3A_535, %mul3A_536 : i32
        %add3A_538 = arith.addi %mul3A_531, %mul3A_537 : i32
        %add3A_539 = vector.broadcast %add3A_538 : i32 to vector<16xi32>
        %add3A_540 = arith.addi %add3A_539, %iota3A : vector<16xi32>
        %abs3A_541 = math.absf %get3A_529 : vector<16xf32>
        %sub3A_542 = vector.broadcast %squeeze3A_61 : f32 to vector<16xf32>
        %sub3A_543 = arith.subf %get3A_529, %sub3A_542 : vector<16xf32>
        %mul3A_544 = arith.mulf %sub3A_543, %div3A_68 : vector<16xf32>
        %add3A_545 = arith.constant 5.000000e-01 : f32
        %add3A_546 = vector.broadcast %add3A_545 : f32 to vector<16xf32>
        %add3A_547 = arith.addf %mul3A_544, %add3A_546 : vector<16xf32>
        %convert_element_type3A_548 = arith.fptosi %add3A_547 : vector<16xf32> to vector<16xi32>
        %jit3A_549 = arith.constant 0 : i32
        %jit3A_550 = arith.constant 10 : i32
        %max3A_551 = vector.broadcast %jit3A_549 : i32 to vector<16xi32>
        %max3A_552 = arith.maxsi %max3A_551, %convert_element_type3A_548 : vector<16xi32>
        %min3A_553 = vector.broadcast %jit3A_550 : i32 to vector<16xi32>
        %min3A_554 = arith.minsi %min3A_553, %max3A_552 : vector<16xi32>
        %gather3A_555 = tpu.vector_load_idx %arg7[%min3A_554] : memref<16xf32, #tpu.memory_space<vmem>>[vector<16xi32>], vector<16xf32>,
        %lt3A_556 = arith.cmpf olt, %gather3A_555, %get3A_529 : vector<16xf32>
        %convert_element_type3A_557 = arith.extui %lt3A_556 : vector<16xi1> to vector<16xi32>
        %add3A_558 = arith.addi %min3A_554, %convert_element_type3A_557 : vector<16xi32>
        %sub3A_559 = arith.constant 1 : i32
        %sub3A_560 = vector.broadcast %sub3A_559 : i32 to vector<16xi32>
        %sub3A_561 = arith.subi %add3A_558, %sub3A_560 : vector<16xi32>
        %jit3A_562 = arith.constant 0 : i32
        %jit3A_563 = arith.constant 9 : i32
        %max3A_564 = vector.broadcast %jit3A_562 : i32 to vector<16xi32>
        %max3A_565 = arith.maxsi %max3A_564, %sub3A_561 : vector<16xi32>
        %min3A_566 = vector.broadcast %jit3A_563 : i32 to vector<16xi32>
        %min3A_567 = arith.minsi %min3A_566, %max3A_565 : vector<16xi32>
        %mul3A_568 = arith.constant 8 : i32
        %mul3A_569 = arith.muli %scan3A_432, %mul3A_568 : i32
        %add3A_570 = arith.constant 3 : i32
        %add3A_571 = arith.addi %mul3A_569, %add3A_570 : i32
        %mul3A_572 = arith.constant 16 : i32
        %mul3A_573 = arith.muli %add3A_571, %mul3A_572 : i32
        %get3A_574 = arith.index_cast %mul3A_573 : i32 to index
        %get3A_575 = tpu.vector_load %arg8[%get3A_574] {strides = array<i32>} : memref<8192xf32, #tpu.memory_space<vmem>>, vector<16xf32>,
        %mul3A_576 = arith.constant 8192 : i32
        %mul3A_577 = arith.muli %while3A_415, %mul3A_576 : i32
        %mul3A_578 = arith.constant 8 : i32
        %mul3A_579 = arith.muli %scan3A_432, %mul3A_578 : i32
        %add3A_580 = arith.constant 3 : i32
        %add3A_581 = arith.addi %mul3A_579, %add3A_580 : i32
        %mul3A_582 = arith.constant 16 : i32
        %mul3A_583 = arith.muli %add3A_581, %mul3A_582 : i32
        %add3A_584 = arith.addi %mul3A_577, %mul3A_583 : i32
        %add3A_585 = vector.broadcast %add3A_584 : i32 to vector<16xi32>
        %add3A_586 = arith.addi %add3A_585, %iota3A : vector<16xi32>
        %abs3A_587 = math.absf %get3A_575 : vector<16xf32>
        %sub3A_588 = vector.broadcast %squeeze3A_61 : f32 to vector<16xf32>
        %sub3A_589 = arith.subf %get3A_575, %sub3A_588 : vector<16xf32>
        %mul3A_590 = arith.mulf %sub3A_589, %div3A_68 : vector<16xf32>
        %add3A_591 = arith.constant 5.000000e-01 : f32
        %add3A_592 = vector.broadcast %add3A_591 : f32 to vector<16xf32>
        %add3A_593 = arith.addf %mul3A_590, %add3A_592 : vector<16xf32>
        %convert_element_type3A_594 = arith.fptosi %add3A_593 : vector<16xf32> to vector<16xi32>
        %jit3A_595 = arith.constant 0 : i32
        %jit3A_596 = arith.constant 10 : i32
        %max3A_597 = vector.broadcast %jit3A_595 : i32 to vector<16xi32>
        %max3A_598 = arith.maxsi %max3A_597, %convert_element_type3A_594 : vector<16xi32>
        %min3A_599 = vector.broadcast %jit3A_596 : i32 to vector<16xi32>
        %min3A_600 = arith.minsi %min3A_599, %max3A_598 : vector<16xi32>
        %gather3A_601 = tpu.vector_load_idx %arg7[%min3A_600] : memref<16xf32, #tpu.memory_space<vmem>>[vector<16xi32>], vector<16xf32>,
        %lt3A_602 = arith.cmpf olt, %gather3A_601, %get3A_575 : vector<16xf32>
        %convert_element_type3A_603 = arith.extui %lt3A_602 : vector<16xi1> to vector<16xi32>
        %add3A_604 = arith.addi %min3A_600, %convert_element_type3A_603 : vector<16xi32>
        %sub3A_605 = arith.constant 1 : i32
        %sub3A_606 = vector.broadcast %sub3A_605 : i32 to vector<16xi32>
        %sub3A_607 = arith.subi %add3A_604, %sub3A_606 : vector<16xi32>
        %jit3A_608 = arith.constant 0 : i32
        %jit3A_609 = arith.constant 9 : i32
        %max3A_610 = vector.broadcast %jit3A_608 : i32 to vector<16xi32>
        %max3A_611 = arith.maxsi %max3A_610, %sub3A_607 : vector<16xi32>
        %min3A_612 = vector.broadcast %jit3A_609 : i32 to vector<16xi32>
        %min3A_613 = arith.minsi %min3A_612, %max3A_611 : vector<16xi32>
        %mul3A_614 = arith.constant 8 : i32
        %mul3A_615 = arith.muli %scan3A_432, %mul3A_614 : i32
        %add3A_616 = arith.constant 4 : i32
        %add3A_617 = arith.addi %mul3A_615, %add3A_616 : i32
        %mul3A_618 = arith.constant 16 : i32
        %mul3A_619 = arith.muli %add3A_617, %mul3A_618 : i32
        %get3A_620 = arith.index_cast %mul3A_619 : i32 to index
        %get3A_621 = tpu.vector_load %arg8[%get3A_620] {strides = array<i32>} : memref<8192xf32, #tpu.memory_space<vmem>>, vector<16xf32>,
        %mul3A_622 = arith.constant 8192 : i32
        %mul3A_623 = arith.muli %while3A_415, %mul3A_622 : i32
        %mul3A_624 = arith.constant 8 : i32
        %mul3A_625 = arith.muli %scan3A_432, %mul3A_624 : i32
        %add3A_626 = arith.constant 4 : i32
        %add3A_627 = arith.addi %mul3A_625, %add3A_626 : i32
        %mul3A_628 = arith.constant 16 : i32
        %mul3A_629 = arith.muli %add3A_627, %mul3A_628 : i32
        %add3A_630 = arith.addi %mul3A_623, %mul3A_629 : i32
        %add3A_631 = vector.broadcast %add3A_630 : i32 to vector<16xi32>
        %add3A_632 = arith.addi %add3A_631, %iota3A : vector<16xi32>
        %abs3A_633 = math.absf %get3A_621 : vector<16xf32>
        %sub3A_634 = vector.broadcast %squeeze3A_61 : f32 to vector<16xf32>
        %sub3A_635 = arith.subf %get3A_621, %sub3A_634 : vector<16xf32>
        %mul3A_636 = arith.mulf %sub3A_635, %div3A_68 : vector<16xf32>
        %add3A_637 = arith.constant 5.000000e-01 : f32
        %add3A_638 = vector.broadcast %add3A_637 : f32 to vector<16xf32>
        %add3A_639 = arith.addf %mul3A_636, %add3A_638 : vector<16xf32>
        %convert_element_type3A_640 = arith.fptosi %add3A_639 : vector<16xf32> to vector<16xi32>
        %jit3A_641 = arith.constant 0 : i32
        %jit3A_642 = arith.constant 10 : i32
        %max3A_643 = vector.broadcast %jit3A_641 : i32 to vector<16xi32>
        %max3A_644 = arith.maxsi %max3A_643, %convert_element_type3A_640 : vector<16xi32>
        %min3A_645 = vector.broadcast %jit3A_642 : i32 to vector<16xi32>
        %min3A_646 = arith.minsi %min3A_645, %max3A_644 : vector<16xi32>
        %gather3A_647 = tpu.vector_load_idx %arg7[%min3A_646] : memref<16xf32, #tpu.memory_space<vmem>>[vector<16xi32>], vector<16xf32>,
        %lt3A_648 = arith.cmpf olt, %gather3A_647, %get3A_621 : vector<16xf32>
        %convert_element_type3A_649 = arith.extui %lt3A_648 : vector<16xi1> to vector<16xi32>
        %add3A_650 = arith.addi %min3A_646, %convert_element_type3A_649 : vector<16xi32>
        %sub3A_651 = arith.constant 1 : i32
        %sub3A_652 = vector.broadcast %sub3A_651 : i32 to vector<16xi32>
        %sub3A_653 = arith.subi %add3A_650, %sub3A_652 : vector<16xi32>
        %jit3A_654 = arith.constant 0 : i32
        %jit3A_655 = arith.constant 9 : i32
        %max3A_656 = vector.broadcast %jit3A_654 : i32 to vector<16xi32>
        %max3A_657 = arith.maxsi %max3A_656, %sub3A_653 : vector<16xi32>
        %min3A_658 = vector.broadcast %jit3A_655 : i32 to vector<16xi32>
        %min3A_659 = arith.minsi %min3A_658, %max3A_657 : vector<16xi32>
        %mul3A_660 = arith.constant 8 : i32
        %mul3A_661 = arith.muli %scan3A_432, %mul3A_660 : i32
        %add3A_662 = arith.constant 5 : i32
        %add3A_663 = arith.addi %mul3A_661, %add3A_662 : i32
        %mul3A_664 = arith.constant 16 : i32
        %mul3A_665 = arith.muli %add3A_663, %mul3A_664 : i32
        %get3A_666 = arith.index_cast %mul3A_665 : i32 to index
        %get3A_667 = tpu.vector_load %arg8[%get3A_666] {strides = array<i32>} : memref<8192xf32, #tpu.memory_space<vmem>>, vector<16xf32>,
        %mul3A_668 = arith.constant 8192 : i32
        %mul3A_669 = arith.muli %while3A_415, %mul3A_668 : i32
        %mul3A_670 = arith.constant 8 : i32
        %mul3A_671 = arith.muli %scan3A_432, %mul3A_670 : i32
        %add3A_672 = arith.constant 5 : i32
        %add3A_673 = arith.addi %mul3A_671, %add3A_672 : i32
        %mul3A_674 = arith.constant 16 : i32
        %mul3A_675 = arith.muli %add3A_673, %mul3A_674 : i32
        %add3A_676 = arith.addi %mul3A_669, %mul3A_675 : i32
        %add3A_677 = vector.broadcast %add3A_676 : i32 to vector<16xi32>
        %add3A_678 = arith.addi %add3A_677, %iota3A : vector<16xi32>
        %abs3A_679 = math.absf %get3A_667 : vector<16xf32>
        %sub3A_680 = vector.broadcast %squeeze3A_61 : f32 to vector<16xf32>
        %sub3A_681 = arith.subf %get3A_667, %sub3A_680 : vector<16xf32>
        %mul3A_682 = arith.mulf %sub3A_681, %div3A_68 : vector<16xf32>
        %add3A_683 = arith.constant 5.000000e-01 : f32
        %add3A_684 = vector.broadcast %add3A_683 : f32 to vector<16xf32>
        %add3A_685 = arith.addf %mul3A_682, %add3A_684 : vector<16xf32>
        %convert_element_type3A_686 = arith.fptosi %add3A_685 : vector<16xf32> to vector<16xi32>
        %jit3A_687 = arith.constant 0 : i32
        %jit3A_688 = arith.constant 10 : i32
        %max3A_689 = vector.broadcast %jit3A_687 : i32 to vector<16xi32>
        %max3A_690 = arith.maxsi %max3A_689, %convert_element_type3A_686 : vector<16xi32>
        %min3A_691 = vector.broadcast %jit3A_688 : i32 to vector<16xi32>
        %min3A_692 = arith.minsi %min3A_691, %max3A_690 : vector<16xi32>
        %gather3A_693 = tpu.vector_load_idx %arg7[%min3A_692] : memref<16xf32, #tpu.memory_space<vmem>>[vector<16xi32>], vector<16xf32>,
        %lt3A_694 = arith.cmpf olt, %gather3A_693, %get3A_667 : vector<16xf32>
        %convert_element_type3A_695 = arith.extui %lt3A_694 : vector<16xi1> to vector<16xi32>
        %add3A_696 = arith.addi %min3A_692, %convert_element_type3A_695 : vector<16xi32>
        %sub3A_697 = arith.constant 1 : i32
        %sub3A_698 = vector.broadcast %sub3A_697 : i32 to vector<16xi32>
        %sub3A_699 = arith.subi %add3A_696, %sub3A_698 : vector<16xi32>
        %jit3A_700 = arith.constant 0 : i32
        %jit3A_701 = arith.constant 9 : i32
        %max3A_702 = vector.broadcast %jit3A_700 : i32 to vector<16xi32>
        %max3A_703 = arith.maxsi %max3A_702, %sub3A_699 : vector<16xi32>
        %min3A_704 = vector.broadcast %jit3A_701 : i32 to vector<16xi32>
        %min3A_705 = arith.minsi %min3A_704, %max3A_703 : vector<16xi32>
        %mul3A_706 = arith.constant 8 : i32
        %mul3A_707 = arith.muli %scan3A_432, %mul3A_706 : i32
        %add3A_708 = arith.constant 6 : i32
        %add3A_709 = arith.addi %mul3A_707, %add3A_708 : i32
        %mul3A_710 = arith.constant 16 : i32
        %mul3A_711 = arith.muli %add3A_709, %mul3A_710 : i32
        %get3A_712 = arith.index_cast %mul3A_711 : i32 to index
        %get3A_713 = tpu.vector_load %arg8[%get3A_712] {strides = array<i32>} : memref<8192xf32, #tpu.memory_space<vmem>>, vector<16xf32>,
        %mul3A_714 = arith.constant 8192 : i32
        %mul3A_715 = arith.muli %while3A_415, %mul3A_714 : i32
        %mul3A_716 = arith.constant 8 : i32
        %mul3A_717 = arith.muli %scan3A_432, %mul3A_716 : i32
        %add3A_718 = arith.constant 6 : i32
        %add3A_719 = arith.addi %mul3A_717, %add3A_718 : i32
        %mul3A_720 = arith.constant 16 : i32
        %mul3A_721 = arith.muli %add3A_719, %mul3A_720 : i32
        %add3A_722 = arith.addi %mul3A_715, %mul3A_721 : i32
        %add3A_723 = vector.broadcast %add3A_722 : i32 to vector<16xi32>
        %add3A_724 = arith.addi %add3A_723, %iota3A : vector<16xi32>
        %abs3A_725 = math.absf %get3A_713 : vector<16xf32>
        %sub3A_726 = vector.broadcast %squeeze3A_61 : f32 to vector<16xf32>
        %sub3A_727 = arith.subf %get3A_713, %sub3A_726 : vector<16xf32>
        %mul3A_728 = arith.mulf %sub3A_727, %div3A_68 : vector<16xf32>
        %add3A_729 = arith.constant 5.000000e-01 : f32
        %add3A_730 = vector.broadcast %add3A_729 : f32 to vector<16xf32>
        %add3A_731 = arith.addf %mul3A_728, %add3A_730 : vector<16xf32>
        %convert_element_type3A_732 = arith.fptosi %add3A_731 : vector<16xf32> to vector<16xi32>
        %jit3A_733 = arith.constant 0 : i32
        %jit3A_734 = arith.constant 10 : i32
        %max3A_735 = vector.broadcast %jit3A_733 : i32 to vector<16xi32>
        %max3A_736 = arith.maxsi %max3A_735, %convert_element_type3A_732 : vector<16xi32>
        %min3A_737 = vector.broadcast %jit3A_734 : i32 to vector<16xi32>
        %min3A_738 = arith.minsi %min3A_737, %max3A_736 : vector<16xi32>
        %gather3A_739 = tpu.vector_load_idx %arg7[%min3A_738] : memref<16xf32, #tpu.memory_space<vmem>>[vector<16xi32>], vector<16xf32>,
        %lt3A_740 = arith.cmpf olt, %gather3A_739, %get3A_713 : vector<16xf32>
        %convert_element_type3A_741 = arith.extui %lt3A_740 : vector<16xi1> to vector<16xi32>
        %add3A_742 = arith.addi %min3A_738, %convert_element_type3A_741 : vector<16xi32>
        %sub3A_743 = arith.constant 1 : i32
        %sub3A_744 = vector.broadcast %sub3A_743 : i32 to vector<16xi32>
        %sub3A_745 = arith.subi %add3A_742, %sub3A_744 : vector<16xi32>
        %jit3A_746 = arith.constant 0 : i32
        %jit3A_747 = arith.constant 9 : i32
        %max3A_748 = vector.broadcast %jit3A_746 : i32 to vector<16xi32>
        %max3A_749 = arith.maxsi %max3A_748, %sub3A_745 : vector<16xi32>
        %min3A_750 = vector.broadcast %jit3A_747 : i32 to vector<16xi32>
        %min3A_751 = arith.minsi %min3A_750, %max3A_749 : vector<16xi32>
        %mul3A_752 = arith.constant 8 : i32
        %mul3A_753 = arith.muli %scan3A_432, %mul3A_752 : i32
        %add3A_754 = arith.constant 7 : i32
        %add3A_755 = arith.addi %mul3A_753, %add3A_754 : i32
        %mul3A_756 = arith.constant 16 : i32
        %mul3A_757 = arith.muli %add3A_755, %mul3A_756 : i32
        %get3A_758 = arith.index_cast %mul3A_757 : i32 to index
        %get3A_759 = tpu.vector_load %arg8[%get3A_758] {strides = array<i32>} : memref<8192xf32, #tpu.memory_space<vmem>>, vector<16xf32>,
        %mul3A_760 = arith.constant 8192 : i32
        %mul3A_761 = arith.muli %while3A_415, %mul3A_760 : i32
        %mul3A_762 = arith.constant 8 : i32
        %mul3A_763 = arith.muli %scan3A_432, %mul3A_762 : i32
        %add3A_764 = arith.constant 7 : i32
        %add3A_765 = arith.addi %mul3A_763, %add3A_764 : i32
        %mul3A_766 = arith.constant 16 : i32
        %mul3A_767 = arith.muli %add3A_765, %mul3A_766 : i32
        %add3A_768 = arith.addi %mul3A_761, %mul3A_767 : i32
        %add3A_769 = vector.broadcast %add3A_768 : i32 to vector<16xi32>
        %add3A_770 = arith.addi %add3A_769, %iota3A : vector<16xi32>
        %abs3A_771 = math.absf %get3A_759 : vector<16xf32>
        %sub3A_772 = vector.broadcast %squeeze3A_61 : f32 to vector<16xf32>
        %sub3A_773 = arith.subf %get3A_759, %sub3A_772 : vector<16xf32>
        %mul3A_774 = arith.mulf %sub3A_773, %div3A_68 : vector<16xf32>
        %add3A_775 = arith.constant 5.000000e-01 : f32
        %add3A_776 = vector.broadcast %add3A_775 : f32 to vector<16xf32>
        %add3A_777 = arith.addf %mul3A_774, %add3A_776 : vector<16xf32>
        %convert_element_type3A_778 = arith.fptosi %add3A_777 : vector<16xf32> to vector<16xi32>
        %jit3A_779 = arith.constant 0 : i32
        %jit3A_780 = arith.constant 10 : i32
        %max3A_781 = vector.broadcast %jit3A_779 : i32 to vector<16xi32>
        %max3A_782 = arith.maxsi %max3A_781, %convert_element_type3A_778 : vector<16xi32>
        %min3A_783 = vector.broadcast %jit3A_780 : i32 to vector<16xi32>
        %min3A_784 = arith.minsi %min3A_783, %max3A_782 : vector<16xi32>
        %gather3A_785 = tpu.vector_load_idx %arg7[%min3A_784] : memref<16xf32, #tpu.memory_space<vmem>>[vector<16xi32>], vector<16xf32>,
        %lt3A_786 = arith.cmpf olt, %gather3A_785, %get3A_759 : vector<16xf32>
        %convert_element_type3A_787 = arith.extui %lt3A_786 : vector<16xi1> to vector<16xi32>
        %add3A_788 = arith.addi %min3A_784, %convert_element_type3A_787 : vector<16xi32>
        %sub3A_789 = arith.constant 1 : i32
        %sub3A_790 = vector.broadcast %sub3A_789 : i32 to vector<16xi32>
        %sub3A_791 = arith.subi %add3A_788, %sub3A_790 : vector<16xi32>
        %jit3A_792 = arith.constant 0 : i32
        %jit3A_793 = arith.constant 9 : i32
        %max3A_794 = vector.broadcast %jit3A_792 : i32 to vector<16xi32>
        %max3A_795 = arith.maxsi %max3A_794, %sub3A_791 : vector<16xi32>
        %min3A_796 = vector.broadcast %jit3A_793 : i32 to vector<16xi32>
        %min3A_797 = arith.minsi %min3A_796, %max3A_795 : vector<16xi32>
        %mul3A_798 = arith.constant 8192 : i32
        %mul3A_799 = arith.muli %while3A_415, %mul3A_798 : i32
        %mul3A_800 = arith.constant 8 : i32
        %mul3A_801 = arith.muli %scan3A_432, %mul3A_800 : i32
        %add3A_802 = arith.constant 8 : i32
        %add3A_803 = arith.addi %mul3A_801, %add3A_802 : i32
        %mul3A_804 = arith.constant 16 : i32
        %mul3A_805 = arith.muli %add3A_803, %mul3A_804 : i32
        %add3A_806 = arith.addi %mul3A_799, %mul3A_805 : i32
        %sub3A_807 = arith.constant 1 : i32
        %sub3A_808 = arith.subi %add3A_806, %sub3A_807 : i32
        %broadcast_in_dim3A_809 = vector.broadcast %scan3A_433 : i32 to vector<16xi32>
        %broadcast_in_dim3A_810 = vector.broadcast %scan3A_433 : i32 to vector<16xi32>
        %broadcast_in_dim3A_811 = vector.broadcast %scan3A_433 : i32 to vector<16xi32>
        %broadcast_in_dim3A_812 = vector.broadcast %scan3A_433 : i32 to vector<16xi32>
        %broadcast_in_dim3A_813 = vector.broadcast %scan3A_433 : i32 to vector<16xi32>
        %broadcast_in_dim3A_814 = vector.broadcast %scan3A_433 : i32 to vector<16xi32>
        %broadcast_in_dim3A_815 = vector.broadcast %scan3A_433 : i32 to vector<16xi32>
        %broadcast_in_dim3A_816 = vector.broadcast %scan3A_433 : i32 to vector<16xi32>
        %while3A_817:10 = scf.while (%while3A_913 = %scan3A_433, %while3A_914 = %scan3A_434, %while3A_915 = %broadcast_in_dim3A_809, %while3A_916 = %broadcast_in_dim3A_810, %while3A_917 = %broadcast_in_dim3A_811, %while3A_918 = %broadcast_in_dim3A_812, %while3A_919 = %broadcast_in_dim3A_813, %while3A_920 = %broadcast_in_dim3A_814, %while3A_921 = %broadcast_in_dim3A_815, %while3A_922 = %broadcast_in_dim3A_816) : (i32, i32, vector<16xi32>, vector<16xi32>, vector<16xi32>, vector<16xi32>, vector<16xi32>, vector<16xi32>, vector<16xi32>, vector<16xi32>) -> (i32, i32, vector<16xi32>, vector<16xi32>, vector<16xi32>, vector<16xi32>, vector<16xi32>, vector<16xi32>, vector<16xi32>, vector<16xi32>) {
          %lt3A_923 = arith.constant 2000 : i32
          %lt3A_924 = arith.cmpi slt, %while3A_913, %lt3A_923 : i32
          %le3A = arith.cmpi sle, %while3A_914, %sub3A_808 : i32
          %and3A_925 = arith.andi %lt3A_924, %le3A : i1
          scf.condition(%and3A_925) %while3A_913, %while3A_914, %while3A_915, %while3A_916, %while3A_917, %while3A_918, %while3A_919, %while3A_920, %while3A_921, %while3A_922 : i32, i32, vector<16xi32>, vector<16xi32>, vector<16xi32>, vector<16xi32>, vector<16xi32>, vector<16xi32>, vector<16xi32>, vector<16xi32>
        } do {
        ^bb0(%while3A_913: i32, %while3A_914: i32, %while3A_915: vector<16xi32>, %while3A_916: vector<16xi32>, %while3A_917: vector<16xi32>, %while3A_918: vector<16xi32>, %while3A_919: vector<16xi32>, %while3A_920: vector<16xi32>, %while3A_921: vector<16xi32>, %while3A_922: vector<16xi32>):
          %ge3A_923 = vector.broadcast %while3A_914 : i32 to vector<16xi32>
          %ge3A_924 = arith.cmpi sge, %add3A_453, %ge3A_923 : vector<16xi32>
          %convert_element_type3A_925 = arith.extui %ge3A_924 : vector<16xi1> to vector<16xi32>
          %add3A_926 = arith.addi %while3A_915, %convert_element_type3A_925 : vector<16xi32>
          %ge3A_927 = vector.broadcast %while3A_914 : i32 to vector<16xi32>
          %ge3A_928 = arith.cmpi sge, %add3A_494, %ge3A_927 : vector<16xi32>
          %convert_element_type3A_929 = arith.extui %ge3A_928 : vector<16xi1> to vector<16xi32>
          %add3A_930 = arith.addi %while3A_916, %convert_element_type3A_929 : vector<16xi32>
          %ge3A_931 = vector.broadcast %while3A_914 : i32 to vector<16xi32>
          %ge3A_932 = arith.cmpi sge, %add3A_540, %ge3A_931 : vector<16xi32>
          %convert_element_type3A_933 = arith.extui %ge3A_932 : vector<16xi1> to vector<16xi32>
          %add3A_934 = arith.addi %while3A_917, %convert_element_type3A_933 : vector<16xi32>
          %ge3A_935 = vector.broadcast %while3A_914 : i32 to vector<16xi32>
          %ge3A_936 = arith.cmpi sge, %add3A_586, %ge3A_935 : vector<16xi32>
          %convert_element_type3A_937 = arith.extui %ge3A_936 : vector<16xi1> to vector<16xi32>
          %add3A_938 = arith.addi %while3A_918, %convert_element_type3A_937 : vector<16xi32>
          %ge3A_939 = vector.broadcast %while3A_914 : i32 to vector<16xi32>
          %ge3A_940 = arith.cmpi sge, %add3A_632, %ge3A_939 : vector<16xi32>
          %convert_element_type3A_941 = arith.extui %ge3A_940 : vector<16xi1> to vector<16xi32>
          %add3A_942 = arith.addi %while3A_919, %convert_element_type3A_941 : vector<16xi32>
          %ge3A_943 = vector.broadcast %while3A_914 : i32 to vector<16xi32>
          %ge3A_944 = arith.cmpi sge, %add3A_678, %ge3A_943 : vector<16xi32>
          %convert_element_type3A_945 = arith.extui %ge3A_944 : vector<16xi1> to vector<16xi32>
          %add3A_946 = arith.addi %while3A_920, %convert_element_type3A_945 : vector<16xi32>
          %ge3A_947 = vector.broadcast %while3A_914 : i32 to vector<16xi32>
          %ge3A_948 = arith.cmpi sge, %add3A_724, %ge3A_947 : vector<16xi32>
          %convert_element_type3A_949 = arith.extui %ge3A_948 : vector<16xi1> to vector<16xi32>
          %add3A_950 = arith.addi %while3A_921, %convert_element_type3A_949 : vector<16xi32>
          %ge3A_951 = vector.broadcast %while3A_914 : i32 to vector<16xi32>
          %ge3A_952 = arith.cmpi sge, %add3A_770, %ge3A_951 : vector<16xi32>
          %convert_element_type3A_953 = arith.extui %ge3A_952 : vector<16xi1> to vector<16xi32>
          %add3A_954 = arith.addi %while3A_922, %convert_element_type3A_953 : vector<16xi32>
          %add3A_955 = arith.constant 1 : i32
          %add3A_956 = arith.addi %while3A_913, %add3A_955 : i32
          %add3A_957 = arith.constant 1 : i32
          %add3A_958 = arith.addi %add3A_956, %add3A_957 : i32
          %get3A_959 = arith.index_cast %add3A_958 : i32 to index
          %get3A_960 = tpu.vector_load %arg6[%get3A_959] {strides = array<i32>} : memref<2032xi32, #tpu.memory_space<vmem>>, vector<16xi32>,
          %slice3A_961 = vector.extract_strided_slice %get3A_960 {offsets = [0], sizes = [1], strides = [1]} : vector<16xi32> to vector<1xi32>
          %squeeze3A_962 = vector.extract %slice3A_961[0] : i32 from vector<1xi32>
          scf.yield %add3A_956, %squeeze3A_962, %add3A_926, %add3A_930, %add3A_934, %add3A_938, %add3A_942, %add3A_946, %add3A_950, %add3A_954 : i32, i32, vector<16xi32>, vector<16xi32>, vector<16xi32>, vector<16xi32>, vector<16xi32>, vector<16xi32>, vector<16xi32>, vector<16xi32>
        }
        %ge3A = vector.broadcast %squeeze3A : i32 to vector<16xi32>
        %ge3A_818 = arith.cmpi sge, %add3A_453, %ge3A : vector<16xi32>
        %jit3A_819 = arith.constant 2000 : i32
        %broadcast_in_dim3A_820 = vector.broadcast %jit3A_819 : i32 to vector<16xi32>
        %select_n3A_821 = arith.select %ge3A_818, %while3A_817#2, %broadcast_in_dim3A_820 : vector<16xi1>, vector<16xi32>
        %mul3A_822 = arith.constant 2008 : i32
        %mul3A_823 = vector.broadcast %mul3A_822 : i32 to vector<16xi32>
        %mul3A_824 = arith.muli %min3A_475, %mul3A_823 : vector<16xi32>
        %add3A_825 = arith.addi %select_n3A_821, %mul3A_824 : vector<16xi32>
        tpu.vector_store_idx %arg9[%add3A_825], %broadcast_in_dim3A_70 {add = true} : memref<40160xf32, #tpu.memory_space<vmem>>[vector<16xi32>], vector<16xf32>,
        %add3A_826 = arith.constant 20080 : i32
        %add3A_827 = vector.broadcast %add3A_826 : i32 to vector<16xi32>
        %add3A_828 = arith.addi %add3A_825, %add3A_827 : vector<16xi32>
        tpu.vector_store_idx %arg9[%add3A_828], %abs3A {add = true} : memref<40160xf32, #tpu.memory_space<vmem>>[vector<16xi32>], vector<16xf32>,
        %ge3A_829 = vector.broadcast %squeeze3A : i32 to vector<16xi32>
        %ge3A_830 = arith.cmpi sge, %add3A_494, %ge3A_829 : vector<16xi32>
        %jit3A_831 = arith.constant 2000 : i32
        %broadcast_in_dim3A_832 = vector.broadcast %jit3A_831 : i32 to vector<16xi32>
        %select_n3A_833 = arith.select %ge3A_830, %while3A_817#3, %broadcast_in_dim3A_832 : vector<16xi1>, vector<16xi32>
        %mul3A_834 = arith.constant 2008 : i32
        %mul3A_835 = vector.broadcast %mul3A_834 : i32 to vector<16xi32>
        %mul3A_836 = arith.muli %min3A_521, %mul3A_835 : vector<16xi32>
        %add3A_837 = arith.addi %select_n3A_833, %mul3A_836 : vector<16xi32>
        tpu.vector_store_idx %arg9[%add3A_837], %broadcast_in_dim3A_70 {add = true} : memref<40160xf32, #tpu.memory_space<vmem>>[vector<16xi32>], vector<16xf32>,
        %add3A_838 = arith.constant 20080 : i32
        %add3A_839 = vector.broadcast %add3A_838 : i32 to vector<16xi32>
        %add3A_840 = arith.addi %add3A_837, %add3A_839 : vector<16xi32>
        tpu.vector_store_idx %arg9[%add3A_840], %abs3A_495 {add = true} : memref<40160xf32, #tpu.memory_space<vmem>>[vector<16xi32>], vector<16xf32>,
        %ge3A_841 = vector.broadcast %squeeze3A : i32 to vector<16xi32>
        %ge3A_842 = arith.cmpi sge, %add3A_540, %ge3A_841 : vector<16xi32>
        %jit3A_843 = arith.constant 2000 : i32
        %broadcast_in_dim3A_844 = vector.broadcast %jit3A_843 : i32 to vector<16xi32>
        %select_n3A_845 = arith.select %ge3A_842, %while3A_817#4, %broadcast_in_dim3A_844 : vector<16xi1>, vector<16xi32>
        %mul3A_846 = arith.constant 2008 : i32
        %mul3A_847 = vector.broadcast %mul3A_846 : i32 to vector<16xi32>
        %mul3A_848 = arith.muli %min3A_567, %mul3A_847 : vector<16xi32>
        %add3A_849 = arith.addi %select_n3A_845, %mul3A_848 : vector<16xi32>
        tpu.vector_store_idx %arg9[%add3A_849], %broadcast_in_dim3A_70 {add = true} : memref<40160xf32, #tpu.memory_space<vmem>>[vector<16xi32>], vector<16xf32>,
        %add3A_850 = arith.constant 20080 : i32
        %add3A_851 = vector.broadcast %add3A_850 : i32 to vector<16xi32>
        %add3A_852 = arith.addi %add3A_849, %add3A_851 : vector<16xi32>
        tpu.vector_store_idx %arg9[%add3A_852], %abs3A_541 {add = true} : memref<40160xf32, #tpu.memory_space<vmem>>[vector<16xi32>], vector<16xf32>,
        %ge3A_853 = vector.broadcast %squeeze3A : i32 to vector<16xi32>
        %ge3A_854 = arith.cmpi sge, %add3A_586, %ge3A_853 : vector<16xi32>
        %jit3A_855 = arith.constant 2000 : i32
        %broadcast_in_dim3A_856 = vector.broadcast %jit3A_855 : i32 to vector<16xi32>
        %select_n3A_857 = arith.select %ge3A_854, %while3A_817#5, %broadcast_in_dim3A_856 : vector<16xi1>, vector<16xi32>
        %mul3A_858 = arith.constant 2008 : i32
        %mul3A_859 = vector.broadcast %mul3A_858 : i32 to vector<16xi32>
        %mul3A_860 = arith.muli %min3A_613, %mul3A_859 : vector<16xi32>
        %add3A_861 = arith.addi %select_n3A_857, %mul3A_860 : vector<16xi32>
        tpu.vector_store_idx %arg9[%add3A_861], %broadcast_in_dim3A_70 {add = true} : memref<40160xf32, #tpu.memory_space<vmem>>[vector<16xi32>], vector<16xf32>,
        %add3A_862 = arith.constant 20080 : i32
        %add3A_863 = vector.broadcast %add3A_862 : i32 to vector<16xi32>
        %add3A_864 = arith.addi %add3A_861, %add3A_863 : vector<16xi32>
        tpu.vector_store_idx %arg9[%add3A_864], %abs3A_587 {add = true} : memref<40160xf32, #tpu.memory_space<vmem>>[vector<16xi32>], vector<16xf32>,
        %ge3A_865 = vector.broadcast %squeeze3A : i32 to vector<16xi32>
        %ge3A_866 = arith.cmpi sge, %add3A_632, %ge3A_865 : vector<16xi32>
        %jit3A_867 = arith.constant 2000 : i32
        %broadcast_in_dim3A_868 = vector.broadcast %jit3A_867 : i32 to vector<16xi32>
        %select_n3A_869 = arith.select %ge3A_866, %while3A_817#6, %broadcast_in_dim3A_868 : vector<16xi1>, vector<16xi32>
        %mul3A_870 = arith.constant 2008 : i32
        %mul3A_871 = vector.broadcast %mul3A_870 : i32 to vector<16xi32>
        %mul3A_872 = arith.muli %min3A_659, %mul3A_871 : vector<16xi32>
        %add3A_873 = arith.addi %select_n3A_869, %mul3A_872 : vector<16xi32>
        tpu.vector_store_idx %arg9[%add3A_873], %broadcast_in_dim3A_70 {add = true} : memref<40160xf32, #tpu.memory_space<vmem>>[vector<16xi32>], vector<16xf32>,
        %add3A_874 = arith.constant 20080 : i32
        %add3A_875 = vector.broadcast %add3A_874 : i32 to vector<16xi32>
        %add3A_876 = arith.addi %add3A_873, %add3A_875 : vector<16xi32>
        tpu.vector_store_idx %arg9[%add3A_876], %abs3A_633 {add = true} : memref<40160xf32, #tpu.memory_space<vmem>>[vector<16xi32>], vector<16xf32>,
        %ge3A_877 = vector.broadcast %squeeze3A : i32 to vector<16xi32>
        %ge3A_878 = arith.cmpi sge, %add3A_678, %ge3A_877 : vector<16xi32>
        %jit3A_879 = arith.constant 2000 : i32
        %broadcast_in_dim3A_880 = vector.broadcast %jit3A_879 : i32 to vector<16xi32>
        %select_n3A_881 = arith.select %ge3A_878, %while3A_817#7, %broadcast_in_dim3A_880 : vector<16xi1>, vector<16xi32>
        %mul3A_882 = arith.constant 2008 : i32
        %mul3A_883 = vector.broadcast %mul3A_882 : i32 to vector<16xi32>
        %mul3A_884 = arith.muli %min3A_705, %mul3A_883 : vector<16xi32>
        %add3A_885 = arith.addi %select_n3A_881, %mul3A_884 : vector<16xi32>
        tpu.vector_store_idx %arg9[%add3A_885], %broadcast_in_dim3A_70 {add = true} : memref<40160xf32, #tpu.memory_space<vmem>>[vector<16xi32>], vector<16xf32>,
        %add3A_886 = arith.constant 20080 : i32
        %add3A_887 = vector.broadcast %add3A_886 : i32 to vector<16xi32>
        %add3A_888 = arith.addi %add3A_885, %add3A_887 : vector<16xi32>
        tpu.vector_store_idx %arg9[%add3A_888], %abs3A_679 {add = true} : memref<40160xf32, #tpu.memory_space<vmem>>[vector<16xi32>], vector<16xf32>,
        %ge3A_889 = vector.broadcast %squeeze3A : i32 to vector<16xi32>
        %ge3A_890 = arith.cmpi sge, %add3A_724, %ge3A_889 : vector<16xi32>
        %jit3A_891 = arith.constant 2000 : i32
        %broadcast_in_dim3A_892 = vector.broadcast %jit3A_891 : i32 to vector<16xi32>
        %select_n3A_893 = arith.select %ge3A_890, %while3A_817#8, %broadcast_in_dim3A_892 : vector<16xi1>, vector<16xi32>
        %mul3A_894 = arith.constant 2008 : i32
        %mul3A_895 = vector.broadcast %mul3A_894 : i32 to vector<16xi32>
        %mul3A_896 = arith.muli %min3A_751, %mul3A_895 : vector<16xi32>
        %add3A_897 = arith.addi %select_n3A_893, %mul3A_896 : vector<16xi32>
        tpu.vector_store_idx %arg9[%add3A_897], %broadcast_in_dim3A_70 {add = true} : memref<40160xf32, #tpu.memory_space<vmem>>[vector<16xi32>], vector<16xf32>,
        %add3A_898 = arith.constant 20080 : i32
        %add3A_899 = vector.broadcast %add3A_898 : i32 to vector<16xi32>
        %add3A_900 = arith.addi %add3A_897, %add3A_899 : vector<16xi32>
        tpu.vector_store_idx %arg9[%add3A_900], %abs3A_725 {add = true} : memref<40160xf32, #tpu.memory_space<vmem>>[vector<16xi32>], vector<16xf32>,
        %ge3A_901 = vector.broadcast %squeeze3A : i32 to vector<16xi32>
        %ge3A_902 = arith.cmpi sge, %add3A_770, %ge3A_901 : vector<16xi32>
        %jit3A_903 = arith.constant 2000 : i32
        %broadcast_in_dim3A_904 = vector.broadcast %jit3A_903 : i32 to vector<16xi32>
        %select_n3A_905 = arith.select %ge3A_902, %while3A_817#9, %broadcast_in_dim3A_904 : vector<16xi1>, vector<16xi32>
        %mul3A_906 = arith.constant 2008 : i32
        %mul3A_907 = vector.broadcast %mul3A_906 : i32 to vector<16xi32>
        %mul3A_908 = arith.muli %min3A_797, %mul3A_907 : vector<16xi32>
        %add3A_909 = arith.addi %select_n3A_905, %mul3A_908 : vector<16xi32>
        tpu.vector_store_idx %arg9[%add3A_909], %broadcast_in_dim3A_70 {add = true} : memref<40160xf32, #tpu.memory_space<vmem>>[vector<16xi32>], vector<16xf32>,
        %add3A_910 = arith.constant 20080 : i32
        %add3A_911 = vector.broadcast %add3A_910 : i32 to vector<16xi32>
        %add3A_912 = arith.addi %add3A_909, %add3A_911 : vector<16xi32>
        tpu.vector_store_idx %arg9[%add3A_912], %abs3A_771 {add = true} : memref<40160xf32, #tpu.memory_space<vmem>>[vector<16xi32>], vector<16xf32>,
        scf.yield %while3A_817#0, %while3A_817#1 : i32, i32
      }
      %scan3A_431 = arith.constant 64 : i32
      scf.yield %scan3A_430#0, %scan3A_430#1 : i32, i32
    }
    %add3A_85 = arith.constant 1 : i32
    %add3A_86 = arith.addi %select_n3A, %add3A_85 : i32
    %while3A_87 = arith.subi %select_n3A_57, %add3A_86 : i32
    %while3A_88 = arith.addi %add3A_86, %while3A_87 : i32
    %while3A_89 = arith.constant 1 : i32
    %while3A_90 = arith.divsi %while3A_87, %while3A_89 : i32
    %while3A_91 = arith.muli %while3A_90, %while3A_89 : i32
    %while3A_92 = arith.addi %add3A_86, %while3A_91 : i32
    %while3A_93 = arith.constant 1 : i32
    %while3A_94:2 = scf.for %while3A_415 = %add3A_86 to %while3A_92 step %while3A_93 iter_args(%while3A_416 = %while3A_84#0, %while3A_417 = %while3A_84#1) -> (i32, i32)  : i32 {
      %mul3A_418 = arith.constant 8192 : i32
      %mul3A_419 = arith.muli %while3A_415, %mul3A_418 : i32
      %dma_start3A_420 = tpu.memref_slice %arg2[%mul3A_419] : memref<4000000xf32, #tpu.memory_space<hbm>> -> memref<8192xf32, #tpu.memory_space<hbm>>
      %dma_start3A_421 = tpu.memref_slice %arg2[%mul3A_419] : memref<4000000xf32, #tpu.memory_space<hbm>> -> memref<8192xf32, #tpu.memory_space<hbm>>
      tpu.enqueue_dma source(%dma_start3A_421 : memref<8192xf32, #tpu.memory_space<hbm>>) target(%arg8 : memref<8192xf32, #tpu.memory_space<vmem>>) target_semaphore(%arg10 : memref<!tpu.dma_semaphore, #tpu.memory_space<semaphore_mem>>)
      %mul3A_422 = arith.constant 8192 : i32
      %mul3A_423 = arith.muli %while3A_415, %mul3A_422 : i32
      %dma_wait3A_424 = tpu.memref_slice %arg2[%mul3A_423] : memref<4000000xf32, #tpu.memory_space<hbm>> -> memref<8192xf32, #tpu.memory_space<hbm>>
      %dma_wait3A_425 = tpu.memref_slice %arg2[%mul3A_423] : memref<4000000xf32, #tpu.memory_space<hbm>> -> memref<8192xf32, #tpu.memory_space<hbm>>
      tpu.wait_dma2 semaphore(%arg10 : memref<!tpu.dma_semaphore, #tpu.memory_space<semaphore_mem>>) src(%dma_wait3A_425 : memref<8192xf32, #tpu.memory_space<hbm>>) dst(%arg8 : memref<8192xf32, #tpu.memory_space<vmem>>)
      %scan3A_426 = arith.constant 0 : i32
      %scan3A_427 = arith.constant 64 : i32
      %scan3A_428 = arith.addi %scan3A_426, %scan3A_427 : i32
      %scan3A_429 = arith.constant 1 : i32
      %scan3A_430:2 = scf.for %scan3A_432 = %scan3A_426 to %scan3A_428 step %scan3A_429 iter_args(%scan3A_433 = %while3A_416, %scan3A_434 = %while3A_417) -> (i32, i32)  : i32 {
        %mul3A_435 = arith.constant 8 : i32
        %mul3A_436 = arith.muli %scan3A_432, %mul3A_435 : i32
        %add3A_437 = arith.constant 0 : i32
        %add3A_438 = arith.addi %mul3A_436, %add3A_437 : i32
        %mul3A_439 = arith.constant 16 : i32
        %mul3A_440 = arith.muli %add3A_438, %mul3A_439 : i32
        %get3A_441 = arith.index_cast %mul3A_440 : i32 to index
        %get3A_442 = tpu.vector_load %arg8[%get3A_441] {strides = array<i32>} : memref<8192xf32, #tpu.memory_space<vmem>>, vector<16xf32>,
        %mul3A_443 = arith.constant 8192 : i32
        %mul3A_444 = arith.muli %while3A_415, %mul3A_443 : i32
        %mul3A_445 = arith.constant 8 : i32
        %mul3A_446 = arith.muli %scan3A_432, %mul3A_445 : i32
        %add3A_447 = arith.constant 0 : i32
        %add3A_448 = arith.addi %mul3A_446, %add3A_447 : i32
        %mul3A_449 = arith.constant 16 : i32
        %mul3A_450 = arith.muli %add3A_448, %mul3A_449 : i32
        %add3A_451 = arith.addi %mul3A_444, %mul3A_450 : i32
        %add3A_452 = vector.broadcast %add3A_451 : i32 to vector<16xi32>
        %add3A_453 = arith.addi %add3A_452, %iota3A : vector<16xi32>
        %abs3A = math.absf %get3A_442 : vector<16xf32>
        %sub3A_454 = vector.broadcast %squeeze3A_61 : f32 to vector<16xf32>
        %sub3A_455 = arith.subf %get3A_442, %sub3A_454 : vector<16xf32>
        %mul3A_456 = arith.mulf %sub3A_455, %div3A_68 : vector<16xf32>
        %add3A_457 = arith.constant 5.000000e-01 : f32
        %add3A_458 = vector.broadcast %add3A_457 : f32 to vector<16xf32>
        %add3A_459 = arith.addf %mul3A_456, %add3A_458 : vector<16xf32>
        %convert_element_type3A = arith.fptosi %add3A_459 : vector<16xf32> to vector<16xi32>
        %jit3A_460 = arith.constant 0 : i32
        %jit3A_461 = arith.constant 10 : i32
        %max3A = vector.broadcast %jit3A_460 : i32 to vector<16xi32>
        %max3A_462 = arith.maxsi %max3A, %convert_element_type3A : vector<16xi32>
        %min3A_463 = vector.broadcast %jit3A_461 : i32 to vector<16xi32>
        %min3A_464 = arith.minsi %min3A_463, %max3A_462 : vector<16xi32>
        %gather3A = tpu.vector_load_idx %arg7[%min3A_464] : memref<16xf32, #tpu.memory_space<vmem>>[vector<16xi32>], vector<16xf32>,
        %lt3A = arith.cmpf olt, %gather3A, %get3A_442 : vector<16xf32>
        %convert_element_type3A_465 = arith.extui %lt3A : vector<16xi1> to vector<16xi32>
        %add3A_466 = arith.addi %min3A_464, %convert_element_type3A_465 : vector<16xi32>
        %sub3A_467 = arith.constant 1 : i32
        %sub3A_468 = vector.broadcast %sub3A_467 : i32 to vector<16xi32>
        %sub3A_469 = arith.subi %add3A_466, %sub3A_468 : vector<16xi32>
        %jit3A_470 = arith.constant 0 : i32
        %jit3A_471 = arith.constant 9 : i32
        %max3A_472 = vector.broadcast %jit3A_470 : i32 to vector<16xi32>
        %max3A_473 = arith.maxsi %max3A_472, %sub3A_469 : vector<16xi32>
        %min3A_474 = vector.broadcast %jit3A_471 : i32 to vector<16xi32>
        %min3A_475 = arith.minsi %min3A_474, %max3A_473 : vector<16xi32>
        %mul3A_476 = arith.constant 8 : i32
        %mul3A_477 = arith.muli %scan3A_432, %mul3A_476 : i32
        %add3A_478 = arith.constant 1 : i32
        %add3A_479 = arith.addi %mul3A_477, %add3A_478 : i32
        %mul3A_480 = arith.constant 16 : i32
        %mul3A_481 = arith.muli %add3A_479, %mul3A_480 : i32
        %get3A_482 = arith.index_cast %mul3A_481 : i32 to index
        %get3A_483 = tpu.vector_load %arg8[%get3A_482] {strides = array<i32>} : memref<8192xf32, #tpu.memory_space<vmem>>, vector<16xf32>,
        %mul3A_484 = arith.constant 8192 : i32
        %mul3A_485 = arith.muli %while3A_415, %mul3A_484 : i32
        %mul3A_486 = arith.constant 8 : i32
        %mul3A_487 = arith.muli %scan3A_432, %mul3A_486 : i32
        %add3A_488 = arith.constant 1 : i32
        %add3A_489 = arith.addi %mul3A_487, %add3A_488 : i32
        %mul3A_490 = arith.constant 16 : i32
        %mul3A_491 = arith.muli %add3A_489, %mul3A_490 : i32
        %add3A_492 = arith.addi %mul3A_485, %mul3A_491 : i32
        %add3A_493 = vector.broadcast %add3A_492 : i32 to vector<16xi32>
        %add3A_494 = arith.addi %add3A_493, %iota3A : vector<16xi32>
        %abs3A_495 = math.absf %get3A_483 : vector<16xf32>
        %sub3A_496 = vector.broadcast %squeeze3A_61 : f32 to vector<16xf32>
        %sub3A_497 = arith.subf %get3A_483, %sub3A_496 : vector<16xf32>
        %mul3A_498 = arith.mulf %sub3A_497, %div3A_68 : vector<16xf32>
        %add3A_499 = arith.constant 5.000000e-01 : f32
        %add3A_500 = vector.broadcast %add3A_499 : f32 to vector<16xf32>
        %add3A_501 = arith.addf %mul3A_498, %add3A_500 : vector<16xf32>
        %convert_element_type3A_502 = arith.fptosi %add3A_501 : vector<16xf32> to vector<16xi32>
        %jit3A_503 = arith.constant 0 : i32
        %jit3A_504 = arith.constant 10 : i32
        %max3A_505 = vector.broadcast %jit3A_503 : i32 to vector<16xi32>
        %max3A_506 = arith.maxsi %max3A_505, %convert_element_type3A_502 : vector<16xi32>
        %min3A_507 = vector.broadcast %jit3A_504 : i32 to vector<16xi32>
        %min3A_508 = arith.minsi %min3A_507, %max3A_506 : vector<16xi32>
        %gather3A_509 = tpu.vector_load_idx %arg7[%min3A_508] : memref<16xf32, #tpu.memory_space<vmem>>[vector<16xi32>], vector<16xf32>,
        %lt3A_510 = arith.cmpf olt, %gather3A_509, %get3A_483 : vector<16xf32>
        %convert_element_type3A_511 = arith.extui %lt3A_510 : vector<16xi1> to vector<16xi32>
        %add3A_512 = arith.addi %min3A_508, %convert_element_type3A_511 : vector<16xi32>
        %sub3A_513 = arith.constant 1 : i32
        %sub3A_514 = vector.broadcast %sub3A_513 : i32 to vector<16xi32>
        %sub3A_515 = arith.subi %add3A_512, %sub3A_514 : vector<16xi32>
        %jit3A_516 = arith.constant 0 : i32
        %jit3A_517 = arith.constant 9 : i32
        %max3A_518 = vector.broadcast %jit3A_516 : i32 to vector<16xi32>
        %max3A_519 = arith.maxsi %max3A_518, %sub3A_515 : vector<16xi32>
        %min3A_520 = vector.broadcast %jit3A_517 : i32 to vector<16xi32>
        %min3A_521 = arith.minsi %min3A_520, %max3A_519 : vector<16xi32>
        %mul3A_522 = arith.constant 8 : i32
        %mul3A_523 = arith.muli %scan3A_432, %mul3A_522 : i32
        %add3A_524 = arith.constant 2 : i32
        %add3A_525 = arith.addi %mul3A_523, %add3A_524 : i32
        %mul3A_526 = arith.constant 16 : i32
        %mul3A_527 = arith.muli %add3A_525, %mul3A_526 : i32
        %get3A_528 = arith.index_cast %mul3A_527 : i32 to index
        %get3A_529 = tpu.vector_load %arg8[%get3A_528] {strides = array<i32>} : memref<8192xf32, #tpu.memory_space<vmem>>, vector<16xf32>,
        %mul3A_530 = arith.constant 8192 : i32
        %mul3A_531 = arith.muli %while3A_415, %mul3A_530 : i32
        %mul3A_532 = arith.constant 8 : i32
        %mul3A_533 = arith.muli %scan3A_432, %mul3A_532 : i32
        %add3A_534 = arith.constant 2 : i32
        %add3A_535 = arith.addi %mul3A_533, %add3A_534 : i32
        %mul3A_536 = arith.constant 16 : i32
        %mul3A_537 = arith.muli %add3A_535, %mul3A_536 : i32
        %add3A_538 = arith.addi %mul3A_531, %mul3A_537 : i32
        %add3A_539 = vector.broadcast %add3A_538 : i32 to vector<16xi32>
        %add3A_540 = arith.addi %add3A_539, %iota3A : vector<16xi32>
        %abs3A_541 = math.absf %get3A_529 : vector<16xf32>
        %sub3A_542 = vector.broadcast %squeeze3A_61 : f32 to vector<16xf32>
        %sub3A_543 = arith.subf %get3A_529, %sub3A_542 : vector<16xf32>
        %mul3A_544 = arith.mulf %sub3A_543, %div3A_68 : vector<16xf32>
        %add3A_545 = arith.constant 5.000000e-01 : f32
        %add3A_546 = vector.broadcast %add3A_545 : f32 to vector<16xf32>
        %add3A_547 = arith.addf %mul3A_544, %add3A_546 : vector<16xf32>
        %convert_element_type3A_548 = arith.fptosi %add3A_547 : vector<16xf32> to vector<16xi32>
        %jit3A_549 = arith.constant 0 : i32
        %jit3A_550 = arith.constant 10 : i32
        %max3A_551 = vector.broadcast %jit3A_549 : i32 to vector<16xi32>
        %max3A_552 = arith.maxsi %max3A_551, %convert_element_type3A_548 : vector<16xi32>
        %min3A_553 = vector.broadcast %jit3A_550 : i32 to vector<16xi32>
        %min3A_554 = arith.minsi %min3A_553, %max3A_552 : vector<16xi32>
        %gather3A_555 = tpu.vector_load_idx %arg7[%min3A_554] : memref<16xf32, #tpu.memory_space<vmem>>[vector<16xi32>], vector<16xf32>,
        %lt3A_556 = arith.cmpf olt, %gather3A_555, %get3A_529 : vector<16xf32>
        %convert_element_type3A_557 = arith.extui %lt3A_556 : vector<16xi1> to vector<16xi32>
        %add3A_558 = arith.addi %min3A_554, %convert_element_type3A_557 : vector<16xi32>
        %sub3A_559 = arith.constant 1 : i32
        %sub3A_560 = vector.broadcast %sub3A_559 : i32 to vector<16xi32>
        %sub3A_561 = arith.subi %add3A_558, %sub3A_560 : vector<16xi32>
        %jit3A_562 = arith.constant 0 : i32
        %jit3A_563 = arith.constant 9 : i32
        %max3A_564 = vector.broadcast %jit3A_562 : i32 to vector<16xi32>
        %max3A_565 = arith.maxsi %max3A_564, %sub3A_561 : vector<16xi32>
        %min3A_566 = vector.broadcast %jit3A_563 : i32 to vector<16xi32>
        %min3A_567 = arith.minsi %min3A_566, %max3A_565 : vector<16xi32>
        %mul3A_568 = arith.constant 8 : i32
        %mul3A_569 = arith.muli %scan3A_432, %mul3A_568 : i32
        %add3A_570 = arith.constant 3 : i32
        %add3A_571 = arith.addi %mul3A_569, %add3A_570 : i32
        %mul3A_572 = arith.constant 16 : i32
        %mul3A_573 = arith.muli %add3A_571, %mul3A_572 : i32
        %get3A_574 = arith.index_cast %mul3A_573 : i32 to index
        %get3A_575 = tpu.vector_load %arg8[%get3A_574] {strides = array<i32>} : memref<8192xf32, #tpu.memory_space<vmem>>, vector<16xf32>,
        %mul3A_576 = arith.constant 8192 : i32
        %mul3A_577 = arith.muli %while3A_415, %mul3A_576 : i32
        %mul3A_578 = arith.constant 8 : i32
        %mul3A_579 = arith.muli %scan3A_432, %mul3A_578 : i32
        %add3A_580 = arith.constant 3 : i32
        %add3A_581 = arith.addi %mul3A_579, %add3A_580 : i32
        %mul3A_582 = arith.constant 16 : i32
        %mul3A_583 = arith.muli %add3A_581, %mul3A_582 : i32
        %add3A_584 = arith.addi %mul3A_577, %mul3A_583 : i32
        %add3A_585 = vector.broadcast %add3A_584 : i32 to vector<16xi32>
        %add3A_586 = arith.addi %add3A_585, %iota3A : vector<16xi32>
        %abs3A_587 = math.absf %get3A_575 : vector<16xf32>
        %sub3A_588 = vector.broadcast %squeeze3A_61 : f32 to vector<16xf32>
        %sub3A_589 = arith.subf %get3A_575, %sub3A_588 : vector<16xf32>
        %mul3A_590 = arith.mulf %sub3A_589, %div3A_68 : vector<16xf32>
        %add3A_591 = arith.constant 5.000000e-01 : f32
        %add3A_592 = vector.broadcast %add3A_591 : f32 to vector<16xf32>
        %add3A_593 = arith.addf %mul3A_590, %add3A_592 : vector<16xf32>
        %convert_element_type3A_594 = arith.fptosi %add3A_593 : vector<16xf32> to vector<16xi32>
        %jit3A_595 = arith.constant 0 : i32
        %jit3A_596 = arith.constant 10 : i32
        %max3A_597 = vector.broadcast %jit3A_595 : i32 to vector<16xi32>
        %max3A_598 = arith.maxsi %max3A_597, %convert_element_type3A_594 : vector<16xi32>
        %min3A_599 = vector.broadcast %jit3A_596 : i32 to vector<16xi32>
        %min3A_600 = arith.minsi %min3A_599, %max3A_598 : vector<16xi32>
        %gather3A_601 = tpu.vector_load_idx %arg7[%min3A_600] : memref<16xf32, #tpu.memory_space<vmem>>[vector<16xi32>], vector<16xf32>,
        %lt3A_602 = arith.cmpf olt, %gather3A_601, %get3A_575 : vector<16xf32>
        %convert_element_type3A_603 = arith.extui %lt3A_602 : vector<16xi1> to vector<16xi32>
        %add3A_604 = arith.addi %min3A_600, %convert_element_type3A_603 : vector<16xi32>
        %sub3A_605 = arith.constant 1 : i32
        %sub3A_606 = vector.broadcast %sub3A_605 : i32 to vector<16xi32>
        %sub3A_607 = arith.subi %add3A_604, %sub3A_606 : vector<16xi32>
        %jit3A_608 = arith.constant 0 : i32
        %jit3A_609 = arith.constant 9 : i32
        %max3A_610 = vector.broadcast %jit3A_608 : i32 to vector<16xi32>
        %max3A_611 = arith.maxsi %max3A_610, %sub3A_607 : vector<16xi32>
        %min3A_612 = vector.broadcast %jit3A_609 : i32 to vector<16xi32>
        %min3A_613 = arith.minsi %min3A_612, %max3A_611 : vector<16xi32>
        %mul3A_614 = arith.constant 8 : i32
        %mul3A_615 = arith.muli %scan3A_432, %mul3A_614 : i32
        %add3A_616 = arith.constant 4 : i32
        %add3A_617 = arith.addi %mul3A_615, %add3A_616 : i32
        %mul3A_618 = arith.constant 16 : i32
        %mul3A_619 = arith.muli %add3A_617, %mul3A_618 : i32
        %get3A_620 = arith.index_cast %mul3A_619 : i32 to index
        %get3A_621 = tpu.vector_load %arg8[%get3A_620] {strides = array<i32>} : memref<8192xf32, #tpu.memory_space<vmem>>, vector<16xf32>,
        %mul3A_622 = arith.constant 8192 : i32
        %mul3A_623 = arith.muli %while3A_415, %mul3A_622 : i32
        %mul3A_624 = arith.constant 8 : i32
        %mul3A_625 = arith.muli %scan3A_432, %mul3A_624 : i32
        %add3A_626 = arith.constant 4 : i32
        %add3A_627 = arith.addi %mul3A_625, %add3A_626 : i32
        %mul3A_628 = arith.constant 16 : i32
        %mul3A_629 = arith.muli %add3A_627, %mul3A_628 : i32
        %add3A_630 = arith.addi %mul3A_623, %mul3A_629 : i32
        %add3A_631 = vector.broadcast %add3A_630 : i32 to vector<16xi32>
        %add3A_632 = arith.addi %add3A_631, %iota3A : vector<16xi32>
        %abs3A_633 = math.absf %get3A_621 : vector<16xf32>
        %sub3A_634 = vector.broadcast %squeeze3A_61 : f32 to vector<16xf32>
        %sub3A_635 = arith.subf %get3A_621, %sub3A_634 : vector<16xf32>
        %mul3A_636 = arith.mulf %sub3A_635, %div3A_68 : vector<16xf32>
        %add3A_637 = arith.constant 5.000000e-01 : f32
        %add3A_638 = vector.broadcast %add3A_637 : f32 to vector<16xf32>
        %add3A_639 = arith.addf %mul3A_636, %add3A_638 : vector<16xf32>
        %convert_element_type3A_640 = arith.fptosi %add3A_639 : vector<16xf32> to vector<16xi32>
        %jit3A_641 = arith.constant 0 : i32
        %jit3A_642 = arith.constant 10 : i32
        %max3A_643 = vector.broadcast %jit3A_641 : i32 to vector<16xi32>
        %max3A_644 = arith.maxsi %max3A_643, %convert_element_type3A_640 : vector<16xi32>
        %min3A_645 = vector.broadcast %jit3A_642 : i32 to vector<16xi32>
        %min3A_646 = arith.minsi %min3A_645, %max3A_644 : vector<16xi32>
        %gather3A_647 = tpu.vector_load_idx %arg7[%min3A_646] : memref<16xf32, #tpu.memory_space<vmem>>[vector<16xi32>], vector<16xf32>,
        %lt3A_648 = arith.cmpf olt, %gather3A_647, %get3A_621 : vector<16xf32>
        %convert_element_type3A_649 = arith.extui %lt3A_648 : vector<16xi1> to vector<16xi32>
        %add3A_650 = arith.addi %min3A_646, %convert_element_type3A_649 : vector<16xi32>
        %sub3A_651 = arith.constant 1 : i32
        %sub3A_652 = vector.broadcast %sub3A_651 : i32 to vector<16xi32>
        %sub3A_653 = arith.subi %add3A_650, %sub3A_652 : vector<16xi32>
        %jit3A_654 = arith.constant 0 : i32
        %jit3A_655 = arith.constant 9 : i32
        %max3A_656 = vector.broadcast %jit3A_654 : i32 to vector<16xi32>
        %max3A_657 = arith.maxsi %max3A_656, %sub3A_653 : vector<16xi32>
        %min3A_658 = vector.broadcast %jit3A_655 : i32 to vector<16xi32>
        %min3A_659 = arith.minsi %min3A_658, %max3A_657 : vector<16xi32>
        %mul3A_660 = arith.constant 8 : i32
        %mul3A_661 = arith.muli %scan3A_432, %mul3A_660 : i32
        %add3A_662 = arith.constant 5 : i32
        %add3A_663 = arith.addi %mul3A_661, %add3A_662 : i32
        %mul3A_664 = arith.constant 16 : i32
        %mul3A_665 = arith.muli %add3A_663, %mul3A_664 : i32
        %get3A_666 = arith.index_cast %mul3A_665 : i32 to index
        %get3A_667 = tpu.vector_load %arg8[%get3A_666] {strides = array<i32>} : memref<8192xf32, #tpu.memory_space<vmem>>, vector<16xf32>,
        %mul3A_668 = arith.constant 8192 : i32
        %mul3A_669 = arith.muli %while3A_415, %mul3A_668 : i32
        %mul3A_670 = arith.constant 8 : i32
        %mul3A_671 = arith.muli %scan3A_432, %mul3A_670 : i32
        %add3A_672 = arith.constant 5 : i32
        %add3A_673 = arith.addi %mul3A_671, %add3A_672 : i32
        %mul3A_674 = arith.constant 16 : i32
        %mul3A_675 = arith.muli %add3A_673, %mul3A_674 : i32
        %add3A_676 = arith.addi %mul3A_669, %mul3A_675 : i32
        %add3A_677 = vector.broadcast %add3A_676 : i32 to vector<16xi32>
        %add3A_678 = arith.addi %add3A_677, %iota3A : vector<16xi32>
        %abs3A_679 = math.absf %get3A_667 : vector<16xf32>
        %sub3A_680 = vector.broadcast %squeeze3A_61 : f32 to vector<16xf32>
        %sub3A_681 = arith.subf %get3A_667, %sub3A_680 : vector<16xf32>
        %mul3A_682 = arith.mulf %sub3A_681, %div3A_68 : vector<16xf32>
        %add3A_683 = arith.constant 5.000000e-01 : f32
        %add3A_684 = vector.broadcast %add3A_683 : f32 to vector<16xf32>
        %add3A_685 = arith.addf %mul3A_682, %add3A_684 : vector<16xf32>
        %convert_element_type3A_686 = arith.fptosi %add3A_685 : vector<16xf32> to vector<16xi32>
        %jit3A_687 = arith.constant 0 : i32
        %jit3A_688 = arith.constant 10 : i32
        %max3A_689 = vector.broadcast %jit3A_687 : i32 to vector<16xi32>
        %max3A_690 = arith.maxsi %max3A_689, %convert_element_type3A_686 : vector<16xi32>
        %min3A_691 = vector.broadcast %jit3A_688 : i32 to vector<16xi32>
        %min3A_692 = arith.minsi %min3A_691, %max3A_690 : vector<16xi32>
        %gather3A_693 = tpu.vector_load_idx %arg7[%min3A_692] : memref<16xf32, #tpu.memory_space<vmem>>[vector<16xi32>], vector<16xf32>,
        %lt3A_694 = arith.cmpf olt, %gather3A_693, %get3A_667 : vector<16xf32>
        %convert_element_type3A_695 = arith.extui %lt3A_694 : vector<16xi1> to vector<16xi32>
        %add3A_696 = arith.addi %min3A_692, %convert_element_type3A_695 : vector<16xi32>
        %sub3A_697 = arith.constant 1 : i32
        %sub3A_698 = vector.broadcast %sub3A_697 : i32 to vector<16xi32>
        %sub3A_699 = arith.subi %add3A_696, %sub3A_698 : vector<16xi32>
        %jit3A_700 = arith.constant 0 : i32
        %jit3A_701 = arith.constant 9 : i32
        %max3A_702 = vector.broadcast %jit3A_700 : i32 to vector<16xi32>
        %max3A_703 = arith.maxsi %max3A_702, %sub3A_699 : vector<16xi32>
        %min3A_704 = vector.broadcast %jit3A_701 : i32 to vector<16xi32>
        %min3A_705 = arith.minsi %min3A_704, %max3A_703 : vector<16xi32>
        %mul3A_706 = arith.constant 8 : i32
        %mul3A_707 = arith.muli %scan3A_432, %mul3A_706 : i32
        %add3A_708 = arith.constant 6 : i32
        %add3A_709 = arith.addi %mul3A_707, %add3A_708 : i32
        %mul3A_710 = arith.constant 16 : i32
        %mul3A_711 = arith.muli %add3A_709, %mul3A_710 : i32
        %get3A_712 = arith.index_cast %mul3A_711 : i32 to index
        %get3A_713 = tpu.vector_load %arg8[%get3A_712] {strides = array<i32>} : memref<8192xf32, #tpu.memory_space<vmem>>, vector<16xf32>,
        %mul3A_714 = arith.constant 8192 : i32
        %mul3A_715 = arith.muli %while3A_415, %mul3A_714 : i32
        %mul3A_716 = arith.constant 8 : i32
        %mul3A_717 = arith.muli %scan3A_432, %mul3A_716 : i32
        %add3A_718 = arith.constant 6 : i32
        %add3A_719 = arith.addi %mul3A_717, %add3A_718 : i32
        %mul3A_720 = arith.constant 16 : i32
        %mul3A_721 = arith.muli %add3A_719, %mul3A_720 : i32
        %add3A_722 = arith.addi %mul3A_715, %mul3A_721 : i32
        %add3A_723 = vector.broadcast %add3A_722 : i32 to vector<16xi32>
        %add3A_724 = arith.addi %add3A_723, %iota3A : vector<16xi32>
        %abs3A_725 = math.absf %get3A_713 : vector<16xf32>
        %sub3A_726 = vector.broadcast %squeeze3A_61 : f32 to vector<16xf32>
        %sub3A_727 = arith.subf %get3A_713, %sub3A_726 : vector<16xf32>
        %mul3A_728 = arith.mulf %sub3A_727, %div3A_68 : vector<16xf32>
        %add3A_729 = arith.constant 5.000000e-01 : f32
        %add3A_730 = vector.broadcast %add3A_729 : f32 to vector<16xf32>
        %add3A_731 = arith.addf %mul3A_728, %add3A_730 : vector<16xf32>
        %convert_element_type3A_732 = arith.fptosi %add3A_731 : vector<16xf32> to vector<16xi32>
        %jit3A_733 = arith.constant 0 : i32
        %jit3A_734 = arith.constant 10 : i32
        %max3A_735 = vector.broadcast %jit3A_733 : i32 to vector<16xi32>
        %max3A_736 = arith.maxsi %max3A_735, %convert_element_type3A_732 : vector<16xi32>
        %min3A_737 = vector.broadcast %jit3A_734 : i32 to vector<16xi32>
        %min3A_738 = arith.minsi %min3A_737, %max3A_736 : vector<16xi32>
        %gather3A_739 = tpu.vector_load_idx %arg7[%min3A_738] : memref<16xf32, #tpu.memory_space<vmem>>[vector<16xi32>], vector<16xf32>,
        %lt3A_740 = arith.cmpf olt, %gather3A_739, %get3A_713 : vector<16xf32>
        %convert_element_type3A_741 = arith.extui %lt3A_740 : vector<16xi1> to vector<16xi32>
        %add3A_742 = arith.addi %min3A_738, %convert_element_type3A_741 : vector<16xi32>
        %sub3A_743 = arith.constant 1 : i32
        %sub3A_744 = vector.broadcast %sub3A_743 : i32 to vector<16xi32>
        %sub3A_745 = arith.subi %add3A_742, %sub3A_744 : vector<16xi32>
        %jit3A_746 = arith.constant 0 : i32
        %jit3A_747 = arith.constant 9 : i32
        %max3A_748 = vector.broadcast %jit3A_746 : i32 to vector<16xi32>
        %max3A_749 = arith.maxsi %max3A_748, %sub3A_745 : vector<16xi32>
        %min3A_750 = vector.broadcast %jit3A_747 : i32 to vector<16xi32>
        %min3A_751 = arith.minsi %min3A_750, %max3A_749 : vector<16xi32>
        %mul3A_752 = arith.constant 8 : i32
        %mul3A_753 = arith.muli %scan3A_432, %mul3A_752 : i32
        %add3A_754 = arith.constant 7 : i32
        %add3A_755 = arith.addi %mul3A_753, %add3A_754 : i32
        %mul3A_756 = arith.constant 16 : i32
        %mul3A_757 = arith.muli %add3A_755, %mul3A_756 : i32
        %get3A_758 = arith.index_cast %mul3A_757 : i32 to index
        %get3A_759 = tpu.vector_load %arg8[%get3A_758] {strides = array<i32>} : memref<8192xf32, #tpu.memory_space<vmem>>, vector<16xf32>,
        %mul3A_760 = arith.constant 8192 : i32
        %mul3A_761 = arith.muli %while3A_415, %mul3A_760 : i32
        %mul3A_762 = arith.constant 8 : i32
        %mul3A_763 = arith.muli %scan3A_432, %mul3A_762 : i32
        %add3A_764 = arith.constant 7 : i32
        %add3A_765 = arith.addi %mul3A_763, %add3A_764 : i32
        %mul3A_766 = arith.constant 16 : i32
        %mul3A_767 = arith.muli %add3A_765, %mul3A_766 : i32
        %add3A_768 = arith.addi %mul3A_761, %mul3A_767 : i32
        %add3A_769 = vector.broadcast %add3A_768 : i32 to vector<16xi32>
        %add3A_770 = arith.addi %add3A_769, %iota3A : vector<16xi32>
        %abs3A_771 = math.absf %get3A_759 : vector<16xf32>
        %sub3A_772 = vector.broadcast %squeeze3A_61 : f32 to vector<16xf32>
        %sub3A_773 = arith.subf %get3A_759, %sub3A_772 : vector<16xf32>
        %mul3A_774 = arith.mulf %sub3A_773, %div3A_68 : vector<16xf32>
        %add3A_775 = arith.constant 5.000000e-01 : f32
        %add3A_776 = vector.broadcast %add3A_775 : f32 to vector<16xf32>
        %add3A_777 = arith.addf %mul3A_774, %add3A_776 : vector<16xf32>
        %convert_element_type3A_778 = arith.fptosi %add3A_777 : vector<16xf32> to vector<16xi32>
        %jit3A_779 = arith.constant 0 : i32
        %jit3A_780 = arith.constant 10 : i32
        %max3A_781 = vector.broadcast %jit3A_779 : i32 to vector<16xi32>
        %max3A_782 = arith.maxsi %max3A_781, %convert_element_type3A_778 : vector<16xi32>
        %min3A_783 = vector.broadcast %jit3A_780 : i32 to vector<16xi32>
        %min3A_784 = arith.minsi %min3A_783, %max3A_782 : vector<16xi32>
        %gather3A_785 = tpu.vector_load_idx %arg7[%min3A_784] : memref<16xf32, #tpu.memory_space<vmem>>[vector<16xi32>], vector<16xf32>,
        %lt3A_786 = arith.cmpf olt, %gather3A_785, %get3A_759 : vector<16xf32>
        %convert_element_type3A_787 = arith.extui %lt3A_786 : vector<16xi1> to vector<16xi32>
        %add3A_788 = arith.addi %min3A_784, %convert_element_type3A_787 : vector<16xi32>
        %sub3A_789 = arith.constant 1 : i32
        %sub3A_790 = vector.broadcast %sub3A_789 : i32 to vector<16xi32>
        %sub3A_791 = arith.subi %add3A_788, %sub3A_790 : vector<16xi32>
        %jit3A_792 = arith.constant 0 : i32
        %jit3A_793 = arith.constant 9 : i32
        %max3A_794 = vector.broadcast %jit3A_792 : i32 to vector<16xi32>
        %max3A_795 = arith.maxsi %max3A_794, %sub3A_791 : vector<16xi32>
        %min3A_796 = vector.broadcast %jit3A_793 : i32 to vector<16xi32>
        %min3A_797 = arith.minsi %min3A_796, %max3A_795 : vector<16xi32>
        %mul3A_798 = arith.constant 8192 : i32
        %mul3A_799 = arith.muli %while3A_415, %mul3A_798 : i32
        %mul3A_800 = arith.constant 8 : i32
        %mul3A_801 = arith.muli %scan3A_432, %mul3A_800 : i32
        %add3A_802 = arith.constant 8 : i32
        %add3A_803 = arith.addi %mul3A_801, %add3A_802 : i32
        %mul3A_804 = arith.constant 16 : i32
        %mul3A_805 = arith.muli %add3A_803, %mul3A_804 : i32
        %add3A_806 = arith.addi %mul3A_799, %mul3A_805 : i32
        %sub3A_807 = arith.constant 1 : i32
        %sub3A_808 = arith.subi %add3A_806, %sub3A_807 : i32
        %broadcast_in_dim3A_809 = vector.broadcast %scan3A_433 : i32 to vector<16xi32>
        %broadcast_in_dim3A_810 = vector.broadcast %scan3A_433 : i32 to vector<16xi32>
        %broadcast_in_dim3A_811 = vector.broadcast %scan3A_433 : i32 to vector<16xi32>
        %broadcast_in_dim3A_812 = vector.broadcast %scan3A_433 : i32 to vector<16xi32>
        %broadcast_in_dim3A_813 = vector.broadcast %scan3A_433 : i32 to vector<16xi32>
        %broadcast_in_dim3A_814 = vector.broadcast %scan3A_433 : i32 to vector<16xi32>
        %broadcast_in_dim3A_815 = vector.broadcast %scan3A_433 : i32 to vector<16xi32>
        %broadcast_in_dim3A_816 = vector.broadcast %scan3A_433 : i32 to vector<16xi32>
        %while3A_817:10 = scf.while (%while3A_874 = %scan3A_433, %while3A_875 = %scan3A_434, %while3A_876 = %broadcast_in_dim3A_809, %while3A_877 = %broadcast_in_dim3A_810, %while3A_878 = %broadcast_in_dim3A_811, %while3A_879 = %broadcast_in_dim3A_812, %while3A_880 = %broadcast_in_dim3A_813, %while3A_881 = %broadcast_in_dim3A_814, %while3A_882 = %broadcast_in_dim3A_815, %while3A_883 = %broadcast_in_dim3A_816) : (i32, i32, vector<16xi32>, vector<16xi32>, vector<16xi32>, vector<16xi32>, vector<16xi32>, vector<16xi32>, vector<16xi32>, vector<16xi32>) -> (i32, i32, vector<16xi32>, vector<16xi32>, vector<16xi32>, vector<16xi32>, vector<16xi32>, vector<16xi32>, vector<16xi32>, vector<16xi32>) {
          %lt3A_884 = arith.constant 2000 : i32
          %lt3A_885 = arith.cmpi slt, %while3A_874, %lt3A_884 : i32
          %le3A = arith.cmpi sle, %while3A_875, %sub3A_808 : i32
          %and3A_886 = arith.andi %lt3A_885, %le3A : i1
          scf.condition(%and3A_886) %while3A_874, %while3A_875, %while3A_876, %while3A_877, %while3A_878, %while3A_879, %while3A_880, %while3A_881, %while3A_882, %while3A_883 : i32, i32, vector<16xi32>, vector<16xi32>, vector<16xi32>, vector<16xi32>, vector<16xi32>, vector<16xi32>, vector<16xi32>, vector<16xi32>
        } do {
        ^bb0(%while3A_874: i32, %while3A_875: i32, %while3A_876: vector<16xi32>, %while3A_877: vector<16xi32>, %while3A_878: vector<16xi32>, %while3A_879: vector<16xi32>, %while3A_880: vector<16xi32>, %while3A_881: vector<16xi32>, %while3A_882: vector<16xi32>, %while3A_883: vector<16xi32>):
          %ge3A = vector.broadcast %while3A_875 : i32 to vector<16xi32>
          %ge3A_884 = arith.cmpi sge, %add3A_453, %ge3A : vector<16xi32>
          %convert_element_type3A_885 = arith.extui %ge3A_884 : vector<16xi1> to vector<16xi32>
          %add3A_886 = arith.addi %while3A_876, %convert_element_type3A_885 : vector<16xi32>
          %ge3A_887 = vector.broadcast %while3A_875 : i32 to vector<16xi32>
          %ge3A_888 = arith.cmpi sge, %add3A_494, %ge3A_887 : vector<16xi32>
          %convert_element_type3A_889 = arith.extui %ge3A_888 : vector<16xi1> to vector<16xi32>
          %add3A_890 = arith.addi %while3A_877, %convert_element_type3A_889 : vector<16xi32>
          %ge3A_891 = vector.broadcast %while3A_875 : i32 to vector<16xi32>
          %ge3A_892 = arith.cmpi sge, %add3A_540, %ge3A_891 : vector<16xi32>
          %convert_element_type3A_893 = arith.extui %ge3A_892 : vector<16xi1> to vector<16xi32>
          %add3A_894 = arith.addi %while3A_878, %convert_element_type3A_893 : vector<16xi32>
          %ge3A_895 = vector.broadcast %while3A_875 : i32 to vector<16xi32>
          %ge3A_896 = arith.cmpi sge, %add3A_586, %ge3A_895 : vector<16xi32>
          %convert_element_type3A_897 = arith.extui %ge3A_896 : vector<16xi1> to vector<16xi32>
          %add3A_898 = arith.addi %while3A_879, %convert_element_type3A_897 : vector<16xi32>
          %ge3A_899 = vector.broadcast %while3A_875 : i32 to vector<16xi32>
          %ge3A_900 = arith.cmpi sge, %add3A_632, %ge3A_899 : vector<16xi32>
          %convert_element_type3A_901 = arith.extui %ge3A_900 : vector<16xi1> to vector<16xi32>
          %add3A_902 = arith.addi %while3A_880, %convert_element_type3A_901 : vector<16xi32>
          %ge3A_903 = vector.broadcast %while3A_875 : i32 to vector<16xi32>
          %ge3A_904 = arith.cmpi sge, %add3A_678, %ge3A_903 : vector<16xi32>
          %convert_element_type3A_905 = arith.extui %ge3A_904 : vector<16xi1> to vector<16xi32>
          %add3A_906 = arith.addi %while3A_881, %convert_element_type3A_905 : vector<16xi32>
          %ge3A_907 = vector.broadcast %while3A_875 : i32 to vector<16xi32>
          %ge3A_908 = arith.cmpi sge, %add3A_724, %ge3A_907 : vector<16xi32>
          %convert_element_type3A_909 = arith.extui %ge3A_908 : vector<16xi1> to vector<16xi32>
          %add3A_910 = arith.addi %while3A_882, %convert_element_type3A_909 : vector<16xi32>
          %ge3A_911 = vector.broadcast %while3A_875 : i32 to vector<16xi32>
          %ge3A_912 = arith.cmpi sge, %add3A_770, %ge3A_911 : vector<16xi32>
          %convert_element_type3A_913 = arith.extui %ge3A_912 : vector<16xi1> to vector<16xi32>
          %add3A_914 = arith.addi %while3A_883, %convert_element_type3A_913 : vector<16xi32>
          %add3A_915 = arith.constant 1 : i32
          %add3A_916 = arith.addi %while3A_874, %add3A_915 : i32
          %add3A_917 = arith.constant 1 : i32
          %add3A_918 = arith.addi %add3A_916, %add3A_917 : i32
          %get3A_919 = arith.index_cast %add3A_918 : i32 to index
          %get3A_920 = tpu.vector_load %arg6[%get3A_919] {strides = array<i32>} : memref<2032xi32, #tpu.memory_space<vmem>>, vector<16xi32>,
          %slice3A_921 = vector.extract_strided_slice %get3A_920 {offsets = [0], sizes = [1], strides = [1]} : vector<16xi32> to vector<1xi32>
          %squeeze3A_922 = vector.extract %slice3A_921[0] : i32 from vector<1xi32>
          scf.yield %add3A_916, %squeeze3A_922, %add3A_886, %add3A_890, %add3A_894, %add3A_898, %add3A_902, %add3A_906, %add3A_910, %add3A_914 : i32, i32, vector<16xi32>, vector<16xi32>, vector<16xi32>, vector<16xi32>, vector<16xi32>, vector<16xi32>, vector<16xi32>, vector<16xi32>
        }
        %mul3A_818 = arith.constant 2008 : i32
        %mul3A_819 = vector.broadcast %mul3A_818 : i32 to vector<16xi32>
        %mul3A_820 = arith.muli %min3A_475, %mul3A_819 : vector<16xi32>
        %add3A_821 = arith.addi %while3A_817#2, %mul3A_820 : vector<16xi32>
        tpu.vector_store_idx %arg9[%add3A_821], %broadcast_in_dim3A_70 {add = true} : memref<40160xf32, #tpu.memory_space<vmem>>[vector<16xi32>], vector<16xf32>,
        %add3A_822 = arith.constant 20080 : i32
        %add3A_823 = vector.broadcast %add3A_822 : i32 to vector<16xi32>
        %add3A_824 = arith.addi %add3A_821, %add3A_823 : vector<16xi32>
        tpu.vector_store_idx %arg9[%add3A_824], %abs3A {add = true} : memref<40160xf32, #tpu.memory_space<vmem>>[vector<16xi32>], vector<16xf32>,
        %mul3A_825 = arith.constant 2008 : i32
        %mul3A_826 = vector.broadcast %mul3A_825 : i32 to vector<16xi32>
        %mul3A_827 = arith.muli %min3A_521, %mul3A_826 : vector<16xi32>
        %add3A_828 = arith.addi %while3A_817#3, %mul3A_827 : vector<16xi32>
        tpu.vector_store_idx %arg9[%add3A_828], %broadcast_in_dim3A_70 {add = true} : memref<40160xf32, #tpu.memory_space<vmem>>[vector<16xi32>], vector<16xf32>,
        %add3A_829 = arith.constant 20080 : i32
        %add3A_830 = vector.broadcast %add3A_829 : i32 to vector<16xi32>
        %add3A_831 = arith.addi %add3A_828, %add3A_830 : vector<16xi32>
        tpu.vector_store_idx %arg9[%add3A_831], %abs3A_495 {add = true} : memref<40160xf32, #tpu.memory_space<vmem>>[vector<16xi32>], vector<16xf32>,
        %mul3A_832 = arith.constant 2008 : i32
        %mul3A_833 = vector.broadcast %mul3A_832 : i32 to vector<16xi32>
        %mul3A_834 = arith.muli %min3A_567, %mul3A_833 : vector<16xi32>
        %add3A_835 = arith.addi %while3A_817#4, %mul3A_834 : vector<16xi32>
        tpu.vector_store_idx %arg9[%add3A_835], %broadcast_in_dim3A_70 {add = true} : memref<40160xf32, #tpu.memory_space<vmem>>[vector<16xi32>], vector<16xf32>,
        %add3A_836 = arith.constant 20080 : i32
        %add3A_837 = vector.broadcast %add3A_836 : i32 to vector<16xi32>
        %add3A_838 = arith.addi %add3A_835, %add3A_837 : vector<16xi32>
        tpu.vector_store_idx %arg9[%add3A_838], %abs3A_541 {add = true} : memref<40160xf32, #tpu.memory_space<vmem>>[vector<16xi32>], vector<16xf32>,
        %mul3A_839 = arith.constant 2008 : i32
        %mul3A_840 = vector.broadcast %mul3A_839 : i32 to vector<16xi32>
        %mul3A_841 = arith.muli %min3A_613, %mul3A_840 : vector<16xi32>
        %add3A_842 = arith.addi %while3A_817#5, %mul3A_841 : vector<16xi32>
        tpu.vector_store_idx %arg9[%add3A_842], %broadcast_in_dim3A_70 {add = true} : memref<40160xf32, #tpu.memory_space<vmem>>[vector<16xi32>], vector<16xf32>,
        %add3A_843 = arith.constant 20080 : i32
        %add3A_844 = vector.broadcast %add3A_843 : i32 to vector<16xi32>
        %add3A_845 = arith.addi %add3A_842, %add3A_844 : vector<16xi32>
        tpu.vector_store_idx %arg9[%add3A_845], %abs3A_587 {add = true} : memref<40160xf32, #tpu.memory_space<vmem>>[vector<16xi32>], vector<16xf32>,
        %mul3A_846 = arith.constant 2008 : i32
        %mul3A_847 = vector.broadcast %mul3A_846 : i32 to vector<16xi32>
        %mul3A_848 = arith.muli %min3A_659, %mul3A_847 : vector<16xi32>
        %add3A_849 = arith.addi %while3A_817#6, %mul3A_848 : vector<16xi32>
        tpu.vector_store_idx %arg9[%add3A_849], %broadcast_in_dim3A_70 {add = true} : memref<40160xf32, #tpu.memory_space<vmem>>[vector<16xi32>], vector<16xf32>,
        %add3A_850 = arith.constant 20080 : i32
        %add3A_851 = vector.broadcast %add3A_850 : i32 to vector<16xi32>
        %add3A_852 = arith.addi %add3A_849, %add3A_851 : vector<16xi32>
        tpu.vector_store_idx %arg9[%add3A_852], %abs3A_633 {add = true} : memref<40160xf32, #tpu.memory_space<vmem>>[vector<16xi32>], vector<16xf32>,
        %mul3A_853 = arith.constant 2008 : i32
        %mul3A_854 = vector.broadcast %mul3A_853 : i32 to vector<16xi32>
        %mul3A_855 = arith.muli %min3A_705, %mul3A_854 : vector<16xi32>
        %add3A_856 = arith.addi %while3A_817#7, %mul3A_855 : vector<16xi32>
        tpu.vector_store_idx %arg9[%add3A_856], %broadcast_in_dim3A_70 {add = true} : memref<40160xf32, #tpu.memory_space<vmem>>[vector<16xi32>], vector<16xf32>,
        %add3A_857 = arith.constant 20080 : i32
        %add3A_858 = vector.broadcast %add3A_857 : i32 to vector<16xi32>
        %add3A_859 = arith.addi %add3A_856, %add3A_858 : vector<16xi32>
        tpu.vector_store_idx %arg9[%add3A_859], %abs3A_679 {add = true} : memref<40160xf32, #tpu.memory_space<vmem>>[vector<16xi32>], vector<16xf32>,
        %mul3A_860 = arith.constant 2008 : i32
        %mul3A_861 = vector.broadcast %mul3A_860 : i32 to vector<16xi32>
        %mul3A_862 = arith.muli %min3A_751, %mul3A_861 : vector<16xi32>
        %add3A_863 = arith.addi %while3A_817#8, %mul3A_862 : vector<16xi32>
        tpu.vector_store_idx %arg9[%add3A_863], %broadcast_in_dim3A_70 {add = true} : memref<40160xf32, #tpu.memory_space<vmem>>[vector<16xi32>], vector<16xf32>,
        %add3A_864 = arith.constant 20080 : i32
        %add3A_865 = vector.broadcast %add3A_864 : i32 to vector<16xi32>
        %add3A_866 = arith.addi %add3A_863, %add3A_865 : vector<16xi32>
        tpu.vector_store_idx %arg9[%add3A_866], %abs3A_725 {add = true} : memref<40160xf32, #tpu.memory_space<vmem>>[vector<16xi32>], vector<16xf32>,
        %mul3A_867 = arith.constant 2008 : i32
        %mul3A_868 = vector.broadcast %mul3A_867 : i32 to vector<16xi32>
        %mul3A_869 = arith.muli %min3A_797, %mul3A_868 : vector<16xi32>
        %add3A_870 = arith.addi %while3A_817#9, %mul3A_869 : vector<16xi32>
        tpu.vector_store_idx %arg9[%add3A_870], %broadcast_in_dim3A_70 {add = true} : memref<40160xf32, #tpu.memory_space<vmem>>[vector<16xi32>], vector<16xf32>,
        %add3A_871 = arith.constant 20080 : i32
        %add3A_872 = vector.broadcast %add3A_871 : i32 to vector<16xi32>
        %add3A_873 = arith.addi %add3A_870, %add3A_872 : vector<16xi32>
        tpu.vector_store_idx %arg9[%add3A_873], %abs3A_771 {add = true} : memref<40160xf32, #tpu.memory_space<vmem>>[vector<16xi32>], vector<16xf32>,
        scf.yield %while3A_817#0, %while3A_817#1 : i32, i32
      }
      %scan3A_431 = arith.constant 64 : i32
      scf.yield %scan3A_430#0, %scan3A_430#1 : i32, i32
    }
    %while3A_95 = arith.constant 1 : i32
    %while3A_96:2 = scf.for %while3A_415 = %while3A_92 to %while3A_88 step %while3A_95 iter_args(%while3A_416 = %while3A_94#0, %while3A_417 = %while3A_94#1) -> (i32, i32)  : i32 {
      %mul3A_418 = arith.constant 8192 : i32
      %mul3A_419 = arith.muli %while3A_415, %mul3A_418 : i32
      %dma_start3A_420 = tpu.memref_slice %arg2[%mul3A_419] : memref<4000000xf32, #tpu.memory_space<hbm>> -> memref<8192xf32, #tpu.memory_space<hbm>>
      %dma_start3A_421 = tpu.memref_slice %arg2[%mul3A_419] : memref<4000000xf32, #tpu.memory_space<hbm>> -> memref<8192xf32, #tpu.memory_space<hbm>>
      tpu.enqueue_dma source(%dma_start3A_421 : memref<8192xf32, #tpu.memory_space<hbm>>) target(%arg8 : memref<8192xf32, #tpu.memory_space<vmem>>) target_semaphore(%arg10 : memref<!tpu.dma_semaphore, #tpu.memory_space<semaphore_mem>>)
      %mul3A_422 = arith.constant 8192 : i32
      %mul3A_423 = arith.muli %while3A_415, %mul3A_422 : i32
      %dma_wait3A_424 = tpu.memref_slice %arg2[%mul3A_423] : memref<4000000xf32, #tpu.memory_space<hbm>> -> memref<8192xf32, #tpu.memory_space<hbm>>
      %dma_wait3A_425 = tpu.memref_slice %arg2[%mul3A_423] : memref<4000000xf32, #tpu.memory_space<hbm>> -> memref<8192xf32, #tpu.memory_space<hbm>>
      tpu.wait_dma2 semaphore(%arg10 : memref<!tpu.dma_semaphore, #tpu.memory_space<semaphore_mem>>) src(%dma_wait3A_425 : memref<8192xf32, #tpu.memory_space<hbm>>) dst(%arg8 : memref<8192xf32, #tpu.memory_space<vmem>>)
      %scan3A_426 = arith.constant 0 : i32
      %scan3A_427 = arith.constant 64 : i32
      %scan3A_428 = arith.addi %scan3A_426, %scan3A_427 : i32
      %scan3A_429 = arith.constant 1 : i32
      %scan3A_430:2 = scf.for %scan3A_432 = %scan3A_426 to %scan3A_428 step %scan3A_429 iter_args(%scan3A_433 = %while3A_416, %scan3A_434 = %while3A_417) -> (i32, i32)  : i32 {
        %mul3A_435 = arith.constant 8 : i32
        %mul3A_436 = arith.muli %scan3A_432, %mul3A_435 : i32
        %add3A_437 = arith.constant 0 : i32
        %add3A_438 = arith.addi %mul3A_436, %add3A_437 : i32
        %mul3A_439 = arith.constant 16 : i32
        %mul3A_440 = arith.muli %add3A_438, %mul3A_439 : i32
        %get3A_441 = arith.index_cast %mul3A_440 : i32 to index
        %get3A_442 = tpu.vector_load %arg8[%get3A_441] {strides = array<i32>} : memref<8192xf32, #tpu.memory_space<vmem>>, vector<16xf32>,
        %mul3A_443 = arith.constant 8192 : i32
        %mul3A_444 = arith.muli %while3A_415, %mul3A_443 : i32
        %mul3A_445 = arith.constant 8 : i32
        %mul3A_446 = arith.muli %scan3A_432, %mul3A_445 : i32
        %add3A_447 = arith.constant 0 : i32
        %add3A_448 = arith.addi %mul3A_446, %add3A_447 : i32
        %mul3A_449 = arith.constant 16 : i32
        %mul3A_450 = arith.muli %add3A_448, %mul3A_449 : i32
        %add3A_451 = arith.addi %mul3A_444, %mul3A_450 : i32
        %add3A_452 = vector.broadcast %add3A_451 : i32 to vector<16xi32>
        %add3A_453 = arith.addi %add3A_452, %iota3A : vector<16xi32>
        %abs3A = math.absf %get3A_442 : vector<16xf32>
        %sub3A_454 = vector.broadcast %squeeze3A_61 : f32 to vector<16xf32>
        %sub3A_455 = arith.subf %get3A_442, %sub3A_454 : vector<16xf32>
        %mul3A_456 = arith.mulf %sub3A_455, %div3A_68 : vector<16xf32>
        %add3A_457 = arith.constant 5.000000e-01 : f32
        %add3A_458 = vector.broadcast %add3A_457 : f32 to vector<16xf32>
        %add3A_459 = arith.addf %mul3A_456, %add3A_458 : vector<16xf32>
        %convert_element_type3A = arith.fptosi %add3A_459 : vector<16xf32> to vector<16xi32>
        %jit3A_460 = arith.constant 0 : i32
        %jit3A_461 = arith.constant 10 : i32
        %max3A = vector.broadcast %jit3A_460 : i32 to vector<16xi32>
        %max3A_462 = arith.maxsi %max3A, %convert_element_type3A : vector<16xi32>
        %min3A_463 = vector.broadcast %jit3A_461 : i32 to vector<16xi32>
        %min3A_464 = arith.minsi %min3A_463, %max3A_462 : vector<16xi32>
        %gather3A = tpu.vector_load_idx %arg7[%min3A_464] : memref<16xf32, #tpu.memory_space<vmem>>[vector<16xi32>], vector<16xf32>,
        %lt3A = arith.cmpf olt, %gather3A, %get3A_442 : vector<16xf32>
        %convert_element_type3A_465 = arith.extui %lt3A : vector<16xi1> to vector<16xi32>
        %add3A_466 = arith.addi %min3A_464, %convert_element_type3A_465 : vector<16xi32>
        %sub3A_467 = arith.constant 1 : i32
        %sub3A_468 = vector.broadcast %sub3A_467 : i32 to vector<16xi32>
        %sub3A_469 = arith.subi %add3A_466, %sub3A_468 : vector<16xi32>
        %jit3A_470 = arith.constant 0 : i32
        %jit3A_471 = arith.constant 9 : i32
        %max3A_472 = vector.broadcast %jit3A_470 : i32 to vector<16xi32>
        %max3A_473 = arith.maxsi %max3A_472, %sub3A_469 : vector<16xi32>
        %min3A_474 = vector.broadcast %jit3A_471 : i32 to vector<16xi32>
        %min3A_475 = arith.minsi %min3A_474, %max3A_473 : vector<16xi32>
        %mul3A_476 = arith.constant 8 : i32
        %mul3A_477 = arith.muli %scan3A_432, %mul3A_476 : i32
        %add3A_478 = arith.constant 1 : i32
        %add3A_479 = arith.addi %mul3A_477, %add3A_478 : i32
        %mul3A_480 = arith.constant 16 : i32
        %mul3A_481 = arith.muli %add3A_479, %mul3A_480 : i32
        %get3A_482 = arith.index_cast %mul3A_481 : i32 to index
        %get3A_483 = tpu.vector_load %arg8[%get3A_482] {strides = array<i32>} : memref<8192xf32, #tpu.memory_space<vmem>>, vector<16xf32>,
        %mul3A_484 = arith.constant 8192 : i32
        %mul3A_485 = arith.muli %while3A_415, %mul3A_484 : i32
        %mul3A_486 = arith.constant 8 : i32
        %mul3A_487 = arith.muli %scan3A_432, %mul3A_486 : i32
        %add3A_488 = arith.constant 1 : i32
        %add3A_489 = arith.addi %mul3A_487, %add3A_488 : i32
        %mul3A_490 = arith.constant 16 : i32
        %mul3A_491 = arith.muli %add3A_489, %mul3A_490 : i32
        %add3A_492 = arith.addi %mul3A_485, %mul3A_491 : i32
        %add3A_493 = vector.broadcast %add3A_492 : i32 to vector<16xi32>
        %add3A_494 = arith.addi %add3A_493, %iota3A : vector<16xi32>
        %abs3A_495 = math.absf %get3A_483 : vector<16xf32>
        %sub3A_496 = vector.broadcast %squeeze3A_61 : f32 to vector<16xf32>
        %sub3A_497 = arith.subf %get3A_483, %sub3A_496 : vector<16xf32>
        %mul3A_498 = arith.mulf %sub3A_497, %div3A_68 : vector<16xf32>
        %add3A_499 = arith.constant 5.000000e-01 : f32
        %add3A_500 = vector.broadcast %add3A_499 : f32 to vector<16xf32>
        %add3A_501 = arith.addf %mul3A_498, %add3A_500 : vector<16xf32>
        %convert_element_type3A_502 = arith.fptosi %add3A_501 : vector<16xf32> to vector<16xi32>
        %jit3A_503 = arith.constant 0 : i32
        %jit3A_504 = arith.constant 10 : i32
        %max3A_505 = vector.broadcast %jit3A_503 : i32 to vector<16xi32>
        %max3A_506 = arith.maxsi %max3A_505, %convert_element_type3A_502 : vector<16xi32>
        %min3A_507 = vector.broadcast %jit3A_504 : i32 to vector<16xi32>
        %min3A_508 = arith.minsi %min3A_507, %max3A_506 : vector<16xi32>
        %gather3A_509 = tpu.vector_load_idx %arg7[%min3A_508] : memref<16xf32, #tpu.memory_space<vmem>>[vector<16xi32>], vector<16xf32>,
        %lt3A_510 = arith.cmpf olt, %gather3A_509, %get3A_483 : vector<16xf32>
        %convert_element_type3A_511 = arith.extui %lt3A_510 : vector<16xi1> to vector<16xi32>
        %add3A_512 = arith.addi %min3A_508, %convert_element_type3A_511 : vector<16xi32>
        %sub3A_513 = arith.constant 1 : i32
        %sub3A_514 = vector.broadcast %sub3A_513 : i32 to vector<16xi32>
        %sub3A_515 = arith.subi %add3A_512, %sub3A_514 : vector<16xi32>
        %jit3A_516 = arith.constant 0 : i32
        %jit3A_517 = arith.constant 9 : i32
        %max3A_518 = vector.broadcast %jit3A_516 : i32 to vector<16xi32>
        %max3A_519 = arith.maxsi %max3A_518, %sub3A_515 : vector<16xi32>
        %min3A_520 = vector.broadcast %jit3A_517 : i32 to vector<16xi32>
        %min3A_521 = arith.minsi %min3A_520, %max3A_519 : vector<16xi32>
        %mul3A_522 = arith.constant 8 : i32
        %mul3A_523 = arith.muli %scan3A_432, %mul3A_522 : i32
        %add3A_524 = arith.constant 2 : i32
        %add3A_525 = arith.addi %mul3A_523, %add3A_524 : i32
        %mul3A_526 = arith.constant 16 : i32
        %mul3A_527 = arith.muli %add3A_525, %mul3A_526 : i32
        %get3A_528 = arith.index_cast %mul3A_527 : i32 to index
        %get3A_529 = tpu.vector_load %arg8[%get3A_528] {strides = array<i32>} : memref<8192xf32, #tpu.memory_space<vmem>>, vector<16xf32>,
        %mul3A_530 = arith.constant 8192 : i32
        %mul3A_531 = arith.muli %while3A_415, %mul3A_530 : i32
        %mul3A_532 = arith.constant 8 : i32
        %mul3A_533 = arith.muli %scan3A_432, %mul3A_532 : i32
        %add3A_534 = arith.constant 2 : i32
        %add3A_535 = arith.addi %mul3A_533, %add3A_534 : i32
        %mul3A_536 = arith.constant 16 : i32
        %mul3A_537 = arith.muli %add3A_535, %mul3A_536 : i32
        %add3A_538 = arith.addi %mul3A_531, %mul3A_537 : i32
        %add3A_539 = vector.broadcast %add3A_538 : i32 to vector<16xi32>
        %add3A_540 = arith.addi %add3A_539, %iota3A : vector<16xi32>
        %abs3A_541 = math.absf %get3A_529 : vector<16xf32>
        %sub3A_542 = vector.broadcast %squeeze3A_61 : f32 to vector<16xf32>
        %sub3A_543 = arith.subf %get3A_529, %sub3A_542 : vector<16xf32>
        %mul3A_544 = arith.mulf %sub3A_543, %div3A_68 : vector<16xf32>
        %add3A_545 = arith.constant 5.000000e-01 : f32
        %add3A_546 = vector.broadcast %add3A_545 : f32 to vector<16xf32>
        %add3A_547 = arith.addf %mul3A_544, %add3A_546 : vector<16xf32>
        %convert_element_type3A_548 = arith.fptosi %add3A_547 : vector<16xf32> to vector<16xi32>
        %jit3A_549 = arith.constant 0 : i32
        %jit3A_550 = arith.constant 10 : i32
        %max3A_551 = vector.broadcast %jit3A_549 : i32 to vector<16xi32>
        %max3A_552 = arith.maxsi %max3A_551, %convert_element_type3A_548 : vector<16xi32>
        %min3A_553 = vector.broadcast %jit3A_550 : i32 to vector<16xi32>
        %min3A_554 = arith.minsi %min3A_553, %max3A_552 : vector<16xi32>
        %gather3A_555 = tpu.vector_load_idx %arg7[%min3A_554] : memref<16xf32, #tpu.memory_space<vmem>>[vector<16xi32>], vector<16xf32>,
        %lt3A_556 = arith.cmpf olt, %gather3A_555, %get3A_529 : vector<16xf32>
        %convert_element_type3A_557 = arith.extui %lt3A_556 : vector<16xi1> to vector<16xi32>
        %add3A_558 = arith.addi %min3A_554, %convert_element_type3A_557 : vector<16xi32>
        %sub3A_559 = arith.constant 1 : i32
        %sub3A_560 = vector.broadcast %sub3A_559 : i32 to vector<16xi32>
        %sub3A_561 = arith.subi %add3A_558, %sub3A_560 : vector<16xi32>
        %jit3A_562 = arith.constant 0 : i32
        %jit3A_563 = arith.constant 9 : i32
        %max3A_564 = vector.broadcast %jit3A_562 : i32 to vector<16xi32>
        %max3A_565 = arith.maxsi %max3A_564, %sub3A_561 : vector<16xi32>
        %min3A_566 = vector.broadcast %jit3A_563 : i32 to vector<16xi32>
        %min3A_567 = arith.minsi %min3A_566, %max3A_565 : vector<16xi32>
        %mul3A_568 = arith.constant 8 : i32
        %mul3A_569 = arith.muli %scan3A_432, %mul3A_568 : i32
        %add3A_570 = arith.constant 3 : i32
        %add3A_571 = arith.addi %mul3A_569, %add3A_570 : i32
        %mul3A_572 = arith.constant 16 : i32
        %mul3A_573 = arith.muli %add3A_571, %mul3A_572 : i32
        %get3A_574 = arith.index_cast %mul3A_573 : i32 to index
        %get3A_575 = tpu.vector_load %arg8[%get3A_574] {strides = array<i32>} : memref<8192xf32, #tpu.memory_space<vmem>>, vector<16xf32>,
        %mul3A_576 = arith.constant 8192 : i32
        %mul3A_577 = arith.muli %while3A_415, %mul3A_576 : i32
        %mul3A_578 = arith.constant 8 : i32
        %mul3A_579 = arith.muli %scan3A_432, %mul3A_578 : i32
        %add3A_580 = arith.constant 3 : i32
        %add3A_581 = arith.addi %mul3A_579, %add3A_580 : i32
        %mul3A_582 = arith.constant 16 : i32
        %mul3A_583 = arith.muli %add3A_581, %mul3A_582 : i32
        %add3A_584 = arith.addi %mul3A_577, %mul3A_583 : i32
        %add3A_585 = vector.broadcast %add3A_584 : i32 to vector<16xi32>
        %add3A_586 = arith.addi %add3A_585, %iota3A : vector<16xi32>
        %abs3A_587 = math.absf %get3A_575 : vector<16xf32>
        %sub3A_588 = vector.broadcast %squeeze3A_61 : f32 to vector<16xf32>
        %sub3A_589 = arith.subf %get3A_575, %sub3A_588 : vector<16xf32>
        %mul3A_590 = arith.mulf %sub3A_589, %div3A_68 : vector<16xf32>
        %add3A_591 = arith.constant 5.000000e-01 : f32
        %add3A_592 = vector.broadcast %add3A_591 : f32 to vector<16xf32>
        %add3A_593 = arith.addf %mul3A_590, %add3A_592 : vector<16xf32>
        %convert_element_type3A_594 = arith.fptosi %add3A_593 : vector<16xf32> to vector<16xi32>
        %jit3A_595 = arith.constant 0 : i32
        %jit3A_596 = arith.constant 10 : i32
        %max3A_597 = vector.broadcast %jit3A_595 : i32 to vector<16xi32>
        %max3A_598 = arith.maxsi %max3A_597, %convert_element_type3A_594 : vector<16xi32>
        %min3A_599 = vector.broadcast %jit3A_596 : i32 to vector<16xi32>
        %min3A_600 = arith.minsi %min3A_599, %max3A_598 : vector<16xi32>
        %gather3A_601 = tpu.vector_load_idx %arg7[%min3A_600] : memref<16xf32, #tpu.memory_space<vmem>>[vector<16xi32>], vector<16xf32>,
        %lt3A_602 = arith.cmpf olt, %gather3A_601, %get3A_575 : vector<16xf32>
        %convert_element_type3A_603 = arith.extui %lt3A_602 : vector<16xi1> to vector<16xi32>
        %add3A_604 = arith.addi %min3A_600, %convert_element_type3A_603 : vector<16xi32>
        %sub3A_605 = arith.constant 1 : i32
        %sub3A_606 = vector.broadcast %sub3A_605 : i32 to vector<16xi32>
        %sub3A_607 = arith.subi %add3A_604, %sub3A_606 : vector<16xi32>
        %jit3A_608 = arith.constant 0 : i32
        %jit3A_609 = arith.constant 9 : i32
        %max3A_610 = vector.broadcast %jit3A_608 : i32 to vector<16xi32>
        %max3A_611 = arith.maxsi %max3A_610, %sub3A_607 : vector<16xi32>
        %min3A_612 = vector.broadcast %jit3A_609 : i32 to vector<16xi32>
        %min3A_613 = arith.minsi %min3A_612, %max3A_611 : vector<16xi32>
        %mul3A_614 = arith.constant 8 : i32
        %mul3A_615 = arith.muli %scan3A_432, %mul3A_614 : i32
        %add3A_616 = arith.constant 4 : i32
        %add3A_617 = arith.addi %mul3A_615, %add3A_616 : i32
        %mul3A_618 = arith.constant 16 : i32
        %mul3A_619 = arith.muli %add3A_617, %mul3A_618 : i32
        %get3A_620 = arith.index_cast %mul3A_619 : i32 to index
        %get3A_621 = tpu.vector_load %arg8[%get3A_620] {strides = array<i32>} : memref<8192xf32, #tpu.memory_space<vmem>>, vector<16xf32>,
        %mul3A_622 = arith.constant 8192 : i32
        %mul3A_623 = arith.muli %while3A_415, %mul3A_622 : i32
        %mul3A_624 = arith.constant 8 : i32
        %mul3A_625 = arith.muli %scan3A_432, %mul3A_624 : i32
        %add3A_626 = arith.constant 4 : i32
        %add3A_627 = arith.addi %mul3A_625, %add3A_626 : i32
        %mul3A_628 = arith.constant 16 : i32
        %mul3A_629 = arith.muli %add3A_627, %mul3A_628 : i32
        %add3A_630 = arith.addi %mul3A_623, %mul3A_629 : i32
        %add3A_631 = vector.broadcast %add3A_630 : i32 to vector<16xi32>
        %add3A_632 = arith.addi %add3A_631, %iota3A : vector<16xi32>
        %abs3A_633 = math.absf %get3A_621 : vector<16xf32>
        %sub3A_634 = vector.broadcast %squeeze3A_61 : f32 to vector<16xf32>
        %sub3A_635 = arith.subf %get3A_621, %sub3A_634 : vector<16xf32>
        %mul3A_636 = arith.mulf %sub3A_635, %div3A_68 : vector<16xf32>
        %add3A_637 = arith.constant 5.000000e-01 : f32
        %add3A_638 = vector.broadcast %add3A_637 : f32 to vector<16xf32>
        %add3A_639 = arith.addf %mul3A_636, %add3A_638 : vector<16xf32>
        %convert_element_type3A_640 = arith.fptosi %add3A_639 : vector<16xf32> to vector<16xi32>
        %jit3A_641 = arith.constant 0 : i32
        %jit3A_642 = arith.constant 10 : i32
        %max3A_643 = vector.broadcast %jit3A_641 : i32 to vector<16xi32>
        %max3A_644 = arith.maxsi %max3A_643, %convert_element_type3A_640 : vector<16xi32>
        %min3A_645 = vector.broadcast %jit3A_642 : i32 to vector<16xi32>
        %min3A_646 = arith.minsi %min3A_645, %max3A_644 : vector<16xi32>
        %gather3A_647 = tpu.vector_load_idx %arg7[%min3A_646] : memref<16xf32, #tpu.memory_space<vmem>>[vector<16xi32>], vector<16xf32>,
        %lt3A_648 = arith.cmpf olt, %gather3A_647, %get3A_621 : vector<16xf32>
        %convert_element_type3A_649 = arith.extui %lt3A_648 : vector<16xi1> to vector<16xi32>
        %add3A_650 = arith.addi %min3A_646, %convert_element_type3A_649 : vector<16xi32>
        %sub3A_651 = arith.constant 1 : i32
        %sub3A_652 = vector.broadcast %sub3A_651 : i32 to vector<16xi32>
        %sub3A_653 = arith.subi %add3A_650, %sub3A_652 : vector<16xi32>
        %jit3A_654 = arith.constant 0 : i32
        %jit3A_655 = arith.constant 9 : i32
        %max3A_656 = vector.broadcast %jit3A_654 : i32 to vector<16xi32>
        %max3A_657 = arith.maxsi %max3A_656, %sub3A_653 : vector<16xi32>
        %min3A_658 = vector.broadcast %jit3A_655 : i32 to vector<16xi32>
        %min3A_659 = arith.minsi %min3A_658, %max3A_657 : vector<16xi32>
        %mul3A_660 = arith.constant 8 : i32
        %mul3A_661 = arith.muli %scan3A_432, %mul3A_660 : i32
        %add3A_662 = arith.constant 5 : i32
        %add3A_663 = arith.addi %mul3A_661, %add3A_662 : i32
        %mul3A_664 = arith.constant 16 : i32
        %mul3A_665 = arith.muli %add3A_663, %mul3A_664 : i32
        %get3A_666 = arith.index_cast %mul3A_665 : i32 to index
        %get3A_667 = tpu.vector_load %arg8[%get3A_666] {strides = array<i32>} : memref<8192xf32, #tpu.memory_space<vmem>>, vector<16xf32>,
        %mul3A_668 = arith.constant 8192 : i32
        %mul3A_669 = arith.muli %while3A_415, %mul3A_668 : i32
        %mul3A_670 = arith.constant 8 : i32
        %mul3A_671 = arith.muli %scan3A_432, %mul3A_670 : i32
        %add3A_672 = arith.constant 5 : i32
        %add3A_673 = arith.addi %mul3A_671, %add3A_672 : i32
        %mul3A_674 = arith.constant 16 : i32
        %mul3A_675 = arith.muli %add3A_673, %mul3A_674 : i32
        %add3A_676 = arith.addi %mul3A_669, %mul3A_675 : i32
        %add3A_677 = vector.broadcast %add3A_676 : i32 to vector<16xi32>
        %add3A_678 = arith.addi %add3A_677, %iota3A : vector<16xi32>
        %abs3A_679 = math.absf %get3A_667 : vector<16xf32>
        %sub3A_680 = vector.broadcast %squeeze3A_61 : f32 to vector<16xf32>
        %sub3A_681 = arith.subf %get3A_667, %sub3A_680 : vector<16xf32>
        %mul3A_682 = arith.mulf %sub3A_681, %div3A_68 : vector<16xf32>
        %add3A_683 = arith.constant 5.000000e-01 : f32
        %add3A_684 = vector.broadcast %add3A_683 : f32 to vector<16xf32>
        %add3A_685 = arith.addf %mul3A_682, %add3A_684 : vector<16xf32>
        %convert_element_type3A_686 = arith.fptosi %add3A_685 : vector<16xf32> to vector<16xi32>
        %jit3A_687 = arith.constant 0 : i32
        %jit3A_688 = arith.constant 10 : i32
        %max3A_689 = vector.broadcast %jit3A_687 : i32 to vector<16xi32>
        %max3A_690 = arith.maxsi %max3A_689, %convert_element_type3A_686 : vector<16xi32>
        %min3A_691 = vector.broadcast %jit3A_688 : i32 to vector<16xi32>
        %min3A_692 = arith.minsi %min3A_691, %max3A_690 : vector<16xi32>
        %gather3A_693 = tpu.vector_load_idx %arg7[%min3A_692] : memref<16xf32, #tpu.memory_space<vmem>>[vector<16xi32>], vector<16xf32>,
        %lt3A_694 = arith.cmpf olt, %gather3A_693, %get3A_667 : vector<16xf32>
        %convert_element_type3A_695 = arith.extui %lt3A_694 : vector<16xi1> to vector<16xi32>
        %add3A_696 = arith.addi %min3A_692, %convert_element_type3A_695 : vector<16xi32>
        %sub3A_697 = arith.constant 1 : i32
        %sub3A_698 = vector.broadcast %sub3A_697 : i32 to vector<16xi32>
        %sub3A_699 = arith.subi %add3A_696, %sub3A_698 : vector<16xi32>
        %jit3A_700 = arith.constant 0 : i32
        %jit3A_701 = arith.constant 9 : i32
        %max3A_702 = vector.broadcast %jit3A_700 : i32 to vector<16xi32>
        %max3A_703 = arith.maxsi %max3A_702, %sub3A_699 : vector<16xi32>
        %min3A_704 = vector.broadcast %jit3A_701 : i32 to vector<16xi32>
        %min3A_705 = arith.minsi %min3A_704, %max3A_703 : vector<16xi32>
        %mul3A_706 = arith.constant 8 : i32
        %mul3A_707 = arith.muli %scan3A_432, %mul3A_706 : i32
        %add3A_708 = arith.constant 6 : i32
        %add3A_709 = arith.addi %mul3A_707, %add3A_708 : i32
        %mul3A_710 = arith.constant 16 : i32
        %mul3A_711 = arith.muli %add3A_709, %mul3A_710 : i32
        %get3A_712 = arith.index_cast %mul3A_711 : i32 to index
        %get3A_713 = tpu.vector_load %arg8[%get3A_712] {strides = array<i32>} : memref<8192xf32, #tpu.memory_space<vmem>>, vector<16xf32>,
        %mul3A_714 = arith.constant 8192 : i32
        %mul3A_715 = arith.muli %while3A_415, %mul3A_714 : i32
        %mul3A_716 = arith.constant 8 : i32
        %mul3A_717 = arith.muli %scan3A_432, %mul3A_716 : i32
        %add3A_718 = arith.constant 6 : i32
        %add3A_719 = arith.addi %mul3A_717, %add3A_718 : i32
        %mul3A_720 = arith.constant 16 : i32
        %mul3A_721 = arith.muli %add3A_719, %mul3A_720 : i32
        %add3A_722 = arith.addi %mul3A_715, %mul3A_721 : i32
        %add3A_723 = vector.broadcast %add3A_722 : i32 to vector<16xi32>
        %add3A_724 = arith.addi %add3A_723, %iota3A : vector<16xi32>
        %abs3A_725 = math.absf %get3A_713 : vector<16xf32>
        %sub3A_726 = vector.broadcast %squeeze3A_61 : f32 to vector<16xf32>
        %sub3A_727 = arith.subf %get3A_713, %sub3A_726 : vector<16xf32>
        %mul3A_728 = arith.mulf %sub3A_727, %div3A_68 : vector<16xf32>
        %add3A_729 = arith.constant 5.000000e-01 : f32
        %add3A_730 = vector.broadcast %add3A_729 : f32 to vector<16xf32>
        %add3A_731 = arith.addf %mul3A_728, %add3A_730 : vector<16xf32>
        %convert_element_type3A_732 = arith.fptosi %add3A_731 : vector<16xf32> to vector<16xi32>
        %jit3A_733 = arith.constant 0 : i32
        %jit3A_734 = arith.constant 10 : i32
        %max3A_735 = vector.broadcast %jit3A_733 : i32 to vector<16xi32>
        %max3A_736 = arith.maxsi %max3A_735, %convert_element_type3A_732 : vector<16xi32>
        %min3A_737 = vector.broadcast %jit3A_734 : i32 to vector<16xi32>
        %min3A_738 = arith.minsi %min3A_737, %max3A_736 : vector<16xi32>
        %gather3A_739 = tpu.vector_load_idx %arg7[%min3A_738] : memref<16xf32, #tpu.memory_space<vmem>>[vector<16xi32>], vector<16xf32>,
        %lt3A_740 = arith.cmpf olt, %gather3A_739, %get3A_713 : vector<16xf32>
        %convert_element_type3A_741 = arith.extui %lt3A_740 : vector<16xi1> to vector<16xi32>
        %add3A_742 = arith.addi %min3A_738, %convert_element_type3A_741 : vector<16xi32>
        %sub3A_743 = arith.constant 1 : i32
        %sub3A_744 = vector.broadcast %sub3A_743 : i32 to vector<16xi32>
        %sub3A_745 = arith.subi %add3A_742, %sub3A_744 : vector<16xi32>
        %jit3A_746 = arith.constant 0 : i32
        %jit3A_747 = arith.constant 9 : i32
        %max3A_748 = vector.broadcast %jit3A_746 : i32 to vector<16xi32>
        %max3A_749 = arith.maxsi %max3A_748, %sub3A_745 : vector<16xi32>
        %min3A_750 = vector.broadcast %jit3A_747 : i32 to vector<16xi32>
        %min3A_751 = arith.minsi %min3A_750, %max3A_749 : vector<16xi32>
        %mul3A_752 = arith.constant 8 : i32
        %mul3A_753 = arith.muli %scan3A_432, %mul3A_752 : i32
        %add3A_754 = arith.constant 7 : i32
        %add3A_755 = arith.addi %mul3A_753, %add3A_754 : i32
        %mul3A_756 = arith.constant 16 : i32
        %mul3A_757 = arith.muli %add3A_755, %mul3A_756 : i32
        %get3A_758 = arith.index_cast %mul3A_757 : i32 to index
        %get3A_759 = tpu.vector_load %arg8[%get3A_758] {strides = array<i32>} : memref<8192xf32, #tpu.memory_space<vmem>>, vector<16xf32>,
        %mul3A_760 = arith.constant 8192 : i32
        %mul3A_761 = arith.muli %while3A_415, %mul3A_760 : i32
        %mul3A_762 = arith.constant 8 : i32
        %mul3A_763 = arith.muli %scan3A_432, %mul3A_762 : i32
        %add3A_764 = arith.constant 7 : i32
        %add3A_765 = arith.addi %mul3A_763, %add3A_764 : i32
        %mul3A_766 = arith.constant 16 : i32
        %mul3A_767 = arith.muli %add3A_765, %mul3A_766 : i32
        %add3A_768 = arith.addi %mul3A_761, %mul3A_767 : i32
        %add3A_769 = vector.broadcast %add3A_768 : i32 to vector<16xi32>
        %add3A_770 = arith.addi %add3A_769, %iota3A : vector<16xi32>
        %abs3A_771 = math.absf %get3A_759 : vector<16xf32>
        %sub3A_772 = vector.broadcast %squeeze3A_61 : f32 to vector<16xf32>
        %sub3A_773 = arith.subf %get3A_759, %sub3A_772 : vector<16xf32>
        %mul3A_774 = arith.mulf %sub3A_773, %div3A_68 : vector<16xf32>
        %add3A_775 = arith.constant 5.000000e-01 : f32
        %add3A_776 = vector.broadcast %add3A_775 : f32 to vector<16xf32>
        %add3A_777 = arith.addf %mul3A_774, %add3A_776 : vector<16xf32>
        %convert_element_type3A_778 = arith.fptosi %add3A_777 : vector<16xf32> to vector<16xi32>
        %jit3A_779 = arith.constant 0 : i32
        %jit3A_780 = arith.constant 10 : i32
        %max3A_781 = vector.broadcast %jit3A_779 : i32 to vector<16xi32>
        %max3A_782 = arith.maxsi %max3A_781, %convert_element_type3A_778 : vector<16xi32>
        %min3A_783 = vector.broadcast %jit3A_780 : i32 to vector<16xi32>
        %min3A_784 = arith.minsi %min3A_783, %max3A_782 : vector<16xi32>
        %gather3A_785 = tpu.vector_load_idx %arg7[%min3A_784] : memref<16xf32, #tpu.memory_space<vmem>>[vector<16xi32>], vector<16xf32>,
        %lt3A_786 = arith.cmpf olt, %gather3A_785, %get3A_759 : vector<16xf32>
        %convert_element_type3A_787 = arith.extui %lt3A_786 : vector<16xi1> to vector<16xi32>
        %add3A_788 = arith.addi %min3A_784, %convert_element_type3A_787 : vector<16xi32>
        %sub3A_789 = arith.constant 1 : i32
        %sub3A_790 = vector.broadcast %sub3A_789 : i32 to vector<16xi32>
        %sub3A_791 = arith.subi %add3A_788, %sub3A_790 : vector<16xi32>
        %jit3A_792 = arith.constant 0 : i32
        %jit3A_793 = arith.constant 9 : i32
        %max3A_794 = vector.broadcast %jit3A_792 : i32 to vector<16xi32>
        %max3A_795 = arith.maxsi %max3A_794, %sub3A_791 : vector<16xi32>
        %min3A_796 = vector.broadcast %jit3A_793 : i32 to vector<16xi32>
        %min3A_797 = arith.minsi %min3A_796, %max3A_795 : vector<16xi32>
        %mul3A_798 = arith.constant 8192 : i32
        %mul3A_799 = arith.muli %while3A_415, %mul3A_798 : i32
        %mul3A_800 = arith.constant 8 : i32
        %mul3A_801 = arith.muli %scan3A_432, %mul3A_800 : i32
        %add3A_802 = arith.constant 8 : i32
        %add3A_803 = arith.addi %mul3A_801, %add3A_802 : i32
        %mul3A_804 = arith.constant 16 : i32
        %mul3A_805 = arith.muli %add3A_803, %mul3A_804 : i32
        %add3A_806 = arith.addi %mul3A_799, %mul3A_805 : i32
        %sub3A_807 = arith.constant 1 : i32
        %sub3A_808 = arith.subi %add3A_806, %sub3A_807 : i32
        %broadcast_in_dim3A_809 = vector.broadcast %scan3A_433 : i32 to vector<16xi32>
        %broadcast_in_dim3A_810 = vector.broadcast %scan3A_433 : i32 to vector<16xi32>
        %broadcast_in_dim3A_811 = vector.broadcast %scan3A_433 : i32 to vector<16xi32>
        %broadcast_in_dim3A_812 = vector.broadcast %scan3A_433 : i32 to vector<16xi32>
        %broadcast_in_dim3A_813 = vector.broadcast %scan3A_433 : i32 to vector<16xi32>
        %broadcast_in_dim3A_814 = vector.broadcast %scan3A_433 : i32 to vector<16xi32>
        %broadcast_in_dim3A_815 = vector.broadcast %scan3A_433 : i32 to vector<16xi32>
        %broadcast_in_dim3A_816 = vector.broadcast %scan3A_433 : i32 to vector<16xi32>
        %while3A_817:10 = scf.while (%while3A_874 = %scan3A_433, %while3A_875 = %scan3A_434, %while3A_876 = %broadcast_in_dim3A_809, %while3A_877 = %broadcast_in_dim3A_810, %while3A_878 = %broadcast_in_dim3A_811, %while3A_879 = %broadcast_in_dim3A_812, %while3A_880 = %broadcast_in_dim3A_813, %while3A_881 = %broadcast_in_dim3A_814, %while3A_882 = %broadcast_in_dim3A_815, %while3A_883 = %broadcast_in_dim3A_816) : (i32, i32, vector<16xi32>, vector<16xi32>, vector<16xi32>, vector<16xi32>, vector<16xi32>, vector<16xi32>, vector<16xi32>, vector<16xi32>) -> (i32, i32, vector<16xi32>, vector<16xi32>, vector<16xi32>, vector<16xi32>, vector<16xi32>, vector<16xi32>, vector<16xi32>, vector<16xi32>) {
          %lt3A_884 = arith.constant 2000 : i32
          %lt3A_885 = arith.cmpi slt, %while3A_874, %lt3A_884 : i32
          %le3A = arith.cmpi sle, %while3A_875, %sub3A_808 : i32
          %and3A_886 = arith.andi %lt3A_885, %le3A : i1
          scf.condition(%and3A_886) %while3A_874, %while3A_875, %while3A_876, %while3A_877, %while3A_878, %while3A_879, %while3A_880, %while3A_881, %while3A_882, %while3A_883 : i32, i32, vector<16xi32>, vector<16xi32>, vector<16xi32>, vector<16xi32>, vector<16xi32>, vector<16xi32>, vector<16xi32>, vector<16xi32>
        } do {
        ^bb0(%while3A_874: i32, %while3A_875: i32, %while3A_876: vector<16xi32>, %while3A_877: vector<16xi32>, %while3A_878: vector<16xi32>, %while3A_879: vector<16xi32>, %while3A_880: vector<16xi32>, %while3A_881: vector<16xi32>, %while3A_882: vector<16xi32>, %while3A_883: vector<16xi32>):
          %ge3A = vector.broadcast %while3A_875 : i32 to vector<16xi32>
          %ge3A_884 = arith.cmpi sge, %add3A_453, %ge3A : vector<16xi32>
          %convert_element_type3A_885 = arith.extui %ge3A_884 : vector<16xi1> to vector<16xi32>
          %add3A_886 = arith.addi %while3A_876, %convert_element_type3A_885 : vector<16xi32>
          %ge3A_887 = vector.broadcast %while3A_875 : i32 to vector<16xi32>
          %ge3A_888 = arith.cmpi sge, %add3A_494, %ge3A_887 : vector<16xi32>
          %convert_element_type3A_889 = arith.extui %ge3A_888 : vector<16xi1> to vector<16xi32>
          %add3A_890 = arith.addi %while3A_877, %convert_element_type3A_889 : vector<16xi32>
          %ge3A_891 = vector.broadcast %while3A_875 : i32 to vector<16xi32>
          %ge3A_892 = arith.cmpi sge, %add3A_540, %ge3A_891 : vector<16xi32>
          %convert_element_type3A_893 = arith.extui %ge3A_892 : vector<16xi1> to vector<16xi32>
          %add3A_894 = arith.addi %while3A_878, %convert_element_type3A_893 : vector<16xi32>
          %ge3A_895 = vector.broadcast %while3A_875 : i32 to vector<16xi32>
          %ge3A_896 = arith.cmpi sge, %add3A_586, %ge3A_895 : vector<16xi32>
          %convert_element_type3A_897 = arith.extui %ge3A_896 : vector<16xi1> to vector<16xi32>
          %add3A_898 = arith.addi %while3A_879, %convert_element_type3A_897 : vector<16xi32>
          %ge3A_899 = vector.broadcast %while3A_875 : i32 to vector<16xi32>
          %ge3A_900 = arith.cmpi sge, %add3A_632, %ge3A_899 : vector<16xi32>
          %convert_element_type3A_901 = arith.extui %ge3A_900 : vector<16xi1> to vector<16xi32>
          %add3A_902 = arith.addi %while3A_880, %convert_element_type3A_901 : vector<16xi32>
          %ge3A_903 = vector.broadcast %while3A_875 : i32 to vector<16xi32>
          %ge3A_904 = arith.cmpi sge, %add3A_678, %ge3A_903 : vector<16xi32>
          %convert_element_type3A_905 = arith.extui %ge3A_904 : vector<16xi1> to vector<16xi32>
          %add3A_906 = arith.addi %while3A_881, %convert_element_type3A_905 : vector<16xi32>
          %ge3A_907 = vector.broadcast %while3A_875 : i32 to vector<16xi32>
          %ge3A_908 = arith.cmpi sge, %add3A_724, %ge3A_907 : vector<16xi32>
          %convert_element_type3A_909 = arith.extui %ge3A_908 : vector<16xi1> to vector<16xi32>
          %add3A_910 = arith.addi %while3A_882, %convert_element_type3A_909 : vector<16xi32>
          %ge3A_911 = vector.broadcast %while3A_875 : i32 to vector<16xi32>
          %ge3A_912 = arith.cmpi sge, %add3A_770, %ge3A_911 : vector<16xi32>
          %convert_element_type3A_913 = arith.extui %ge3A_912 : vector<16xi1> to vector<16xi32>
          %add3A_914 = arith.addi %while3A_883, %convert_element_type3A_913 : vector<16xi32>
          %add3A_915 = arith.constant 1 : i32
          %add3A_916 = arith.addi %while3A_874, %add3A_915 : i32
          %add3A_917 = arith.constant 1 : i32
          %add3A_918 = arith.addi %add3A_916, %add3A_917 : i32
          %get3A_919 = arith.index_cast %add3A_918 : i32 to index
          %get3A_920 = tpu.vector_load %arg6[%get3A_919] {strides = array<i32>} : memref<2032xi32, #tpu.memory_space<vmem>>, vector<16xi32>,
          %slice3A_921 = vector.extract_strided_slice %get3A_920 {offsets = [0], sizes = [1], strides = [1]} : vector<16xi32> to vector<1xi32>
          %squeeze3A_922 = vector.extract %slice3A_921[0] : i32 from vector<1xi32>
          scf.yield %add3A_916, %squeeze3A_922, %add3A_886, %add3A_890, %add3A_894, %add3A_898, %add3A_902, %add3A_906, %add3A_910, %add3A_914 : i32, i32, vector<16xi32>, vector<16xi32>, vector<16xi32>, vector<16xi32>, vector<16xi32>, vector<16xi32>, vector<16xi32>, vector<16xi32>
        }
        %mul3A_818 = arith.constant 2008 : i32
        %mul3A_819 = vector.broadcast %mul3A_818 : i32 to vector<16xi32>
        %mul3A_820 = arith.muli %min3A_475, %mul3A_819 : vector<16xi32>
        %add3A_821 = arith.addi %while3A_817#2, %mul3A_820 : vector<16xi32>
        tpu.vector_store_idx %arg9[%add3A_821], %broadcast_in_dim3A_70 {add = true} : memref<40160xf32, #tpu.memory_space<vmem>>[vector<16xi32>], vector<16xf32>,
        %add3A_822 = arith.constant 20080 : i32
        %add3A_823 = vector.broadcast %add3A_822 : i32 to vector<16xi32>
        %add3A_824 = arith.addi %add3A_821, %add3A_823 : vector<16xi32>
        tpu.vector_store_idx %arg9[%add3A_824], %abs3A {add = true} : memref<40160xf32, #tpu.memory_space<vmem>>[vector<16xi32>], vector<16xf32>,
        %mul3A_825 = arith.constant 2008 : i32
        %mul3A_826 = vector.broadcast %mul3A_825 : i32 to vector<16xi32>
        %mul3A_827 = arith.muli %min3A_521, %mul3A_826 : vector<16xi32>
        %add3A_828 = arith.addi %while3A_817#3, %mul3A_827 : vector<16xi32>
        tpu.vector_store_idx %arg9[%add3A_828], %broadcast_in_dim3A_70 {add = true} : memref<40160xf32, #tpu.memory_space<vmem>>[vector<16xi32>], vector<16xf32>,
        %add3A_829 = arith.constant 20080 : i32
        %add3A_830 = vector.broadcast %add3A_829 : i32 to vector<16xi32>
        %add3A_831 = arith.addi %add3A_828, %add3A_830 : vector<16xi32>
        tpu.vector_store_idx %arg9[%add3A_831], %abs3A_495 {add = true} : memref<40160xf32, #tpu.memory_space<vmem>>[vector<16xi32>], vector<16xf32>,
        %mul3A_832 = arith.constant 2008 : i32
        %mul3A_833 = vector.broadcast %mul3A_832 : i32 to vector<16xi32>
        %mul3A_834 = arith.muli %min3A_567, %mul3A_833 : vector<16xi32>
        %add3A_835 = arith.addi %while3A_817#4, %mul3A_834 : vector<16xi32>
        tpu.vector_store_idx %arg9[%add3A_835], %broadcast_in_dim3A_70 {add = true} : memref<40160xf32, #tpu.memory_space<vmem>>[vector<16xi32>], vector<16xf32>,
        %add3A_836 = arith.constant 20080 : i32
        %add3A_837 = vector.broadcast %add3A_836 : i32 to vector<16xi32>
        %add3A_838 = arith.addi %add3A_835, %add3A_837 : vector<16xi32>
        tpu.vector_store_idx %arg9[%add3A_838], %abs3A_541 {add = true} : memref<40160xf32, #tpu.memory_space<vmem>>[vector<16xi32>], vector<16xf32>,
        %mul3A_839 = arith.constant 2008 : i32
        %mul3A_840 = vector.broadcast %mul3A_839 : i32 to vector<16xi32>
        %mul3A_841 = arith.muli %min3A_613, %mul3A_840 : vector<16xi32>
        %add3A_842 = arith.addi %while3A_817#5, %mul3A_841 : vector<16xi32>
        tpu.vector_store_idx %arg9[%add3A_842], %broadcast_in_dim3A_70 {add = true} : memref<40160xf32, #tpu.memory_space<vmem>>[vector<16xi32>], vector<16xf32>,
        %add3A_843 = arith.constant 20080 : i32
        %add3A_844 = vector.broadcast %add3A_843 : i32 to vector<16xi32>
        %add3A_845 = arith.addi %add3A_842, %add3A_844 : vector<16xi32>
        tpu.vector_store_idx %arg9[%add3A_845], %abs3A_587 {add = true} : memref<40160xf32, #tpu.memory_space<vmem>>[vector<16xi32>], vector<16xf32>,
        %mul3A_846 = arith.constant 2008 : i32
        %mul3A_847 = vector.broadcast %mul3A_846 : i32 to vector<16xi32>
        %mul3A_848 = arith.muli %min3A_659, %mul3A_847 : vector<16xi32>
        %add3A_849 = arith.addi %while3A_817#6, %mul3A_848 : vector<16xi32>
        tpu.vector_store_idx %arg9[%add3A_849], %broadcast_in_dim3A_70 {add = true} : memref<40160xf32, #tpu.memory_space<vmem>>[vector<16xi32>], vector<16xf32>,
        %add3A_850 = arith.constant 20080 : i32
        %add3A_851 = vector.broadcast %add3A_850 : i32 to vector<16xi32>
        %add3A_852 = arith.addi %add3A_849, %add3A_851 : vector<16xi32>
        tpu.vector_store_idx %arg9[%add3A_852], %abs3A_633 {add = true} : memref<40160xf32, #tpu.memory_space<vmem>>[vector<16xi32>], vector<16xf32>,
        %mul3A_853 = arith.constant 2008 : i32
        %mul3A_854 = vector.broadcast %mul3A_853 : i32 to vector<16xi32>
        %mul3A_855 = arith.muli %min3A_705, %mul3A_854 : vector<16xi32>
        %add3A_856 = arith.addi %while3A_817#7, %mul3A_855 : vector<16xi32>
        tpu.vector_store_idx %arg9[%add3A_856], %broadcast_in_dim3A_70 {add = true} : memref<40160xf32, #tpu.memory_space<vmem>>[vector<16xi32>], vector<16xf32>,
        %add3A_857 = arith.constant 20080 : i32
        %add3A_858 = vector.broadcast %add3A_857 : i32 to vector<16xi32>
        %add3A_859 = arith.addi %add3A_856, %add3A_858 : vector<16xi32>
        tpu.vector_store_idx %arg9[%add3A_859], %abs3A_679 {add = true} : memref<40160xf32, #tpu.memory_space<vmem>>[vector<16xi32>], vector<16xf32>,
        %mul3A_860 = arith.constant 2008 : i32
        %mul3A_861 = vector.broadcast %mul3A_860 : i32 to vector<16xi32>
        %mul3A_862 = arith.muli %min3A_751, %mul3A_861 : vector<16xi32>
        %add3A_863 = arith.addi %while3A_817#8, %mul3A_862 : vector<16xi32>
        tpu.vector_store_idx %arg9[%add3A_863], %broadcast_in_dim3A_70 {add = true} : memref<40160xf32, #tpu.memory_space<vmem>>[vector<16xi32>], vector<16xf32>,
        %add3A_864 = arith.constant 20080 : i32
        %add3A_865 = vector.broadcast %add3A_864 : i32 to vector<16xi32>
        %add3A_866 = arith.addi %add3A_863, %add3A_865 : vector<16xi32>
        tpu.vector_store_idx %arg9[%add3A_866], %abs3A_725 {add = true} : memref<40160xf32, #tpu.memory_space<vmem>>[vector<16xi32>], vector<16xf32>,
        %mul3A_867 = arith.constant 2008 : i32
        %mul3A_868 = vector.broadcast %mul3A_867 : i32 to vector<16xi32>
        %mul3A_869 = arith.muli %min3A_797, %mul3A_868 : vector<16xi32>
        %add3A_870 = arith.addi %while3A_817#9, %mul3A_869 : vector<16xi32>
        tpu.vector_store_idx %arg9[%add3A_870], %broadcast_in_dim3A_70 {add = true} : memref<40160xf32, #tpu.memory_space<vmem>>[vector<16xi32>], vector<16xf32>,
        %add3A_871 = arith.constant 20080 : i32
        %add3A_872 = vector.broadcast %add3A_871 : i32 to vector<16xi32>
        %add3A_873 = arith.addi %add3A_870, %add3A_872 : vector<16xi32>
        tpu.vector_store_idx %arg9[%add3A_873], %abs3A_771 {add = true} : memref<40160xf32, #tpu.memory_space<vmem>>[vector<16xi32>], vector<16xf32>,
        scf.yield %while3A_817#0, %while3A_817#1 : i32, i32
      }
      %scan3A_431 = arith.constant 64 : i32
      scf.yield %scan3A_430#0, %scan3A_430#1 : i32, i32
    }
    %mul3A_97 = arith.constant 2000 : i32
    %mul3A_98 = arith.muli %add3A, %mul3A_97 : i32
    %add3A_99 = arith.constant 0 : i32
    %add3A_100 = arith.addi %add3A_99, %mul3A_98 : i32
    %mul3A_101 = arith.constant 2000 : i32
    %mul3A_102 = arith.muli %add3A, %mul3A_101 : i32
    %add3A_103 = arith.constant 64000 : i32
    %add3A_104 = arith.addi %add3A_103, %mul3A_102 : i32
    %mul3A_105 = arith.constant 2000 : i32
    %mul3A_106 = arith.muli %add3A, %mul3A_105 : i32
    %add3A_107 = arith.constant 128000 : i32
    %add3A_108 = arith.addi %add3A_107, %mul3A_106 : i32
    %mul3A_109 = arith.constant 2000 : i32
    %mul3A_110 = arith.muli %add3A, %mul3A_109 : i32
    %add3A_111 = arith.constant 192000 : i32
    %add3A_112 = arith.addi %add3A_111, %mul3A_110 : i32
    %mul3A_113 = arith.constant 2000 : i32
    %mul3A_114 = arith.muli %add3A, %mul3A_113 : i32
    %add3A_115 = arith.constant 256000 : i32
    %add3A_116 = arith.addi %add3A_115, %mul3A_114 : i32
    %mul3A_117 = arith.constant 2000 : i32
    %mul3A_118 = arith.muli %add3A, %mul3A_117 : i32
    %add3A_119 = arith.constant 320000 : i32
    %add3A_120 = arith.addi %add3A_119, %mul3A_118 : i32
    %mul3A_121 = arith.constant 2000 : i32
    %mul3A_122 = arith.muli %add3A, %mul3A_121 : i32
    %add3A_123 = arith.constant 384000 : i32
    %add3A_124 = arith.addi %add3A_123, %mul3A_122 : i32
    %mul3A_125 = arith.constant 2000 : i32
    %mul3A_126 = arith.muli %add3A, %mul3A_125 : i32
    %add3A_127 = arith.constant 448000 : i32
    %add3A_128 = arith.addi %add3A_127, %mul3A_126 : i32
    %mul3A_129 = arith.constant 2000 : i32
    %mul3A_130 = arith.muli %add3A, %mul3A_129 : i32
    %add3A_131 = arith.constant 512000 : i32
    %add3A_132 = arith.addi %add3A_131, %mul3A_130 : i32
    %mul3A_133 = arith.constant 2000 : i32
    %mul3A_134 = arith.muli %add3A, %mul3A_133 : i32
    %add3A_135 = arith.constant 576000 : i32
    %add3A_136 = arith.addi %add3A_135, %mul3A_134 : i32
    %mul3A_137 = arith.constant 2000 : i32
    %mul3A_138 = arith.muli %add3A, %mul3A_137 : i32
    %add3A_139 = arith.constant 640000 : i32
    %add3A_140 = arith.addi %add3A_139, %mul3A_138 : i32
    %mul3A_141 = arith.constant 2000 : i32
    %mul3A_142 = arith.muli %add3A, %mul3A_141 : i32
    %add3A_143 = arith.constant 704000 : i32
    %add3A_144 = arith.addi %add3A_143, %mul3A_142 : i32
    %mul3A_145 = arith.constant 2000 : i32
    %mul3A_146 = arith.muli %add3A, %mul3A_145 : i32
    %add3A_147 = arith.constant 768000 : i32
    %add3A_148 = arith.addi %add3A_147, %mul3A_146 : i32
    %mul3A_149 = arith.constant 2000 : i32
    %mul3A_150 = arith.muli %add3A, %mul3A_149 : i32
    %add3A_151 = arith.constant 832000 : i32
    %add3A_152 = arith.addi %add3A_151, %mul3A_150 : i32
    %mul3A_153 = arith.constant 2000 : i32
    %mul3A_154 = arith.muli %add3A, %mul3A_153 : i32
    %add3A_155 = arith.constant 896000 : i32
    %add3A_156 = arith.addi %add3A_155, %mul3A_154 : i32
    %mul3A_157 = arith.constant 2000 : i32
    %mul3A_158 = arith.muli %add3A, %mul3A_157 : i32
    %add3A_159 = arith.constant 960000 : i32
    %add3A_160 = arith.addi %add3A_159, %mul3A_158 : i32
    %mul3A_161 = arith.constant 2000 : i32
    %mul3A_162 = arith.muli %add3A, %mul3A_161 : i32
    %add3A_163 = arith.constant 1024000 : i32
    %add3A_164 = arith.addi %add3A_163, %mul3A_162 : i32
    %mul3A_165 = arith.constant 2000 : i32
    %mul3A_166 = arith.muli %add3A, %mul3A_165 : i32
    %add3A_167 = arith.constant 1088000 : i32
    %add3A_168 = arith.addi %add3A_167, %mul3A_166 : i32
    %mul3A_169 = arith.constant 2000 : i32
    %mul3A_170 = arith.muli %add3A, %mul3A_169 : i32
    %add3A_171 = arith.constant 1152000 : i32
    %add3A_172 = arith.addi %add3A_171, %mul3A_170 : i32
    %mul3A_173 = arith.constant 2000 : i32
    %mul3A_174 = arith.muli %add3A, %mul3A_173 : i32
    %add3A_175 = arith.constant 1216000 : i32
    %add3A_176 = arith.addi %add3A_175, %mul3A_174 : i32
    %dma_start3A = arith.constant 0 : i32
    %dma_start3A_177 = tpu.memref_slice %arg9[%dma_start3A] : memref<40160xf32, #tpu.memory_space<vmem>> -> memref<2000xf32, #tpu.memory_space<vmem>>
    %dma_start3A_178 = tpu.memref_slice %arg5[%add3A_100] : memref<1280000xf32, #tpu.memory_space<hbm>> -> memref<2000xf32, #tpu.memory_space<hbm>>
    %dma_start3A_179 = tpu.memref_slice %arg5[%add3A_100] : memref<1280000xf32, #tpu.memory_space<hbm>> -> memref<2000xf32, #tpu.memory_space<hbm>>
    %dma_start3A_180 = arith.constant 0 : i32
    %dma_start3A_181 = tpu.memref_slice %arg9[%dma_start3A_180] : memref<40160xf32, #tpu.memory_space<vmem>> -> memref<2000xf32, #tpu.memory_space<vmem>>
    tpu.enqueue_dma source(%dma_start3A_181 : memref<2000xf32, #tpu.memory_space<vmem>>) target(%dma_start3A_179 : memref<2000xf32, #tpu.memory_space<hbm>>) target_semaphore(%arg10 : memref<!tpu.dma_semaphore, #tpu.memory_space<semaphore_mem>>)
    %dma_start3A_182 = arith.constant 2008 : i32
    %dma_start3A_183 = tpu.memref_slice %arg9[%dma_start3A_182] : memref<40160xf32, #tpu.memory_space<vmem>> -> memref<2000xf32, #tpu.memory_space<vmem>>
    %dma_start3A_184 = tpu.memref_slice %arg5[%add3A_104] : memref<1280000xf32, #tpu.memory_space<hbm>> -> memref<2000xf32, #tpu.memory_space<hbm>>
    %dma_start3A_185 = tpu.memref_slice %arg5[%add3A_104] : memref<1280000xf32, #tpu.memory_space<hbm>> -> memref<2000xf32, #tpu.memory_space<hbm>>
    %dma_start3A_186 = arith.constant 2008 : i32
    %dma_start3A_187 = tpu.memref_slice %arg9[%dma_start3A_186] : memref<40160xf32, #tpu.memory_space<vmem>> -> memref<2000xf32, #tpu.memory_space<vmem>>
    tpu.enqueue_dma source(%dma_start3A_187 : memref<2000xf32, #tpu.memory_space<vmem>>) target(%dma_start3A_185 : memref<2000xf32, #tpu.memory_space<hbm>>) target_semaphore(%arg10 : memref<!tpu.dma_semaphore, #tpu.memory_space<semaphore_mem>>)
    %dma_start3A_188 = arith.constant 4016 : i32
    %dma_start3A_189 = tpu.memref_slice %arg9[%dma_start3A_188] : memref<40160xf32, #tpu.memory_space<vmem>> -> memref<2000xf32, #tpu.memory_space<vmem>>
    %dma_start3A_190 = tpu.memref_slice %arg5[%add3A_108] : memref<1280000xf32, #tpu.memory_space<hbm>> -> memref<2000xf32, #tpu.memory_space<hbm>>
    %dma_start3A_191 = tpu.memref_slice %arg5[%add3A_108] : memref<1280000xf32, #tpu.memory_space<hbm>> -> memref<2000xf32, #tpu.memory_space<hbm>>
    %dma_start3A_192 = arith.constant 4016 : i32
    %dma_start3A_193 = tpu.memref_slice %arg9[%dma_start3A_192] : memref<40160xf32, #tpu.memory_space<vmem>> -> memref<2000xf32, #tpu.memory_space<vmem>>
    tpu.enqueue_dma source(%dma_start3A_193 : memref<2000xf32, #tpu.memory_space<vmem>>) target(%dma_start3A_191 : memref<2000xf32, #tpu.memory_space<hbm>>) target_semaphore(%arg10 : memref<!tpu.dma_semaphore, #tpu.memory_space<semaphore_mem>>)
    %dma_start3A_194 = arith.constant 6024 : i32
    %dma_start3A_195 = tpu.memref_slice %arg9[%dma_start3A_194] : memref<40160xf32, #tpu.memory_space<vmem>> -> memref<2000xf32, #tpu.memory_space<vmem>>
    %dma_start3A_196 = tpu.memref_slice %arg5[%add3A_112] : memref<1280000xf32, #tpu.memory_space<hbm>> -> memref<2000xf32, #tpu.memory_space<hbm>>
    %dma_start3A_197 = tpu.memref_slice %arg5[%add3A_112] : memref<1280000xf32, #tpu.memory_space<hbm>> -> memref<2000xf32, #tpu.memory_space<hbm>>
    %dma_start3A_198 = arith.constant 6024 : i32
    %dma_start3A_199 = tpu.memref_slice %arg9[%dma_start3A_198] : memref<40160xf32, #tpu.memory_space<vmem>> -> memref<2000xf32, #tpu.memory_space<vmem>>
    tpu.enqueue_dma source(%dma_start3A_199 : memref<2000xf32, #tpu.memory_space<vmem>>) target(%dma_start3A_197 : memref<2000xf32, #tpu.memory_space<hbm>>) target_semaphore(%arg10 : memref<!tpu.dma_semaphore, #tpu.memory_space<semaphore_mem>>)
    %dma_start3A_200 = arith.constant 8032 : i32
    %dma_start3A_201 = tpu.memref_slice %arg9[%dma_start3A_200] : memref<40160xf32, #tpu.memory_space<vmem>> -> memref<2000xf32, #tpu.memory_space<vmem>>
    %dma_start3A_202 = tpu.memref_slice %arg5[%add3A_116] : memref<1280000xf32, #tpu.memory_space<hbm>> -> memref<2000xf32, #tpu.memory_space<hbm>>
    %dma_start3A_203 = tpu.memref_slice %arg5[%add3A_116] : memref<1280000xf32, #tpu.memory_space<hbm>> -> memref<2000xf32, #tpu.memory_space<hbm>>
    %dma_start3A_204 = arith.constant 8032 : i32
    %dma_start3A_205 = tpu.memref_slice %arg9[%dma_start3A_204] : memref<40160xf32, #tpu.memory_space<vmem>> -> memref<2000xf32, #tpu.memory_space<vmem>>
    tpu.enqueue_dma source(%dma_start3A_205 : memref<2000xf32, #tpu.memory_space<vmem>>) target(%dma_start3A_203 : memref<2000xf32, #tpu.memory_space<hbm>>) target_semaphore(%arg10 : memref<!tpu.dma_semaphore, #tpu.memory_space<semaphore_mem>>)
    %dma_start3A_206 = arith.constant 10040 : i32
    %dma_start3A_207 = tpu.memref_slice %arg9[%dma_start3A_206] : memref<40160xf32, #tpu.memory_space<vmem>> -> memref<2000xf32, #tpu.memory_space<vmem>>
    %dma_start3A_208 = tpu.memref_slice %arg5[%add3A_120] : memref<1280000xf32, #tpu.memory_space<hbm>> -> memref<2000xf32, #tpu.memory_space<hbm>>
    %dma_start3A_209 = tpu.memref_slice %arg5[%add3A_120] : memref<1280000xf32, #tpu.memory_space<hbm>> -> memref<2000xf32, #tpu.memory_space<hbm>>
    %dma_start3A_210 = arith.constant 10040 : i32
    %dma_start3A_211 = tpu.memref_slice %arg9[%dma_start3A_210] : memref<40160xf32, #tpu.memory_space<vmem>> -> memref<2000xf32, #tpu.memory_space<vmem>>
    tpu.enqueue_dma source(%dma_start3A_211 : memref<2000xf32, #tpu.memory_space<vmem>>) target(%dma_start3A_209 : memref<2000xf32, #tpu.memory_space<hbm>>) target_semaphore(%arg10 : memref<!tpu.dma_semaphore, #tpu.memory_space<semaphore_mem>>)
    %dma_start3A_212 = arith.constant 12048 : i32
    %dma_start3A_213 = tpu.memref_slice %arg9[%dma_start3A_212] : memref<40160xf32, #tpu.memory_space<vmem>> -> memref<2000xf32, #tpu.memory_space<vmem>>
    %dma_start3A_214 = tpu.memref_slice %arg5[%add3A_124] : memref<1280000xf32, #tpu.memory_space<hbm>> -> memref<2000xf32, #tpu.memory_space<hbm>>
    %dma_start3A_215 = tpu.memref_slice %arg5[%add3A_124] : memref<1280000xf32, #tpu.memory_space<hbm>> -> memref<2000xf32, #tpu.memory_space<hbm>>
    %dma_start3A_216 = arith.constant 12048 : i32
    %dma_start3A_217 = tpu.memref_slice %arg9[%dma_start3A_216] : memref<40160xf32, #tpu.memory_space<vmem>> -> memref<2000xf32, #tpu.memory_space<vmem>>
    tpu.enqueue_dma source(%dma_start3A_217 : memref<2000xf32, #tpu.memory_space<vmem>>) target(%dma_start3A_215 : memref<2000xf32, #tpu.memory_space<hbm>>) target_semaphore(%arg10 : memref<!tpu.dma_semaphore, #tpu.memory_space<semaphore_mem>>)
    %dma_start3A_218 = arith.constant 14056 : i32
    %dma_start3A_219 = tpu.memref_slice %arg9[%dma_start3A_218] : memref<40160xf32, #tpu.memory_space<vmem>> -> memref<2000xf32, #tpu.memory_space<vmem>>
    %dma_start3A_220 = tpu.memref_slice %arg5[%add3A_128] : memref<1280000xf32, #tpu.memory_space<hbm>> -> memref<2000xf32, #tpu.memory_space<hbm>>
    %dma_start3A_221 = tpu.memref_slice %arg5[%add3A_128] : memref<1280000xf32, #tpu.memory_space<hbm>> -> memref<2000xf32, #tpu.memory_space<hbm>>
    %dma_start3A_222 = arith.constant 14056 : i32
    %dma_start3A_223 = tpu.memref_slice %arg9[%dma_start3A_222] : memref<40160xf32, #tpu.memory_space<vmem>> -> memref<2000xf32, #tpu.memory_space<vmem>>
    tpu.enqueue_dma source(%dma_start3A_223 : memref<2000xf32, #tpu.memory_space<vmem>>) target(%dma_start3A_221 : memref<2000xf32, #tpu.memory_space<hbm>>) target_semaphore(%arg10 : memref<!tpu.dma_semaphore, #tpu.memory_space<semaphore_mem>>)
    %dma_start3A_224 = arith.constant 16064 : i32
    %dma_start3A_225 = tpu.memref_slice %arg9[%dma_start3A_224] : memref<40160xf32, #tpu.memory_space<vmem>> -> memref<2000xf32, #tpu.memory_space<vmem>>
    %dma_start3A_226 = tpu.memref_slice %arg5[%add3A_132] : memref<1280000xf32, #tpu.memory_space<hbm>> -> memref<2000xf32, #tpu.memory_space<hbm>>
    %dma_start3A_227 = tpu.memref_slice %arg5[%add3A_132] : memref<1280000xf32, #tpu.memory_space<hbm>> -> memref<2000xf32, #tpu.memory_space<hbm>>
    %dma_start3A_228 = arith.constant 16064 : i32
    %dma_start3A_229 = tpu.memref_slice %arg9[%dma_start3A_228] : memref<40160xf32, #tpu.memory_space<vmem>> -> memref<2000xf32, #tpu.memory_space<vmem>>
    tpu.enqueue_dma source(%dma_start3A_229 : memref<2000xf32, #tpu.memory_space<vmem>>) target(%dma_start3A_227 : memref<2000xf32, #tpu.memory_space<hbm>>) target_semaphore(%arg10 : memref<!tpu.dma_semaphore, #tpu.memory_space<semaphore_mem>>)
    %dma_start3A_230 = arith.constant 18072 : i32
    %dma_start3A_231 = tpu.memref_slice %arg9[%dma_start3A_230] : memref<40160xf32, #tpu.memory_space<vmem>> -> memref<2000xf32, #tpu.memory_space<vmem>>
    %dma_start3A_232 = tpu.memref_slice %arg5[%add3A_136] : memref<1280000xf32, #tpu.memory_space<hbm>> -> memref<2000xf32, #tpu.memory_space<hbm>>
    %dma_start3A_233 = tpu.memref_slice %arg5[%add3A_136] : memref<1280000xf32, #tpu.memory_space<hbm>> -> memref<2000xf32, #tpu.memory_space<hbm>>
    %dma_start3A_234 = arith.constant 18072 : i32
    %dma_start3A_235 = tpu.memref_slice %arg9[%dma_start3A_234] : memref<40160xf32, #tpu.memory_space<vmem>> -> memref<2000xf32, #tpu.memory_space<vmem>>
    tpu.enqueue_dma source(%dma_start3A_235 : memref<2000xf32, #tpu.memory_space<vmem>>) target(%dma_start3A_233 : memref<2000xf32, #tpu.memory_space<hbm>>) target_semaphore(%arg10 : memref<!tpu.dma_semaphore, #tpu.memory_space<semaphore_mem>>)
    %dma_start3A_236 = arith.constant 20080 : i32
    %dma_start3A_237 = tpu.memref_slice %arg9[%dma_start3A_236] : memref<40160xf32, #tpu.memory_space<vmem>> -> memref<2000xf32, #tpu.memory_space<vmem>>
    %dma_start3A_238 = tpu.memref_slice %arg5[%add3A_140] : memref<1280000xf32, #tpu.memory_space<hbm>> -> memref<2000xf32, #tpu.memory_space<hbm>>
    %dma_start3A_239 = tpu.memref_slice %arg5[%add3A_140] : memref<1280000xf32, #tpu.memory_space<hbm>> -> memref<2000xf32, #tpu.memory_space<hbm>>
    %dma_start3A_240 = arith.constant 20080 : i32
    %dma_start3A_241 = tpu.memref_slice %arg9[%dma_start3A_240] : memref<40160xf32, #tpu.memory_space<vmem>> -> memref<2000xf32, #tpu.memory_space<vmem>>
    tpu.enqueue_dma source(%dma_start3A_241 : memref<2000xf32, #tpu.memory_space<vmem>>) target(%dma_start3A_239 : memref<2000xf32, #tpu.memory_space<hbm>>) target_semaphore(%arg10 : memref<!tpu.dma_semaphore, #tpu.memory_space<semaphore_mem>>)
    %dma_start3A_242 = arith.constant 22088 : i32
    %dma_start3A_243 = tpu.memref_slice %arg9[%dma_start3A_242] : memref<40160xf32, #tpu.memory_space<vmem>> -> memref<2000xf32, #tpu.memory_space<vmem>>
    %dma_start3A_244 = tpu.memref_slice %arg5[%add3A_144] : memref<1280000xf32, #tpu.memory_space<hbm>> -> memref<2000xf32, #tpu.memory_space<hbm>>
    %dma_start3A_245 = tpu.memref_slice %arg5[%add3A_144] : memref<1280000xf32, #tpu.memory_space<hbm>> -> memref<2000xf32, #tpu.memory_space<hbm>>
    %dma_start3A_246 = arith.constant 22088 : i32
    %dma_start3A_247 = tpu.memref_slice %arg9[%dma_start3A_246] : memref<40160xf32, #tpu.memory_space<vmem>> -> memref<2000xf32, #tpu.memory_space<vmem>>
    tpu.enqueue_dma source(%dma_start3A_247 : memref<2000xf32, #tpu.memory_space<vmem>>) target(%dma_start3A_245 : memref<2000xf32, #tpu.memory_space<hbm>>) target_semaphore(%arg10 : memref<!tpu.dma_semaphore, #tpu.memory_space<semaphore_mem>>)
    %dma_start3A_248 = arith.constant 24096 : i32
    %dma_start3A_249 = tpu.memref_slice %arg9[%dma_start3A_248] : memref<40160xf32, #tpu.memory_space<vmem>> -> memref<2000xf32, #tpu.memory_space<vmem>>
    %dma_start3A_250 = tpu.memref_slice %arg5[%add3A_148] : memref<1280000xf32, #tpu.memory_space<hbm>> -> memref<2000xf32, #tpu.memory_space<hbm>>
    %dma_start3A_251 = tpu.memref_slice %arg5[%add3A_148] : memref<1280000xf32, #tpu.memory_space<hbm>> -> memref<2000xf32, #tpu.memory_space<hbm>>
    %dma_start3A_252 = arith.constant 24096 : i32
    %dma_start3A_253 = tpu.memref_slice %arg9[%dma_start3A_252] : memref<40160xf32, #tpu.memory_space<vmem>> -> memref<2000xf32, #tpu.memory_space<vmem>>
    tpu.enqueue_dma source(%dma_start3A_253 : memref<2000xf32, #tpu.memory_space<vmem>>) target(%dma_start3A_251 : memref<2000xf32, #tpu.memory_space<hbm>>) target_semaphore(%arg10 : memref<!tpu.dma_semaphore, #tpu.memory_space<semaphore_mem>>)
    %dma_start3A_254 = arith.constant 26104 : i32
    %dma_start3A_255 = tpu.memref_slice %arg9[%dma_start3A_254] : memref<40160xf32, #tpu.memory_space<vmem>> -> memref<2000xf32, #tpu.memory_space<vmem>>
    %dma_start3A_256 = tpu.memref_slice %arg5[%add3A_152] : memref<1280000xf32, #tpu.memory_space<hbm>> -> memref<2000xf32, #tpu.memory_space<hbm>>
    %dma_start3A_257 = tpu.memref_slice %arg5[%add3A_152] : memref<1280000xf32, #tpu.memory_space<hbm>> -> memref<2000xf32, #tpu.memory_space<hbm>>
    %dma_start3A_258 = arith.constant 26104 : i32
    %dma_start3A_259 = tpu.memref_slice %arg9[%dma_start3A_258] : memref<40160xf32, #tpu.memory_space<vmem>> -> memref<2000xf32, #tpu.memory_space<vmem>>
    tpu.enqueue_dma source(%dma_start3A_259 : memref<2000xf32, #tpu.memory_space<vmem>>) target(%dma_start3A_257 : memref<2000xf32, #tpu.memory_space<hbm>>) target_semaphore(%arg10 : memref<!tpu.dma_semaphore, #tpu.memory_space<semaphore_mem>>)
    %dma_start3A_260 = arith.constant 28112 : i32
    %dma_start3A_261 = tpu.memref_slice %arg9[%dma_start3A_260] : memref<40160xf32, #tpu.memory_space<vmem>> -> memref<2000xf32, #tpu.memory_space<vmem>>
    %dma_start3A_262 = tpu.memref_slice %arg5[%add3A_156] : memref<1280000xf32, #tpu.memory_space<hbm>> -> memref<2000xf32, #tpu.memory_space<hbm>>
    %dma_start3A_263 = tpu.memref_slice %arg5[%add3A_156] : memref<1280000xf32, #tpu.memory_space<hbm>> -> memref<2000xf32, #tpu.memory_space<hbm>>
    %dma_start3A_264 = arith.constant 28112 : i32
    %dma_start3A_265 = tpu.memref_slice %arg9[%dma_start3A_264] : memref<40160xf32, #tpu.memory_space<vmem>> -> memref<2000xf32, #tpu.memory_space<vmem>>
    tpu.enqueue_dma source(%dma_start3A_265 : memref<2000xf32, #tpu.memory_space<vmem>>) target(%dma_start3A_263 : memref<2000xf32, #tpu.memory_space<hbm>>) target_semaphore(%arg10 : memref<!tpu.dma_semaphore, #tpu.memory_space<semaphore_mem>>)
    %dma_start3A_266 = arith.constant 30120 : i32
    %dma_start3A_267 = tpu.memref_slice %arg9[%dma_start3A_266] : memref<40160xf32, #tpu.memory_space<vmem>> -> memref<2000xf32, #tpu.memory_space<vmem>>
    %dma_start3A_268 = tpu.memref_slice %arg5[%add3A_160] : memref<1280000xf32, #tpu.memory_space<hbm>> -> memref<2000xf32, #tpu.memory_space<hbm>>
    %dma_start3A_269 = tpu.memref_slice %arg5[%add3A_160] : memref<1280000xf32, #tpu.memory_space<hbm>> -> memref<2000xf32, #tpu.memory_space<hbm>>
    %dma_start3A_270 = arith.constant 30120 : i32
    %dma_start3A_271 = tpu.memref_slice %arg9[%dma_start3A_270] : memref<40160xf32, #tpu.memory_space<vmem>> -> memref<2000xf32, #tpu.memory_space<vmem>>
    tpu.enqueue_dma source(%dma_start3A_271 : memref<2000xf32, #tpu.memory_space<vmem>>) target(%dma_start3A_269 : memref<2000xf32, #tpu.memory_space<hbm>>) target_semaphore(%arg10 : memref<!tpu.dma_semaphore, #tpu.memory_space<semaphore_mem>>)
    %dma_start3A_272 = arith.constant 32128 : i32
    %dma_start3A_273 = tpu.memref_slice %arg9[%dma_start3A_272] : memref<40160xf32, #tpu.memory_space<vmem>> -> memref<2000xf32, #tpu.memory_space<vmem>>
    %dma_start3A_274 = tpu.memref_slice %arg5[%add3A_164] : memref<1280000xf32, #tpu.memory_space<hbm>> -> memref<2000xf32, #tpu.memory_space<hbm>>
    %dma_start3A_275 = tpu.memref_slice %arg5[%add3A_164] : memref<1280000xf32, #tpu.memory_space<hbm>> -> memref<2000xf32, #tpu.memory_space<hbm>>
    %dma_start3A_276 = arith.constant 32128 : i32
    %dma_start3A_277 = tpu.memref_slice %arg9[%dma_start3A_276] : memref<40160xf32, #tpu.memory_space<vmem>> -> memref<2000xf32, #tpu.memory_space<vmem>>
    tpu.enqueue_dma source(%dma_start3A_277 : memref<2000xf32, #tpu.memory_space<vmem>>) target(%dma_start3A_275 : memref<2000xf32, #tpu.memory_space<hbm>>) target_semaphore(%arg10 : memref<!tpu.dma_semaphore, #tpu.memory_space<semaphore_mem>>)
    %dma_start3A_278 = arith.constant 34136 : i32
    %dma_start3A_279 = tpu.memref_slice %arg9[%dma_start3A_278] : memref<40160xf32, #tpu.memory_space<vmem>> -> memref<2000xf32, #tpu.memory_space<vmem>>
    %dma_start3A_280 = tpu.memref_slice %arg5[%add3A_168] : memref<1280000xf32, #tpu.memory_space<hbm>> -> memref<2000xf32, #tpu.memory_space<hbm>>
    %dma_start3A_281 = tpu.memref_slice %arg5[%add3A_168] : memref<1280000xf32, #tpu.memory_space<hbm>> -> memref<2000xf32, #tpu.memory_space<hbm>>
    %dma_start3A_282 = arith.constant 34136 : i32
    %dma_start3A_283 = tpu.memref_slice %arg9[%dma_start3A_282] : memref<40160xf32, #tpu.memory_space<vmem>> -> memref<2000xf32, #tpu.memory_space<vmem>>
    tpu.enqueue_dma source(%dma_start3A_283 : memref<2000xf32, #tpu.memory_space<vmem>>) target(%dma_start3A_281 : memref<2000xf32, #tpu.memory_space<hbm>>) target_semaphore(%arg10 : memref<!tpu.dma_semaphore, #tpu.memory_space<semaphore_mem>>)
    %dma_start3A_284 = arith.constant 36144 : i32
    %dma_start3A_285 = tpu.memref_slice %arg9[%dma_start3A_284] : memref<40160xf32, #tpu.memory_space<vmem>> -> memref<2000xf32, #tpu.memory_space<vmem>>
    %dma_start3A_286 = tpu.memref_slice %arg5[%add3A_172] : memref<1280000xf32, #tpu.memory_space<hbm>> -> memref<2000xf32, #tpu.memory_space<hbm>>
    %dma_start3A_287 = tpu.memref_slice %arg5[%add3A_172] : memref<1280000xf32, #tpu.memory_space<hbm>> -> memref<2000xf32, #tpu.memory_space<hbm>>
    %dma_start3A_288 = arith.constant 36144 : i32
    %dma_start3A_289 = tpu.memref_slice %arg9[%dma_start3A_288] : memref<40160xf32, #tpu.memory_space<vmem>> -> memref<2000xf32, #tpu.memory_space<vmem>>
    tpu.enqueue_dma source(%dma_start3A_289 : memref<2000xf32, #tpu.memory_space<vmem>>) target(%dma_start3A_287 : memref<2000xf32, #tpu.memory_space<hbm>>) target_semaphore(%arg10 : memref<!tpu.dma_semaphore, #tpu.memory_space<semaphore_mem>>)
    %dma_start3A_290 = arith.constant 38152 : i32
    %dma_start3A_291 = tpu.memref_slice %arg9[%dma_start3A_290] : memref<40160xf32, #tpu.memory_space<vmem>> -> memref<2000xf32, #tpu.memory_space<vmem>>
    %dma_start3A_292 = tpu.memref_slice %arg5[%add3A_176] : memref<1280000xf32, #tpu.memory_space<hbm>> -> memref<2000xf32, #tpu.memory_space<hbm>>
    %dma_start3A_293 = tpu.memref_slice %arg5[%add3A_176] : memref<1280000xf32, #tpu.memory_space<hbm>> -> memref<2000xf32, #tpu.memory_space<hbm>>
    %dma_start3A_294 = arith.constant 38152 : i32
    %dma_start3A_295 = tpu.memref_slice %arg9[%dma_start3A_294] : memref<40160xf32, #tpu.memory_space<vmem>> -> memref<2000xf32, #tpu.memory_space<vmem>>
    tpu.enqueue_dma source(%dma_start3A_295 : memref<2000xf32, #tpu.memory_space<vmem>>) target(%dma_start3A_293 : memref<2000xf32, #tpu.memory_space<hbm>>) target_semaphore(%arg10 : memref<!tpu.dma_semaphore, #tpu.memory_space<semaphore_mem>>)
    %dma_wait3A = arith.constant 0 : i32
    %dma_wait3A_296 = tpu.memref_slice %arg9[%dma_wait3A] : memref<40160xf32, #tpu.memory_space<vmem>> -> memref<2000xf32, #tpu.memory_space<vmem>>
    %dma_wait3A_297 = tpu.memref_slice %arg5[%add3A_100] : memref<1280000xf32, #tpu.memory_space<hbm>> -> memref<2000xf32, #tpu.memory_space<hbm>>
    %dma_wait3A_298 = tpu.memref_slice %arg5[%add3A_100] : memref<1280000xf32, #tpu.memory_space<hbm>> -> memref<2000xf32, #tpu.memory_space<hbm>>
    %dma_wait3A_299 = arith.constant 0 : i32
    %dma_wait3A_300 = tpu.memref_slice %arg9[%dma_wait3A_299] : memref<40160xf32, #tpu.memory_space<vmem>> -> memref<2000xf32, #tpu.memory_space<vmem>>
    tpu.wait_dma2 semaphore(%arg10 : memref<!tpu.dma_semaphore, #tpu.memory_space<semaphore_mem>>) src(%dma_wait3A_300 : memref<2000xf32, #tpu.memory_space<vmem>>) dst(%dma_wait3A_298 : memref<2000xf32, #tpu.memory_space<hbm>>)
    %dma_wait3A_301 = arith.constant 2008 : i32
    %dma_wait3A_302 = tpu.memref_slice %arg9[%dma_wait3A_301] : memref<40160xf32, #tpu.memory_space<vmem>> -> memref<2000xf32, #tpu.memory_space<vmem>>
    %dma_wait3A_303 = tpu.memref_slice %arg5[%add3A_104] : memref<1280000xf32, #tpu.memory_space<hbm>> -> memref<2000xf32, #tpu.memory_space<hbm>>
    %dma_wait3A_304 = tpu.memref_slice %arg5[%add3A_104] : memref<1280000xf32, #tpu.memory_space<hbm>> -> memref<2000xf32, #tpu.memory_space<hbm>>
    %dma_wait3A_305 = arith.constant 2008 : i32
    %dma_wait3A_306 = tpu.memref_slice %arg9[%dma_wait3A_305] : memref<40160xf32, #tpu.memory_space<vmem>> -> memref<2000xf32, #tpu.memory_space<vmem>>
    tpu.wait_dma2 semaphore(%arg10 : memref<!tpu.dma_semaphore, #tpu.memory_space<semaphore_mem>>) src(%dma_wait3A_306 : memref<2000xf32, #tpu.memory_space<vmem>>) dst(%dma_wait3A_304 : memref<2000xf32, #tpu.memory_space<hbm>>)
    %dma_wait3A_307 = arith.constant 4016 : i32
    %dma_wait3A_308 = tpu.memref_slice %arg9[%dma_wait3A_307] : memref<40160xf32, #tpu.memory_space<vmem>> -> memref<2000xf32, #tpu.memory_space<vmem>>
    %dma_wait3A_309 = tpu.memref_slice %arg5[%add3A_108] : memref<1280000xf32, #tpu.memory_space<hbm>> -> memref<2000xf32, #tpu.memory_space<hbm>>
    %dma_wait3A_310 = tpu.memref_slice %arg5[%add3A_108] : memref<1280000xf32, #tpu.memory_space<hbm>> -> memref<2000xf32, #tpu.memory_space<hbm>>
    %dma_wait3A_311 = arith.constant 4016 : i32
    %dma_wait3A_312 = tpu.memref_slice %arg9[%dma_wait3A_311] : memref<40160xf32, #tpu.memory_space<vmem>> -> memref<2000xf32, #tpu.memory_space<vmem>>
    tpu.wait_dma2 semaphore(%arg10 : memref<!tpu.dma_semaphore, #tpu.memory_space<semaphore_mem>>) src(%dma_wait3A_312 : memref<2000xf32, #tpu.memory_space<vmem>>) dst(%dma_wait3A_310 : memref<2000xf32, #tpu.memory_space<hbm>>)
    %dma_wait3A_313 = arith.constant 6024 : i32
    %dma_wait3A_314 = tpu.memref_slice %arg9[%dma_wait3A_313] : memref<40160xf32, #tpu.memory_space<vmem>> -> memref<2000xf32, #tpu.memory_space<vmem>>
    %dma_wait3A_315 = tpu.memref_slice %arg5[%add3A_112] : memref<1280000xf32, #tpu.memory_space<hbm>> -> memref<2000xf32, #tpu.memory_space<hbm>>
    %dma_wait3A_316 = tpu.memref_slice %arg5[%add3A_112] : memref<1280000xf32, #tpu.memory_space<hbm>> -> memref<2000xf32, #tpu.memory_space<hbm>>
    %dma_wait3A_317 = arith.constant 6024 : i32
    %dma_wait3A_318 = tpu.memref_slice %arg9[%dma_wait3A_317] : memref<40160xf32, #tpu.memory_space<vmem>> -> memref<2000xf32, #tpu.memory_space<vmem>>
    tpu.wait_dma2 semaphore(%arg10 : memref<!tpu.dma_semaphore, #tpu.memory_space<semaphore_mem>>) src(%dma_wait3A_318 : memref<2000xf32, #tpu.memory_space<vmem>>) dst(%dma_wait3A_316 : memref<2000xf32, #tpu.memory_space<hbm>>)
    %dma_wait3A_319 = arith.constant 8032 : i32
    %dma_wait3A_320 = tpu.memref_slice %arg9[%dma_wait3A_319] : memref<40160xf32, #tpu.memory_space<vmem>> -> memref<2000xf32, #tpu.memory_space<vmem>>
    %dma_wait3A_321 = tpu.memref_slice %arg5[%add3A_116] : memref<1280000xf32, #tpu.memory_space<hbm>> -> memref<2000xf32, #tpu.memory_space<hbm>>
    %dma_wait3A_322 = tpu.memref_slice %arg5[%add3A_116] : memref<1280000xf32, #tpu.memory_space<hbm>> -> memref<2000xf32, #tpu.memory_space<hbm>>
    %dma_wait3A_323 = arith.constant 8032 : i32
    %dma_wait3A_324 = tpu.memref_slice %arg9[%dma_wait3A_323] : memref<40160xf32, #tpu.memory_space<vmem>> -> memref<2000xf32, #tpu.memory_space<vmem>>
    tpu.wait_dma2 semaphore(%arg10 : memref<!tpu.dma_semaphore, #tpu.memory_space<semaphore_mem>>) src(%dma_wait3A_324 : memref<2000xf32, #tpu.memory_space<vmem>>) dst(%dma_wait3A_322 : memref<2000xf32, #tpu.memory_space<hbm>>)
    %dma_wait3A_325 = arith.constant 10040 : i32
    %dma_wait3A_326 = tpu.memref_slice %arg9[%dma_wait3A_325] : memref<40160xf32, #tpu.memory_space<vmem>> -> memref<2000xf32, #tpu.memory_space<vmem>>
    %dma_wait3A_327 = tpu.memref_slice %arg5[%add3A_120] : memref<1280000xf32, #tpu.memory_space<hbm>> -> memref<2000xf32, #tpu.memory_space<hbm>>
    %dma_wait3A_328 = tpu.memref_slice %arg5[%add3A_120] : memref<1280000xf32, #tpu.memory_space<hbm>> -> memref<2000xf32, #tpu.memory_space<hbm>>
    %dma_wait3A_329 = arith.constant 10040 : i32
    %dma_wait3A_330 = tpu.memref_slice %arg9[%dma_wait3A_329] : memref<40160xf32, #tpu.memory_space<vmem>> -> memref<2000xf32, #tpu.memory_space<vmem>>
    tpu.wait_dma2 semaphore(%arg10 : memref<!tpu.dma_semaphore, #tpu.memory_space<semaphore_mem>>) src(%dma_wait3A_330 : memref<2000xf32, #tpu.memory_space<vmem>>) dst(%dma_wait3A_328 : memref<2000xf32, #tpu.memory_space<hbm>>)
    %dma_wait3A_331 = arith.constant 12048 : i32
    %dma_wait3A_332 = tpu.memref_slice %arg9[%dma_wait3A_331] : memref<40160xf32, #tpu.memory_space<vmem>> -> memref<2000xf32, #tpu.memory_space<vmem>>
    %dma_wait3A_333 = tpu.memref_slice %arg5[%add3A_124] : memref<1280000xf32, #tpu.memory_space<hbm>> -> memref<2000xf32, #tpu.memory_space<hbm>>
    %dma_wait3A_334 = tpu.memref_slice %arg5[%add3A_124] : memref<1280000xf32, #tpu.memory_space<hbm>> -> memref<2000xf32, #tpu.memory_space<hbm>>
    %dma_wait3A_335 = arith.constant 12048 : i32
    %dma_wait3A_336 = tpu.memref_slice %arg9[%dma_wait3A_335] : memref<40160xf32, #tpu.memory_space<vmem>> -> memref<2000xf32, #tpu.memory_space<vmem>>
    tpu.wait_dma2 semaphore(%arg10 : memref<!tpu.dma_semaphore, #tpu.memory_space<semaphore_mem>>) src(%dma_wait3A_336 : memref<2000xf32, #tpu.memory_space<vmem>>) dst(%dma_wait3A_334 : memref<2000xf32, #tpu.memory_space<hbm>>)
    %dma_wait3A_337 = arith.constant 14056 : i32
    %dma_wait3A_338 = tpu.memref_slice %arg9[%dma_wait3A_337] : memref<40160xf32, #tpu.memory_space<vmem>> -> memref<2000xf32, #tpu.memory_space<vmem>>
    %dma_wait3A_339 = tpu.memref_slice %arg5[%add3A_128] : memref<1280000xf32, #tpu.memory_space<hbm>> -> memref<2000xf32, #tpu.memory_space<hbm>>
    %dma_wait3A_340 = tpu.memref_slice %arg5[%add3A_128] : memref<1280000xf32, #tpu.memory_space<hbm>> -> memref<2000xf32, #tpu.memory_space<hbm>>
    %dma_wait3A_341 = arith.constant 14056 : i32
    %dma_wait3A_342 = tpu.memref_slice %arg9[%dma_wait3A_341] : memref<40160xf32, #tpu.memory_space<vmem>> -> memref<2000xf32, #tpu.memory_space<vmem>>
    tpu.wait_dma2 semaphore(%arg10 : memref<!tpu.dma_semaphore, #tpu.memory_space<semaphore_mem>>) src(%dma_wait3A_342 : memref<2000xf32, #tpu.memory_space<vmem>>) dst(%dma_wait3A_340 : memref<2000xf32, #tpu.memory_space<hbm>>)
    %dma_wait3A_343 = arith.constant 16064 : i32
    %dma_wait3A_344 = tpu.memref_slice %arg9[%dma_wait3A_343] : memref<40160xf32, #tpu.memory_space<vmem>> -> memref<2000xf32, #tpu.memory_space<vmem>>
    %dma_wait3A_345 = tpu.memref_slice %arg5[%add3A_132] : memref<1280000xf32, #tpu.memory_space<hbm>> -> memref<2000xf32, #tpu.memory_space<hbm>>
    %dma_wait3A_346 = tpu.memref_slice %arg5[%add3A_132] : memref<1280000xf32, #tpu.memory_space<hbm>> -> memref<2000xf32, #tpu.memory_space<hbm>>
    %dma_wait3A_347 = arith.constant 16064 : i32
    %dma_wait3A_348 = tpu.memref_slice %arg9[%dma_wait3A_347] : memref<40160xf32, #tpu.memory_space<vmem>> -> memref<2000xf32, #tpu.memory_space<vmem>>
    tpu.wait_dma2 semaphore(%arg10 : memref<!tpu.dma_semaphore, #tpu.memory_space<semaphore_mem>>) src(%dma_wait3A_348 : memref<2000xf32, #tpu.memory_space<vmem>>) dst(%dma_wait3A_346 : memref<2000xf32, #tpu.memory_space<hbm>>)
    %dma_wait3A_349 = arith.constant 18072 : i32
    %dma_wait3A_350 = tpu.memref_slice %arg9[%dma_wait3A_349] : memref<40160xf32, #tpu.memory_space<vmem>> -> memref<2000xf32, #tpu.memory_space<vmem>>
    %dma_wait3A_351 = tpu.memref_slice %arg5[%add3A_136] : memref<1280000xf32, #tpu.memory_space<hbm>> -> memref<2000xf32, #tpu.memory_space<hbm>>
    %dma_wait3A_352 = tpu.memref_slice %arg5[%add3A_136] : memref<1280000xf32, #tpu.memory_space<hbm>> -> memref<2000xf32, #tpu.memory_space<hbm>>
    %dma_wait3A_353 = arith.constant 18072 : i32
    %dma_wait3A_354 = tpu.memref_slice %arg9[%dma_wait3A_353] : memref<40160xf32, #tpu.memory_space<vmem>> -> memref<2000xf32, #tpu.memory_space<vmem>>
    tpu.wait_dma2 semaphore(%arg10 : memref<!tpu.dma_semaphore, #tpu.memory_space<semaphore_mem>>) src(%dma_wait3A_354 : memref<2000xf32, #tpu.memory_space<vmem>>) dst(%dma_wait3A_352 : memref<2000xf32, #tpu.memory_space<hbm>>)
    %dma_wait3A_355 = arith.constant 20080 : i32
    %dma_wait3A_356 = tpu.memref_slice %arg9[%dma_wait3A_355] : memref<40160xf32, #tpu.memory_space<vmem>> -> memref<2000xf32, #tpu.memory_space<vmem>>
    %dma_wait3A_357 = tpu.memref_slice %arg5[%add3A_140] : memref<1280000xf32, #tpu.memory_space<hbm>> -> memref<2000xf32, #tpu.memory_space<hbm>>
    %dma_wait3A_358 = tpu.memref_slice %arg5[%add3A_140] : memref<1280000xf32, #tpu.memory_space<hbm>> -> memref<2000xf32, #tpu.memory_space<hbm>>
    %dma_wait3A_359 = arith.constant 20080 : i32
    %dma_wait3A_360 = tpu.memref_slice %arg9[%dma_wait3A_359] : memref<40160xf32, #tpu.memory_space<vmem>> -> memref<2000xf32, #tpu.memory_space<vmem>>
    tpu.wait_dma2 semaphore(%arg10 : memref<!tpu.dma_semaphore, #tpu.memory_space<semaphore_mem>>) src(%dma_wait3A_360 : memref<2000xf32, #tpu.memory_space<vmem>>) dst(%dma_wait3A_358 : memref<2000xf32, #tpu.memory_space<hbm>>)
    %dma_wait3A_361 = arith.constant 22088 : i32
    %dma_wait3A_362 = tpu.memref_slice %arg9[%dma_wait3A_361] : memref<40160xf32, #tpu.memory_space<vmem>> -> memref<2000xf32, #tpu.memory_space<vmem>>
    %dma_wait3A_363 = tpu.memref_slice %arg5[%add3A_144] : memref<1280000xf32, #tpu.memory_space<hbm>> -> memref<2000xf32, #tpu.memory_space<hbm>>
    %dma_wait3A_364 = tpu.memref_slice %arg5[%add3A_144] : memref<1280000xf32, #tpu.memory_space<hbm>> -> memref<2000xf32, #tpu.memory_space<hbm>>
    %dma_wait3A_365 = arith.constant 22088 : i32
    %dma_wait3A_366 = tpu.memref_slice %arg9[%dma_wait3A_365] : memref<40160xf32, #tpu.memory_space<vmem>> -> memref<2000xf32, #tpu.memory_space<vmem>>
    tpu.wait_dma2 semaphore(%arg10 : memref<!tpu.dma_semaphore, #tpu.memory_space<semaphore_mem>>) src(%dma_wait3A_366 : memref<2000xf32, #tpu.memory_space<vmem>>) dst(%dma_wait3A_364 : memref<2000xf32, #tpu.memory_space<hbm>>)
    %dma_wait3A_367 = arith.constant 24096 : i32
    %dma_wait3A_368 = tpu.memref_slice %arg9[%dma_wait3A_367] : memref<40160xf32, #tpu.memory_space<vmem>> -> memref<2000xf32, #tpu.memory_space<vmem>>
    %dma_wait3A_369 = tpu.memref_slice %arg5[%add3A_148] : memref<1280000xf32, #tpu.memory_space<hbm>> -> memref<2000xf32, #tpu.memory_space<hbm>>
    %dma_wait3A_370 = tpu.memref_slice %arg5[%add3A_148] : memref<1280000xf32, #tpu.memory_space<hbm>> -> memref<2000xf32, #tpu.memory_space<hbm>>
    %dma_wait3A_371 = arith.constant 24096 : i32
    %dma_wait3A_372 = tpu.memref_slice %arg9[%dma_wait3A_371] : memref<40160xf32, #tpu.memory_space<vmem>> -> memref<2000xf32, #tpu.memory_space<vmem>>
    tpu.wait_dma2 semaphore(%arg10 : memref<!tpu.dma_semaphore, #tpu.memory_space<semaphore_mem>>) src(%dma_wait3A_372 : memref<2000xf32, #tpu.memory_space<vmem>>) dst(%dma_wait3A_370 : memref<2000xf32, #tpu.memory_space<hbm>>)
    %dma_wait3A_373 = arith.constant 26104 : i32
    %dma_wait3A_374 = tpu.memref_slice %arg9[%dma_wait3A_373] : memref<40160xf32, #tpu.memory_space<vmem>> -> memref<2000xf32, #tpu.memory_space<vmem>>
    %dma_wait3A_375 = tpu.memref_slice %arg5[%add3A_152] : memref<1280000xf32, #tpu.memory_space<hbm>> -> memref<2000xf32, #tpu.memory_space<hbm>>
    %dma_wait3A_376 = tpu.memref_slice %arg5[%add3A_152] : memref<1280000xf32, #tpu.memory_space<hbm>> -> memref<2000xf32, #tpu.memory_space<hbm>>
    %dma_wait3A_377 = arith.constant 26104 : i32
    %dma_wait3A_378 = tpu.memref_slice %arg9[%dma_wait3A_377] : memref<40160xf32, #tpu.memory_space<vmem>> -> memref<2000xf32, #tpu.memory_space<vmem>>
    tpu.wait_dma2 semaphore(%arg10 : memref<!tpu.dma_semaphore, #tpu.memory_space<semaphore_mem>>) src(%dma_wait3A_378 : memref<2000xf32, #tpu.memory_space<vmem>>) dst(%dma_wait3A_376 : memref<2000xf32, #tpu.memory_space<hbm>>)
    %dma_wait3A_379 = arith.constant 28112 : i32
    %dma_wait3A_380 = tpu.memref_slice %arg9[%dma_wait3A_379] : memref<40160xf32, #tpu.memory_space<vmem>> -> memref<2000xf32, #tpu.memory_space<vmem>>
    %dma_wait3A_381 = tpu.memref_slice %arg5[%add3A_156] : memref<1280000xf32, #tpu.memory_space<hbm>> -> memref<2000xf32, #tpu.memory_space<hbm>>
    %dma_wait3A_382 = tpu.memref_slice %arg5[%add3A_156] : memref<1280000xf32, #tpu.memory_space<hbm>> -> memref<2000xf32, #tpu.memory_space<hbm>>
    %dma_wait3A_383 = arith.constant 28112 : i32
    %dma_wait3A_384 = tpu.memref_slice %arg9[%dma_wait3A_383] : memref<40160xf32, #tpu.memory_space<vmem>> -> memref<2000xf32, #tpu.memory_space<vmem>>
    tpu.wait_dma2 semaphore(%arg10 : memref<!tpu.dma_semaphore, #tpu.memory_space<semaphore_mem>>) src(%dma_wait3A_384 : memref<2000xf32, #tpu.memory_space<vmem>>) dst(%dma_wait3A_382 : memref<2000xf32, #tpu.memory_space<hbm>>)
    %dma_wait3A_385 = arith.constant 30120 : i32
    %dma_wait3A_386 = tpu.memref_slice %arg9[%dma_wait3A_385] : memref<40160xf32, #tpu.memory_space<vmem>> -> memref<2000xf32, #tpu.memory_space<vmem>>
    %dma_wait3A_387 = tpu.memref_slice %arg5[%add3A_160] : memref<1280000xf32, #tpu.memory_space<hbm>> -> memref<2000xf32, #tpu.memory_space<hbm>>
    %dma_wait3A_388 = tpu.memref_slice %arg5[%add3A_160] : memref<1280000xf32, #tpu.memory_space<hbm>> -> memref<2000xf32, #tpu.memory_space<hbm>>
    %dma_wait3A_389 = arith.constant 30120 : i32
    %dma_wait3A_390 = tpu.memref_slice %arg9[%dma_wait3A_389] : memref<40160xf32, #tpu.memory_space<vmem>> -> memref<2000xf32, #tpu.memory_space<vmem>>
    tpu.wait_dma2 semaphore(%arg10 : memref<!tpu.dma_semaphore, #tpu.memory_space<semaphore_mem>>) src(%dma_wait3A_390 : memref<2000xf32, #tpu.memory_space<vmem>>) dst(%dma_wait3A_388 : memref<2000xf32, #tpu.memory_space<hbm>>)
    %dma_wait3A_391 = arith.constant 32128 : i32
    %dma_wait3A_392 = tpu.memref_slice %arg9[%dma_wait3A_391] : memref<40160xf32, #tpu.memory_space<vmem>> -> memref<2000xf32, #tpu.memory_space<vmem>>
    %dma_wait3A_393 = tpu.memref_slice %arg5[%add3A_164] : memref<1280000xf32, #tpu.memory_space<hbm>> -> memref<2000xf32, #tpu.memory_space<hbm>>
    %dma_wait3A_394 = tpu.memref_slice %arg5[%add3A_164] : memref<1280000xf32, #tpu.memory_space<hbm>> -> memref<2000xf32, #tpu.memory_space<hbm>>
    %dma_wait3A_395 = arith.constant 32128 : i32
    %dma_wait3A_396 = tpu.memref_slice %arg9[%dma_wait3A_395] : memref<40160xf32, #tpu.memory_space<vmem>> -> memref<2000xf32, #tpu.memory_space<vmem>>
    tpu.wait_dma2 semaphore(%arg10 : memref<!tpu.dma_semaphore, #tpu.memory_space<semaphore_mem>>) src(%dma_wait3A_396 : memref<2000xf32, #tpu.memory_space<vmem>>) dst(%dma_wait3A_394 : memref<2000xf32, #tpu.memory_space<hbm>>)
    %dma_wait3A_397 = arith.constant 34136 : i32
    %dma_wait3A_398 = tpu.memref_slice %arg9[%dma_wait3A_397] : memref<40160xf32, #tpu.memory_space<vmem>> -> memref<2000xf32, #tpu.memory_space<vmem>>
    %dma_wait3A_399 = tpu.memref_slice %arg5[%add3A_168] : memref<1280000xf32, #tpu.memory_space<hbm>> -> memref<2000xf32, #tpu.memory_space<hbm>>
    %dma_wait3A_400 = tpu.memref_slice %arg5[%add3A_168] : memref<1280000xf32, #tpu.memory_space<hbm>> -> memref<2000xf32, #tpu.memory_space<hbm>>
    %dma_wait3A_401 = arith.constant 34136 : i32
    %dma_wait3A_402 = tpu.memref_slice %arg9[%dma_wait3A_401] : memref<40160xf32, #tpu.memory_space<vmem>> -> memref<2000xf32, #tpu.memory_space<vmem>>
    tpu.wait_dma2 semaphore(%arg10 : memref<!tpu.dma_semaphore, #tpu.memory_space<semaphore_mem>>) src(%dma_wait3A_402 : memref<2000xf32, #tpu.memory_space<vmem>>) dst(%dma_wait3A_400 : memref<2000xf32, #tpu.memory_space<hbm>>)
    %dma_wait3A_403 = arith.constant 36144 : i32
    %dma_wait3A_404 = tpu.memref_slice %arg9[%dma_wait3A_403] : memref<40160xf32, #tpu.memory_space<vmem>> -> memref<2000xf32, #tpu.memory_space<vmem>>
    %dma_wait3A_405 = tpu.memref_slice %arg5[%add3A_172] : memref<1280000xf32, #tpu.memory_space<hbm>> -> memref<2000xf32, #tpu.memory_space<hbm>>
    %dma_wait3A_406 = tpu.memref_slice %arg5[%add3A_172] : memref<1280000xf32, #tpu.memory_space<hbm>> -> memref<2000xf32, #tpu.memory_space<hbm>>
    %dma_wait3A_407 = arith.constant 36144 : i32
    %dma_wait3A_408 = tpu.memref_slice %arg9[%dma_wait3A_407] : memref<40160xf32, #tpu.memory_space<vmem>> -> memref<2000xf32, #tpu.memory_space<vmem>>
    tpu.wait_dma2 semaphore(%arg10 : memref<!tpu.dma_semaphore, #tpu.memory_space<semaphore_mem>>) src(%dma_wait3A_408 : memref<2000xf32, #tpu.memory_space<vmem>>) dst(%dma_wait3A_406 : memref<2000xf32, #tpu.memory_space<hbm>>)
    %dma_wait3A_409 = arith.constant 38152 : i32
    %dma_wait3A_410 = tpu.memref_slice %arg9[%dma_wait3A_409] : memref<40160xf32, #tpu.memory_space<vmem>> -> memref<2000xf32, #tpu.memory_space<vmem>>
    %dma_wait3A_411 = tpu.memref_slice %arg5[%add3A_176] : memref<1280000xf32, #tpu.memory_space<hbm>> -> memref<2000xf32, #tpu.memory_space<hbm>>
    %dma_wait3A_412 = tpu.memref_slice %arg5[%add3A_176] : memref<1280000xf32, #tpu.memory_space<hbm>> -> memref<2000xf32, #tpu.memory_space<hbm>>
    %dma_wait3A_413 = arith.constant 38152 : i32
    %dma_wait3A_414 = tpu.memref_slice %arg9[%dma_wait3A_413] : memref<40160xf32, #tpu.memory_space<vmem>> -> memref<2000xf32, #tpu.memory_space<vmem>>
    tpu.wait_dma2 semaphore(%arg10 : memref<!tpu.dma_semaphore, #tpu.memory_space<semaphore_mem>>) src(%dma_wait3A_414 : memref<2000xf32, #tpu.memory_space<vmem>>) dst(%dma_wait3A_412 : memref<2000xf32, #tpu.memory_space<hbm>>)
    return
  }
}

module attributes {stable_mosaic.version = 14 : i64} {
  func.func @_post_body(%arg0: memref<20x64x1000xf32, #tpu.memory_space<vmem>>, %arg1: memref<64xf32, #tpu.memory_space<vmem>>, %arg2: memref<24x64x1000xf32, #tpu.memory_space<vmem>>) attributes {dimension_semantics = [], scalar_prefetch = 0 : i64, scratch_operands = 0 : i64, tpu.core_type = #tpu.core_type<tc>} {
    %get3A = arith.constant 0 : index
    %get3A_0 = arith.constant 0 : index
    %get3A_1 = arith.constant 0 : index
    %get3A_2 = vector.load %arg0[%get3A, %get3A_0, %get3A_1] : memref<20x64x1000xf32, #tpu.memory_space<vmem>>, vector<20x64x1000xf32>
    %get3A_3 = arith.constant 0 : index
    %get3A_4 = vector.load %arg1[%get3A_3] : memref<64xf32, #tpu.memory_space<vmem>>, vector<64xf32>
    %broadcast_in_dim3A = vector.shape_cast %get3A_4 : vector<64xf32> to vector<1x64x1xf32>
    %slice3A = vector.extract_strided_slice %get3A_2 {offsets = [0, 0, 0], sizes = [10, 64, 1000], strides = [1, 1, 1]} : vector<20x64x1000xf32> to vector<10x64x1000xf32>
    %div3A = vector.broadcast %broadcast_in_dim3A : vector<1x64x1xf32> to vector<10x64x1000xf32>
    %div3A_5 = arith.divf %slice3A, %div3A : vector<10x64x1000xf32>
    %reduce_sum3A = arith.constant dense<0.000000e+00> : vector<64x1000xf32>
    %reduce_sum3A_6 = vector.multi_reduction <add>, %slice3A, %reduce_sum3A [0] : vector<10x64x1000xf32> to vector<64x1000xf32>
    %broadcast_in_dim3A_7 = vector.shape_cast %reduce_sum3A_6 : vector<64x1000xf32> to vector<1x64x1000xf32>
    %reduce_sum3A_8 = arith.constant dense<0.000000e+00> : vector<64x1000xf32>
    %reduce_sum3A_9 = vector.multi_reduction <add>, %div3A_5, %reduce_sum3A_8 [0] : vector<10x64x1000xf32> to vector<64x1000xf32>
    %broadcast_in_dim3A_10 = vector.shape_cast %reduce_sum3A_9 : vector<64x1000xf32> to vector<1x64x1000xf32>
    %log1p3A = math.log1p %broadcast_in_dim3A_10 : vector<1x64x1000xf32>
    %slice3A_11 = vector.extract_strided_slice %get3A_2 {offsets = [10, 0, 0], sizes = [10, 64, 1000], strides = [1, 1, 1]} : vector<20x64x1000xf32> to vector<10x64x1000xf32>
    %reduce_sum3A_12 = arith.constant dense<0.000000e+00> : vector<64x1000xf32>
    %reduce_sum3A_13 = vector.multi_reduction <add>, %slice3A_11, %reduce_sum3A_12 [0] : vector<10x64x1000xf32> to vector<64x1000xf32>
    %broadcast_in_dim3A_14 = vector.shape_cast %reduce_sum3A_13 : vector<64x1000xf32> to vector<1x64x1000xf32>
    %gt3A = arith.constant 0.000000e+00 : f32
    %gt3A_15 = vector.broadcast %gt3A : f32 to vector<1x64x1000xf32>
    %gt3A_16 = arith.cmpf ogt, %broadcast_in_dim3A_7, %gt3A_15 : vector<1x64x1000xf32>
    %max3A = arith.constant 1.000000e+00 : f32
    %max3A_17 = vector.broadcast %max3A : f32 to vector<1x64x1000xf32>
    %max3A_18 = arith.maximumf %broadcast_in_dim3A_7, %max3A_17 : vector<1x64x1000xf32>
    %div3A_19 = arith.divf %broadcast_in_dim3A_14, %max3A_18 : vector<1x64x1000xf32>
    %jit3A = arith.constant 0.000000e+00 : f32
    %broadcast_in_dim3A_20 = vector.broadcast %jit3A : f32 to vector<1x64x1000xf32>
    %select_n3A = arith.select %gt3A_16, %div3A_19, %broadcast_in_dim3A_20 : vector<1x64x1000xi1>, vector<1x64x1000xf32>
    %div3A_21 = arith.constant 1.000000e+05 : f32
    %div3A_22 = vector.broadcast %div3A_21 : f32 to vector<1x64x1000xf32>
    %div3A_23 = arith.divf %select_n3A, %div3A_22 : vector<1x64x1000xf32>
    %reduce_sum3A_24 = arith.constant dense<0.000000e+00> : vector<10x1000xf32>
    %reduce_sum3A_25 = vector.multi_reduction <add>, %div3A_5, %reduce_sum3A_24 [1] : vector<10x64x1000xf32> to vector<10x1000xf32>
    %broadcast_in_dim3A_26 = vector.shape_cast %reduce_sum3A_25 : vector<10x1000xf32> to vector<10x1x1000xf32>
    %div3A_27 = arith.constant 6.400000e+01 : f32
    %div3A_28 = vector.broadcast %div3A_27 : f32 to vector<10x1x1000xf32>
    %div3A_29 = arith.divf %broadcast_in_dim3A_26, %div3A_28 : vector<10x1x1000xf32>
    %sub3A = vector.broadcast %div3A_29 : vector<10x1x1000xf32> to vector<10x64x1000xf32>
    %sub3A_30 = arith.subf %div3A_5, %sub3A : vector<10x64x1000xf32>
    %reduce_sum3A_31 = arith.constant dense<0.000000e+00> : vector<1x1000xf32>
    %reduce_sum3A_32 = vector.multi_reduction <add>, %log1p3A, %reduce_sum3A_31 [1] : vector<1x64x1000xf32> to vector<1x1000xf32>
    %broadcast_in_dim3A_33 = vector.shape_cast %reduce_sum3A_32 : vector<1x1000xf32> to vector<1x1x1000xf32>
    %div3A_34 = arith.constant 6.400000e+01 : f32
    %div3A_35 = vector.broadcast %div3A_34 : f32 to vector<1x1x1000xf32>
    %div3A_36 = arith.divf %broadcast_in_dim3A_33, %div3A_35 : vector<1x1x1000xf32>
    %sub3A_37 = vector.broadcast %div3A_36 : vector<1x1x1000xf32> to vector<1x64x1000xf32>
    %sub3A_38 = arith.subf %log1p3A, %sub3A_37 : vector<1x64x1000xf32>
    %reduce_sum3A_39 = arith.constant dense<0.000000e+00> : vector<1x1000xf32>
    %reduce_sum3A_40 = vector.multi_reduction <add>, %div3A_23, %reduce_sum3A_39 [1] : vector<1x64x1000xf32> to vector<1x1000xf32>
    %broadcast_in_dim3A_41 = vector.shape_cast %reduce_sum3A_40 : vector<1x1000xf32> to vector<1x1x1000xf32>
    %div3A_42 = arith.constant 6.400000e+01 : f32
    %div3A_43 = vector.broadcast %div3A_42 : f32 to vector<1x1x1000xf32>
    %div3A_44 = arith.divf %broadcast_in_dim3A_41, %div3A_43 : vector<1x1x1000xf32>
    %sub3A_45 = vector.broadcast %div3A_44 : vector<1x1x1000xf32> to vector<1x64x1000xf32>
    %sub3A_46 = arith.subf %div3A_23, %sub3A_45 : vector<1x64x1000xf32>
    %concatenate3A = tpu.concatenate %div3A_5, %sub3A_30, %log1p3A, %sub3A_38, %sub3A_46, %div3A_23 in 0 : vector<10x64x1000xf32>, vector<10x64x1000xf32>, vector<1x64x1000xf32>, vector<1x64x1000xf32>, vector<1x64x1000xf32>, vector<1x64x1000xf32> -> vector<24x64x1000xf32>
    %swap3A = arith.constant 0 : index
    %swap3A_47 = arith.constant 0 : index
    %swap3A_48 = arith.constant 0 : index
    %swap3A_49 = vector.load %arg2[%swap3A, %swap3A_47, %swap3A_48] : memref<24x64x1000xf32, #tpu.memory_space<vmem>>, vector<24x64x1000xf32>
    tpu.vector_store %arg2[%swap3A, %swap3A_47, %swap3A_48], %concatenate3A {strides = array<i32>} : memref<24x64x1000xf32, #tpu.memory_space<vmem>>, vector<24x64x1000xf32>,
    return
  }
}

</mosaic_0001>

<sc_bundles>
// kernel: kernel.4.cloned.1.call-start
scs
__scs_entry_jumppad:
0x0: {  	(pc) =	sbr.rel $0x88, $3  }
0x1: {  	(tag) =	ssettag $0x0;
	lr =	simm.s32 $0x1  }
0x2: {  	[smem:$0x3F9D] =	sst lr;
	_ =	strace $0xD0000000  }
0x3: {  	_ = 	snop  }
0x4: {  	_ = 	snop  }
0x5: {  	_ = 	snop  }
0x6: {  	_ = 	snop  }
0x7: {  	_ = 	snop  }
__scs_overlays_trampoline_lowered:
0x8: {  	[smem:$0x3FAC] =	sst s0  }
0x9: {  	[smem:$0x3FAD] =	sst s1  }
0xa: {  	[smem:$0x3FAE] =	sst s2  }
0xb: {  	[smem:$0x3FAF] =	sst s3  }
0xc: {  	[smem:$0x3FB0] =	sst s4  }
0xd: {  	[smem:$0x3FB1] =	sst s5  }
0xe: {  	[smem:$0x3FB2] =	sst s6  }
0xf: {  	[smem:$0x3FB3] =	sst s7  }
0x10: {  	[smem:$0x3FB4] =	sst s8  }
0x11: {  	[smem:$0x3FB5] =	sst s9;
	s0 =	simm.s32 @!p0 $0x0  }
0x12: {  	s1 =	sld [smem:$0x3F9B];
	s0 =	simm.s32 @p0 $0x1  }
0x13: {  	[smem:$0x3FB6] =	sst s0;
	s0 =	simm.s32 @!p1 $0x0  }
0x14: {  	s2 =	sld [smem:$0x3F9A];
	s0 =	simm.s32 @p1 $0x1  }
0x15: {  	[smem:$0x3FB7] =	sst s0;
	s0 =	simm.s32 @!p2 $0x0  }
0x16: {  	s3 =	sld [smem:$0x3FDB];
	s0 =	simm.s32 @p2 $0x1  }
0x17: {  	s4 =	simm.s32 $0x1BF5;
	[smem:$0x3FB9] =	sst s0  }
0x18: {  	s0 =	sld [smem:$0x3F9C];
	_ =	swait.ge [sflag:s4], $0x0  }
0x19: {  	s7 =	sld [smem:$0x3F9D]  }
0x1a: {  	s8 =	sadd.s32 $0xFFFFE003, lr  }
0x1b: {  	s9 =	sadd.s32 $0xFFFFFEF7, lr;
	s5 =	simm.s32 $0xFFFFFFFF;
	p2 =	slt.u32 s8, $0xFFFFF086  }
0x1c: {  	p1 =	slt.u32 s9, $0xF7A;
	s5 =	simm.s32 @!p2 $0x0  }
0x1d: {  	s5 =	simm.s32 @p1 $0x1;
	p0 =	seq.s32 s7, s2  }
0x1e: {  	s7 =	smul.u32 @!p0 $0xF7A, s2;
	p2 =	seq.s32 @!p0 s5, $0x0  }
0x1f: {  	s9 =	smul.u32 $0xF7A, s1;
	s8 =	simm.s32 @!p0 $0x1BF5;
	p2 =	por !p2, p0  }
0x20: {  	[sflag:s8] =	ssyncset.s32 @!p0 $0xFFFFF086;
	s6 =	sadd.s32 @!p0 s3, s7;
	s7 =	simm.s32 @!p0 $0x108  }
0x21: {  	s3 =	sadd.s32 s3, s9;
	s6 =	sadd.s32 @!p0 $0x88, s6;
	s7 =	simm.s32 @p2 $0x1082  }
0x22: {  	[simem:s7], [sflag:s8] =	dma.local @!p0 [hbm:s6], $0xF7A  }
0x23: {  	s9 =	sor.u32 $0xD0000000, s2;
	s6 =	simm.s32 $0x108;
	_ =	swait.ge @!p0 [sflag:s8], $0x0  }
0x24: {  	s3 =	sadd.s32 $0x88, s3;
	s6 =	simm.s32 @!p1 $0x1082;
	[sflag:s4] =	ssyncset.s32 $0xFFFFF086  }
0x25: {  	[simem:s6], [sflag:s4] =	dma.local [hbm:s3], $0xF7A  }
0x26: {  	[smem:$0x3F9D] =	sst s1;
	(tag) =	ssettag s2;
	_ =	strace s9  }
0x27: {  	s1 =	sld [smem:$0x3FAD]  }
0x28: {  	s2 =	sld [smem:$0x3FAE]  }
0x29: {  	s4 =	sld [smem:$0x3FB0]  }
0x2a: {  	p0 =	seq.s32 s5, $0x0;
	s5 =	sld [smem:$0x3FB1]  }
0x2b: {  	s6 =	sld [smem:$0x3FB2]  }
0x2c: {  	s7 =	sld [smem:$0x3FB3]  }
0x2d: {  	s3 =	simm.s32 $0x108;
	s8 =	sld [smem:$0x3FB4]  }
0x2e: {  	s3 =	simm.s32 @!p0 $0x1082;
	s9 =	sld [smem:$0x3FB5]  }
0x2f: {  	lr =	sadd.s32 s0, s3;
	s0 =	sld [smem:$0x3FAC]  }
0x30: {  	s3 =	sld [smem:$0x3FAF]  }
0x31: {  	[smem:$0x3FB8] =	sst s10  }
0x32: {  	s10 =	sld [smem:$0x3FB6];
	_ =	sdelay $0x3  }
0x33: {  	p0 =	seq.s32 s10, $0x1;
	s10 =	sld [smem:$0x3FB8];
	_ =	sdelay $0x3  }
0x34: {  	[smem:$0x3FB8] =	sst s10  }
0x35: {  	s10 =	sld [smem:$0x3FB7];
	_ =	sdelay $0x3  }
0x36: {  	p1 =	seq.s32 s10, $0x1;
	s10 =	sld [smem:$0x3FB8];
	_ =	sdelay $0x3  }
0x37: {  	[smem:$0x3FB8] =	sst s10  }
0x38: {  	s10 =	sld [smem:$0x3FB9]  }
0x39: {  	_ = 	snop;
	(pc) =	sbr.ind lr, $3  }
0x3a: {  	_ = 	snop  }
0x3b: {  	_ = 	snop  }
0x3c: {  	p2 =	seq.s32 s10, $0x1;
	s10 =	sld [smem:$0x3FB8]  }
0x3d: {  	_ =	shalt  }
0x3e: {  	_ =	shalt  }
0x3f: {  	_ =	shalt  }
0x40: {  	_ =	shalt  }
0x41: {  	_ =	shalt  }
0x42: {  	_ =	shalt  }
0x43: {  	_ =	shalt  }
0x44: {  	_ =	shalt  }
0x45: {  	_ =	shalt  }
0x46: {  	_ =	shalt  }
0x47: {  	_ =	shalt  }
0x48: {  	_ =	shalt  }
0x49: {  	_ =	shalt  }
0x4a: {  	_ =	shalt  }
0x4b: {  	_ =	shalt  }
0x4c: {  	_ =	shalt  }
0x4d: {  	_ =	shalt  }
0x4e: {  	_ =	shalt  }
0x4f: {  	_ =	shalt  }
0x50: {  	_ =	shalt  }
0x51: {  	_ =	shalt  }
0x52: {  	_ =	shalt  }
0x53: {  	_ =	shalt  }
0x54: {  	_ =	shalt  }
0x55: {  	_ =	shalt  }
0x56: {  	_ =	shalt  }
0x57: {  	_ =	shalt  }
0x58: {  	_ =	shalt  }
0x59: {  	_ =	shalt  }
0x5a: {  	_ =	shalt  }
0x5b: {  	_ =	shalt  }
0x5c: {  	_ =	shalt  }
0x5d: {  	_ =	shalt  }
0x5e: {  	_ =	shalt  }
0x5f: {  	_ =	shalt  }
0x60: {  	_ =	shalt  }
0x61: {  	_ =	shalt  }
0x62: {  	_ =	shalt  }
0x63: {  	_ =	shalt  }
0x64: {  	_ =	shalt  }
0x65: {  	_ =	shalt  }
0x66: {  	_ =	shalt  }
0x67: {  	_ =	shalt  }
0x68: {  	_ =	shalt  }
0x69: {  	_ =	shalt  }
0x6a: {  	_ =	shalt  }
0x6b: {  	_ =	shalt  }
0x6c: {  	_ =	shalt  }
0x6d: {  	_ =	shalt  }
0x6e: {  	_ =	shalt  }
0x6f: {  	_ =	shalt  }
0x70: {  	_ =	shalt  }
0x71: {  	_ =	shalt  }
0x72: {  	_ =	shalt  }
0x73: {  	_ =	shalt  }
0x74: {  	_ =	shalt  }
0x75: {  	_ =	shalt  }
0x76: {  	_ =	shalt  }
0x77: {  	_ =	shalt  }
0x78: {  	_ =	shalt  }
0x79: {  	_ =	shalt  }
0x7a: {  	_ =	shalt  }
0x7b: {  	_ =	shalt  }
0x7c: {  	_ =	shalt  }
0x7d: {  	_ =	shalt  }
0x7e: {  	_ =	shalt  }
0x7f: {  	_ =	shalt  }
0x80: {  	_ =	shalt  }
0x81: {  	_ =	shalt  }
0x82: {  	_ =	shalt  }
0x83: {  	_ =	shalt  }
0x84: {  	_ =	shalt  }
0x85: {  	_ =	shalt  }
0x86: {  	_ =	shalt  }
0x87: {  	_ =	shalt  }
.Lfunc_end0:
.L_simem_size_0:
called_computation_lowered:
.L_overlay_start_0:
0x88: {  	s2 =	sld [smem:$0x3FD9]  }
0x89: {  	s3 =	sld [smem:$0x3FFE];
	_ =	sdelay $0x1  }
0x8a: {  	s1 =	srdreg.scid  }
0x8b: {  	s0 =	sand.u32 $0x1, s1  }
0x8c: {  	s17 =	sshll.u32 s0, $0xA;
	s2 =	sadd.s32 s3, s2  }
0x8d: {  	s2 =	sadd.s32 s2, s17  }
0x8e: {  	[smem:$0x3FC4] =	sst s2  }
0x8f: {  	_ = 	snop  }
0x90: {  	s2 =	sld [smem:$0x3FC9]  }
0x91: {  	s18 =	sld [smem:$0x3FD0];
	(tm) =	ssettm $0x1  }
0x92: {  	s4 =	sld [smem:$0x3FFB];
	_ =	sdelay $0x3  }
0x93: {  	_ =	strace s4  }
0x94: {  	s4 =	sld [smem:$0x3FFC];
	_ =	sdelay $0x3  }
0x95: {  	_ =	strace s4  }
0x96: {  	s4 =	sld [smem:$0x3FFD];
	_ =	sdelay $0x3  }
0x97: {  	_ =	strace s4  }
0x98: {  	_ =	strace $0x8FFFFFFF  }
0x99: {  	s19 =	sld [smem:$0x3FDB];
	_ =	sdelay $0x1  }
0x9a: {  	s5 =	simm.s32 $_scs_section_size  }
0x9b: {  	s6 =	simm.s32 $_size__tile_overlayer_lowered;
	s7 =	simm.s32 $_tile_overlayer_lowered  }
0x9c: {  	s22 =	simm.s32 $0x1BFF;
	s21 =	sshll.u32 s7, $0x1;
	s4 =	sadd.s32 s5, s19  }
0x9d: {  	s8 =	simm.s32 $0x0;
	s20 =	sshll.u32 s6, $0x1;
	s6 =	sadd.s32 s21, s4  }
0x9e: {  	[timem:s8], [sflag:s22] =	dma.local [hbm:s6], s20  }
0x9f: {  	_ =	swait.ge [sflag:s22], s20  }
0xa0: {  	s5 =	ssub.s32 $0x0, s20;
	[sflag:s22] =	ssyncset.done $0x0  }
0xa1: {  	[sflag:s22] =	ssyncadd.s32 s5;
	_ =	sdelay $0x1  }
0xa2: {  	s23 =	simm.s32 $0x1B8B  }
0xa3: {  	_ =	swait.ge [sflag:s23], $0x1  }
0xa4: {  	[sflag:s23] =	ssyncset.done $0x0  }
0xa5: {  	s25 =	simm.s32 $0x1B8E;
	s24 =	sld [smem:$0x3FFE];
	[sflag:s23] =	ssyncadd.s32 $0xFFFFFFFF  }
0xa6: {  	s26 =	simm.s32 $execute0_lowered;
	[smem:$0x3FD2] =	sst s25  }
0xa7: {  	s6 =	sshll.u32 s26, $0x1;
	_ =	strace $0x80000046;
	[dreg:$0x1] =	wrdreg $0xFFFFFFFF  }
0xa8: {  	s28 =	simm.s32 $_size_execute0_lowered;
	s4 =	sadd.s32 s4, s6;
	[dreg:$0x0] =	wrdreg $0x0  }
0xa9: {  	s6 =	sshll.u32 s28, $0x1;
	[dreg:$0x2] =	wrdreg s4  }
0xaa: {  	[dreg:$0x3] =	wrdreg s6  }
0xab: {  	[dreg:$0x4] =	wrdreg $0xC0  }
0xac: {  	_ =	task [dreg:s8], $0x5FFFF  }
0xad: {  	[dreg:$0x1] =	wrdreg $0xFFFFFFFF  }
0xae: {  	[dreg:$0x0] =	wrdreg $0x60  }
0xaf: {  	[dreg:$0x2] =	wrdreg s2  }
0xb0: {  	[dreg:$0x3] =	wrdreg s24  }
0xb1: {  	[dreg:$0x4] =	wrdreg s18  }
0xb2: {  	[dreg:$0x5] =	wrdreg $0x9  }
0xb3: {  	_ =	task.clear_ibuf [dreg:s8], $0x6FFFF;
	_ =	strace $0x90000046  }
0xb4: {  	s29 =	simm.s32 $0x9;
	_ =	strace $0x80000048  }
0xb5: {  	_ =	swait.ge [sflag:s29], $0x1  }
0xb6: {  	[sflag:s29] =	ssyncadd.s32 $0xFFFFFFFF  }
0xb7: {  	_ =	strace $0x90000048  }
0xb8: {  	_ =	sfence  }
0xb9: {  	s30 =	sld [smem:$0x0];
	_ =	sdelay $0x2  }
0xba: {  	s31 =	sshll.u32 s1, $0xD;
	s1 =	sshrl.u32 s1, $0x2  }
0xbb: {  	s3 =	sand.u32 $0x4000, s31;
	s1 =	sadd.s32 s1, s30  }
0xbc: {  	s0 =	sor.u32 s3, s0;
	s1 =	sshll.u32 s1, $0x11  }
0xbd: {  	s0 =	sor.u32 s1, s0  }
0xbe: {  	s0 =	sadd.s32 $0x8F2B, s0  }
0xbf: {  	[sflag:s0] =	ssyncadd.remote.s32 $0x1  }
0xc0: {  	_ =	sfence.sel $0xFFFF  }
0xc1: {  	[dreg:$0x0] =	wrdreg $0xFFFFFFFF;
	(pc) =	sbr.abs _section_cstart, $3  }
0xc2: {  	[dreg:$0x1] =	wrdreg $0xFFFFFFFF  }
0xc3: {  	_ =	task.clear_ibuf [dreg:s8], $0x2FFFF;
	_ =	strace $0x9FFFFFFF  }
0xc4: {  	(tm) =	ssettm $0x7FFFFFFF  }
0xc5: {  	_ =	shalt  }
tec
execute0_lowered:
.L_overlay_start_1:
0x0: {  	(tag) =	ssettag $0x1  }
0x1: {  	s0 =	srdreg.scid;
	s3 =	stileid.u32  }
0x2: {  	s0 =	sand.u32 $0x1, s0;
	s3 =	sshll.u32 s3, $0x1  }
0x3: {  	s1 =	rddreg [dreg:$0x0];
	s5 =	sor.u32 s0, s3  }
0x4: {  	s2 =	rddreg [dreg:$0x1];
	s5 =	smul.u32 $0x7D0, s5  }
0x5: {  	s4 =	rddreg [dreg:$0x2];
	s3 =	simm.s32 $0x0  }
0x6: {  	[smem:$0x7FF] =	sst s3;
	s5 =	sshrl.u32 s5, $0x3  }
0x7: {  	_ =	strace $0x80000047;
	s6 =	sadd.s32 s5, s2;
	s2 =	sadd.s32 $0x600, s2  }
0x8: {  	[dreg:$0x4] =	wrdreg s2;
	s15 =	sadd.s32 $0x800, s6;
	s6 =	sadd.s32 s4, s5  }
0x9: {  	[dreg:$0x5] =	wrdreg s15;
	s16 =	sadd.s32 $0x1F40, s6  }
0xa: {  	s17 =	sadd.s32 $0x3E80, s6;
	[dreg:$0x6] =	wrdreg s16  }
0xb: {  	s18 =	sadd.s32 $0x5DC0, s6;
	[dreg:$0x7] =	wrdreg s17  }
0xc: {  	s28 =	simm.s32 $0x2;
	s19 =	sadd.s32 $0x7D00, s6;
	[dreg:$0x8] =	wrdreg s18  }
0xd: {  	s29 =	simm.s32 $0x800;
	s20 =	sadd.s32 $0x9C40, s6;
	[dreg:$0x9] =	wrdreg s19  }
0xe: {  	s30 =	simm.s32 $0x1;
	s21 =	sadd.s32 $0xBB80, s6;
	[dreg:$0xa] =	wrdreg s20  }
0xf: {  	s31 =	simm.s32 $0x880;
	s22 =	sadd.s32 $0xDAC0, s6;
	[dreg:$0xb] =	wrdreg s21  }
0x10: {  	s0 =	ssub.s32 $0x2, s0;
	s23 =	sadd.s32 $0xFA00, s6;
	[dreg:$0xc] =	wrdreg s22  }
0x11: {  	s14 =	sshrl.u32 s0, $0x1;
	s24 =	sadd.s32 $0x11940, s6;
	[dreg:$0xd] =	wrdreg s23  }
0x12: {  	s0 =	ssub.s32 s0, s14;
	s25 =	sadd.s32 $0x13880, s6;
	[dreg:$0xe] =	wrdreg s24  }
.Ltmp0:
0x13: {  	s26 =	sadd.s32 $0x157C0, s6;
	[dreg:$0xf] =	wrdreg s25;
	(pc) =	sbr.rel .LBB2_1-.Ltmp0, $4  }
0x14: {  	s2 =	simm.s32 $0x2880;
	[dreg:$0x10] =	wrdreg s26;
	s18 =	sadd.s32 $0x17700, s6  }
0x15: {  	s19 =	sadd.s32 $0x19640, s6;
	s20 =	sadd.s32 $0x1B580, s6;
	s21 =	sadd.s32 $0x1D4C0, s6  }
0x16: {  	v0 =	vimm.f32 $0.0e+00;
	s22 =	sadd.s32 $0x1F400, s6;
	s23 =	sadd.s32 $0x21340, s6;
	s24 =	sadd.s32 $0x23280, s6  }
0x17: {  	v1 =	vlaneseq.u32;
	v2 =	vimm.s32 $0x0;
	v3 =	vimm.f32 $1.000000000e+00;
	s25 =	smax.u32 s0, $0x1;
	s26 =	sadd.s32 $0x251C0, s6;
	s0 =	simm.s32 $0x0  }
.LBB2_21:
0x18: {  	[hbm4b:s6+s3] =	stream.linear.scatter [tilespmem:s2], [sflag:$0x1], $0x7D0, $0x38;
	[tilespmem:$0xC580] =	vst v63  }
0x19: {  	s4 =	rddreg [dreg:$0x6];
	s5 =	simm.s32 $0x3058  }
0x1a: {  	[hbm4b:s4+s3] =	stream.linear.scatter [tilespmem:s5], [sflag:$0x1], $0x7D0, $0x38;
	[tilespmem:$0xC580] =	vst v63  }
0x1b: {  	s14 =	rddreg [dreg:$0x7];
	s15 =	simm.s32 $0x3830  }
0x1c: {  	[hbm4b:s14+s3] =	stream.linear.scatter [tilespmem:s15], [sflag:$0x1], $0x7D0, $0x38;
	[tilespmem:$0xC580] =	vst v63  }
0x1d: {  	s16 =	rddreg [dreg:$0x8];
	s17 =	simm.s32 $0x4008  }
0x1e: {  	[hbm4b:s16+s3] =	stream.linear.scatter [tilespmem:s17], [sflag:$0x1], $0x7D0, $0x38;
	[tilespmem:$0xC580] =	vst v63  }
0x1f: {  	s7 =	simm.s32 $0x47E0;
	s5 =	rddreg [dreg:$0x9]  }
0x20: {  	[hbm4b:s5+s3] =	stream.linear.scatter [tilespmem:s7], [sflag:$0x1], $0x7D0, $0x38;
	[tilespmem:$0xC580] =	vst v63  }
0x21: {  	s8 =	rddreg [dreg:$0xa];
	s9 =	simm.s32 $0x4FB8  }
0x22: {  	[hbm4b:s8+s3] =	stream.linear.scatter [tilespmem:s9], [sflag:$0x1], $0x7D0, $0x38;
	[tilespmem:$0xC580] =	vst v63  }
0x23: {  	s10 =	rddreg [dreg:$0xb];
	s11 =	simm.s32 $0x5790  }
0x24: {  	[hbm4b:s10+s3] =	stream.linear.scatter [tilespmem:s11], [sflag:$0x1], $0x7D0, $0x38;
	[tilespmem:$0xC580] =	vst v63  }
0x25: {  	s12 =	rddreg [dreg:$0xc];
	s13 =	simm.s32 $0x5F68  }
0x26: {  	[hbm4b:s12+s3] =	stream.linear.scatter [tilespmem:s13], [sflag:$0x1], $0x7D0, $0x38;
	[tilespmem:$0xC580] =	vst v63  }
0x27: {  	s14 =	rddreg [dreg:$0xd];
	s15 =	simm.s32 $0x6740  }
0x28: {  	[hbm4b:s14+s3] =	stream.linear.scatter [tilespmem:s15], [sflag:$0x1], $0x7D0, $0x38;
	[tilespmem:$0xC580] =	vst v63  }
0x29: {  	s16 =	rddreg [dreg:$0xe];
	s17 =	simm.s32 $0x6F18  }
0x2a: {  	[hbm4b:s16+s3] =	stream.linear.scatter [tilespmem:s17], [sflag:$0x1], $0x7D0, $0x38;
	[tilespmem:$0xC580] =	vst v63  }
0x2b: {  	s5 =	rddreg [dreg:$0xf];
	s7 =	simm.s32 $0x76F0  }
0x2c: {  	[hbm4b:s5+s3] =	stream.linear.scatter [tilespmem:s7], [sflag:$0x1], $0x7D0, $0x38;
	[tilespmem:$0xC580] =	vst v63  }
0x2d: {  	s8 =	rddreg [dreg:$0x10];
	s9 =	simm.s32 $0x7EC8  }
0x2e: {  	[hbm4b:s8+s3] =	stream.linear.scatter [tilespmem:s9], [sflag:$0x1], $0x7D0, $0x38;
	[tilespmem:$0xC580] =	vst v63  }
0x2f: {  	s10 =	simm.s32 $0x86A0  }
0x30: {  	[hbm4b:s18+s3] =	stream.linear.scatter [tilespmem:s10], [sflag:$0x1], $0x7D0, $0x38;
	[tilespmem:$0xC580] =	vst v63  }
0x31: {  	s11 =	simm.s32 $0x8E78  }
0x32: {  	[hbm4b:s19+s3] =	stream.linear.scatter [tilespmem:s11], [sflag:$0x1], $0x7D0, $0x38;
	[tilespmem:$0xC580] =	vst v63  }
0x33: {  	s12 =	simm.s32 $0x9650  }
0x34: {  	[hbm4b:s20+s3] =	stream.linear.scatter [tilespmem:s12], [sflag:$0x1], $0x7D0, $0x38;
	[tilespmem:$0xC580] =	vst v63  }
0x35: {  	s13 =	simm.s32 $0x9E28  }
0x36: {  	[hbm4b:s21+s3] =	stream.linear.scatter [tilespmem:s13], [sflag:$0x1], $0x7D0, $0x38;
	[tilespmem:$0xC580] =	vst v63  }
0x37: {  	s14 =	simm.s32 $0xA600  }
0x38: {  	[hbm4b:s22+s3] =	stream.linear.scatter [tilespmem:s14], [sflag:$0x1], $0x7D0, $0x38;
	[tilespmem:$0xC580] =	vst v63  }
0x39: {  	s15 =	simm.s32 $0xADD8  }
0x3a: {  	[hbm4b:s23+s3] =	stream.linear.scatter [tilespmem:s15], [sflag:$0x1], $0x7D0, $0x38;
	[tilespmem:$0xC580] =	vst v63  }
0x3b: {  	s16 =	simm.s32 $0xB5B0  }
0x3c: {  	[hbm4b:s24+s3] =	stream.linear.scatter [tilespmem:s16], [sflag:$0x1], $0x7D0, $0x38;
	[tilespmem:$0xC580] =	vst v63  }
0x3d: {  	s17 =	simm.s32 $0xBD88  }
0x3e: {  	[hbm4b:s26+s3] =	stream.linear.scatter [tilespmem:s17], [sflag:$0x1], $0x7D0, $0x38;
	[tilespmem:$0xC580] =	vst v63  }
0x3f: {  	_ =	swait.ge [sflag:s30], $0x7D0  }
0x40: {  	[sflag:s30] =	ssyncset.done $0x0  }
0x41: {  	[sflag:s30] =	ssyncadd.s32 $0xFFFFF830  }
0x42: {  	_ =	swait.ge [sflag:s30], $0x7D0  }
0x43: {  	[sflag:s30] =	ssyncset.done $0x0  }
0x44: {  	[sflag:s30] =	ssyncadd.s32 $0xFFFFF830  }
0x45: {  	_ =	swait.ge [sflag:s30], $0x7D0  }
0x46: {  	[sflag:s30] =	ssyncset.done $0x0  }
0x47: {  	[sflag:s30] =	ssyncadd.s32 $0xFFFFF830  }
0x48: {  	_ =	swait.ge [sflag:s30], $0x7D0  }
0x49: {  	[sflag:s30] =	ssyncset.done $0x0  }
0x4a: {  	[sflag:s30] =	ssyncadd.s32 $0xFFFFF830  }
0x4b: {  	_ =	swait.ge [sflag:s30], $0x7D0  }
0x4c: {  	[sflag:s30] =	ssyncset.done $0x0  }
0x4d: {  	[sflag:s30] =	ssyncadd.s32 $0xFFFFF830  }
0x4e: {  	_ =	swait.ge [sflag:s30], $0x7D0  }
0x4f: {  	[sflag:s30] =	ssyncset.done $0x0  }
0x50: {  	[sflag:s30] =	ssyncadd.s32 $0xFFFFF830  }
0x51: {  	_ =	swait.ge [sflag:s30], $0x7D0  }
0x52: {  	[sflag:s30] =	ssyncset.done $0x0  }
0x53: {  	[sflag:s30] =	ssyncadd.s32 $0xFFFFF830  }
0x54: {  	_ =	swait.ge [sflag:s30], $0x7D0  }
0x55: {  	[sflag:s30] =	ssyncset.done $0x0  }
0x56: {  	[sflag:s30] =	ssyncadd.s32 $0xFFFFF830  }
0x57: {  	_ =	swait.ge [sflag:s30], $0x7D0  }
0x58: {  	[sflag:s30] =	ssyncset.done $0x0  }
0x59: {  	[sflag:s30] =	ssyncadd.s32 $0xFFFFF830  }
0x5a: {  	_ =	swait.ge [sflag:s30], $0x7D0  }
0x5b: {  	[sflag:s30] =	ssyncset.done $0x0  }
0x5c: {  	[sflag:s30] =	ssyncadd.s32 $0xFFFFF830  }
0x5d: {  	_ =	swait.ge [sflag:s30], $0x7D0  }
0x5e: {  	[sflag:s30] =	ssyncset.done $0x0  }
0x5f: {  	[sflag:s30] =	ssyncadd.s32 $0xFFFFF830  }
0x60: {  	_ =	swait.ge [sflag:s30], $0x7D0  }
0x61: {  	[sflag:s30] =	ssyncset.done $0x0  }
0x62: {  	[sflag:s30] =	ssyncadd.s32 $0xFFFFF830  }
0x63: {  	_ =	swait.ge [sflag:s30], $0x7D0  }
0x64: {  	[sflag:s30] =	ssyncset.done $0x0  }
0x65: {  	[sflag:s30] =	ssyncadd.s32 $0xFFFFF830  }
0x66: {  	_ =	swait.ge [sflag:s30], $0x7D0  }
0x67: {  	[sflag:s30] =	ssyncset.done $0x0  }
0x68: {  	[sflag:s30] =	ssyncadd.s32 $0xFFFFF830  }
0x69: {  	_ =	swait.ge [sflag:s30], $0x7D0  }
0x6a: {  	[sflag:s30] =	ssyncset.done $0x0  }
0x6b: {  	[sflag:s30] =	ssyncadd.s32 $0xFFFFF830  }
0x6c: {  	_ =	swait.ge [sflag:s30], $0x7D0  }
0x6d: {  	[sflag:s30] =	ssyncset.done $0x0  }
0x6e: {  	[sflag:s30] =	ssyncadd.s32 $0xFFFFF830  }
0x6f: {  	_ =	swait.ge [sflag:s30], $0x7D0  }
0x70: {  	[sflag:s30] =	ssyncset.done $0x0  }
0x71: {  	[sflag:s30] =	ssyncadd.s32 $0xFFFFF830  }
0x72: {  	_ =	swait.ge [sflag:s30], $0x7D0  }
0x73: {  	[sflag:s30] =	ssyncset.done $0x0  }
0x74: {  	s0 =	sadd.s32 $0x1, s0;
	[sflag:s30] =	ssyncadd.s32 $0xFFFFF830  }
0x75: {  	p0 =	sne.s32 s0, s25;
	_ =	swait.ge [sflag:s30], $0x7D0  }
.Ltmp1:
0x76: {  	[sflag:s30] =	ssyncset.done $0x0;
	(pc) =	sbr.rel @!p0 .LBB2_22-.Ltmp1, $4  }
0x77: {  	[sflag:s30] =	ssyncadd.s32 $0xFFFFF830  }
0x78: {  	_ =	swait.ge [sflag:s30], $0x7D0  }
0x79: {  	[sflag:s30] =	ssyncset.done $0x0  }
0x7a: {  	[sflag:s30] =	ssyncadd.s32 $0xFFFFF830  }
.LBB2_1:
0x7b: {  	s4 =	rddreg [dreg:$0x5]  }
0x7c: {  	[tilespmem:s3], [sflag:$0x2] =	stream.linear.gather [hbm4b:s4+s3], $0x7F0, $0x38;
	[tilespmem:$0xC580] =	vst v63  }
0x7d: {  	_ =	swait.ge [sflag:s28], $0x7F0  }
0x7e: {  	[sflag:s28] =	ssyncset.done $0x0  }
0x7f: {  	s17 =	rddreg [dreg:$0x4];
	[sflag:s28] =	ssyncadd.s32 $0xFFFFF810  }
0x80: {  	[tilespmem:s29], [sflag:$0x2] =	stream.linear.gather [hbm4b:s17+s3], $0x80, $0x38;
	[tilespmem:$0xC580] =	vst v63  }
0x81: {  	_ =	swait.ge [sflag:s28], $0x80  }
0x82: {  	[sflag:s28] =	ssyncset.done $0x0  }
0x83: {  	s5 =	simm.s32 $0x0;
	s4 =	simm.s32 $0x40;
	[sflag:s28] =	ssyncadd.s32 $0xFFFFFF80  }
.LBB2_2:
0x84: {  	p0 =	sne.s32 s4, $0x27340;
	[tilespmem:s5+$0x2880] =	vst v0;
	s5 =	smov.u32 s4;
	s4 =	sadd.s32 $0x40, s4  }
.Ltmp2:
0x85: {  	(pc) =	sbr.rel @p0 .LBB2_2-.Ltmp2, $2  }
0x86: {  	_ =	sdelay $0x2  }
0x87: {  	s5 =	sshra.s32 s5, $0x2  }
0x88: {  	[tilespmem:s5+$0x2880] =	vst v0  }
0x89: {  	v7 =	vld [tilespmem:$0x0]  }
0x8a: {  	v4 =	vld [tilespmem:$0x7D0]  }
0x8b: {  	v5 =	vld [tilespmem:$0x800];
	_ =	sdelay $0x2  }
0x8c: {  	(v2sf) =	vpush v7, $0x0  }
0x8d: {  	(v2sf) =	vpush v4, $0x0  }
0x8e: {  	(v2sf) =	vpush v5, $0x0  }
0x8f: {  	(v2sf) =	vpush v5, $0x1;
	_ =	sdelay $0xb  }
0x90: {  	s4 =	spop (v2sf)  }
0x91: {  	(v2sf) =	vpush v7, $0x1;
	s11 =	spop (v2sf);
	s12 =	sshra.s32 s4, $0x1F;
	s14 =	sand.u32 $0x1FFF, s4  }
0x92: {  	p0 =	slt.s32 s4, $0x1;
	s7 =	spop (v2sf);
	s5 =	sadd.s32 $0x1FFF, s11  }
0x93: {  	p1 =	sne.s32 s14, $0x0;
	s8 =	spop (v2sf);
	s15 =	sand.u32 $0x1FFF, s5  }
0x94: {  	p0 =	por !p0, !p1;
	p6 =	slt.s32 s5, $0x1;
	s7 =	ssub.f32 s8, s7  }
0x95: {  	s17 =	sshra.s32 s5, $0x1F;
	s8 =	sshrl.u32 s12, $0x13;
	p2 =	sne.s32 s15, $0x0  }
0x96: {  	p0 =	por !p0, !p0;
	s13 =	sadd.s32 s8, s4;
	p1 =	por !p6, !p2;
	v4 =	vmov s7  }
0x97: {  	s8 =	simm.s32 $0x1;
	s16 =	sshra.s32 s13, $0xD;
	s7 =	sshrl.u32 s17, $0x13;
	(erf) = vrcp.f32 v4  }
0x98: {  	p1 =	por !p1, !p1;
	s5 =	sadd.s32 s7, s5;
	s7 =	simm.s32 $0x1  }
0x99: {  	s8 =	simm.s32 @!p0 $0x0;
	s5 =	sshra.s32 s5, $0xD;
	s7 =	simm.s32 @!p1 $0x0  }
0x9a: {  	s8 =	ssub.s32 s16, s8;
	s4 =	ssub.s32 s5, s7  }
0x9b: {  	p0 =	sle.s32 s4, s8  }
.Ltmp3:
0x9c: {  	_ = 	snop;
	(pc) =	sbr.rel @p0 .LBB2_7-.Ltmp3, $2  }
0x9d: {  	_ =	sdelay $0x2  }
0x9e: {  	s7 =	simm.s32 $0x0;
	s5 =	spop (v2sf);
	v4 =	vpop (erf)  }
0x9f: {  	s9 =	sshll.u32 s8, $0xD  }
0xa0: {  	s7 =	sshrl.u32 s9, $0x3  }
.Ltmp4:
0xa1: {  	s10 =	sadd.s32 s1, s7;
	s7 =	simm.s32 $0x0;
	(pc) =	sbr.rel .LBB2_5-.Ltmp4, $4  }
0xa2: {  	[tilespmem:s31], [sflag:$0x1] =	stream.linear.gather [hbm4b:s10+s7], $0x2000, $0x38;
	[tilespmem:$0xC580] =	vst v63  }
0xa3: {  	_ =	swait.ge [sflag:s30], $0x2000  }
0xa4: {  	[sflag:s30] =	ssyncset.done $0x0  }
0xa5: {  	v6 =	vbroadcast v5, $0x0;
	v7 =	vbroadcast v7, $0x0;
	s11 =	simm.s32 $0x0;
	s10 =	sor.u32 $0x7F, s9;
	[sflag:s30] =	ssyncadd.s32 $0xFFFFE000  }
.LBB2_6:
0xa6: {  	v47 =	vpsel p0, v40, v40;
	v46 =	vpsel p0, v40, v40  }
0xa7: {  	v45 =	vpsel p0, v40, v40;
	v44 =	vpsel p0, v40, v40;
	v43 =	vpsel p0, v40, v40  }
0xa8: {  	s7 =	smov.u32 @p0 s7;
	s5 =	smov.u32 @p0 s5;
	v42 =	vpsel p0, v40, v40;
	v41 =	vpsel p0, v40, v40;
	v40 =	vpsel p0, v40, v40  }
.LBB2_15:
0xa9: {  	vm0 =	vlt.f32 v37, v15;
	v55 =	vand.u32 $0x7FFFFFFF, v15  }
0xaa: {  	vm13 =	vlt.f32 v38, v14;
	vm14 =	vlt.f32 v39, v12;
	v58 =	vand.u32 $0x7FFFFFFF, v14  }
0xab: {  	vm15 =	vlt.f32 v33, v13;
	v59 =	vand.u32 $0x7FFFFFFF, v12;
	v60 =	vand.u32 $0x7FFFFFFF, v13  }
0xac: {  	vm4 =	vlt.f32 v32, v11;
	vm5 =	vlt.f32 v35, v10;
	vm6 =	vlt.f32 v36, v8  }
0xad: {  	vm7 =	vlt.f32 v34, v9;
	vm8 =	vlt.s32 v31, v7;
	vm9 =	vlt.s32 v27, v7  }
0xae: {  	vm10 =	vlt.s32 v24, v7;
	vm11 =	vlt.s32 v21, v7;
	vm12 =	vlt.s32 v19, v7  }
0xaf: {  	v37 =	vsel vm0, $0x1, v2;
	v56 =	vsel vm13, $0x1, v2;
	v57 =	vsel vm14, $0x1, v2  }
0xb0: {  	v33 =	vsel vm15, $0x1, v2;
	v32 =	vsel vm4, $0x1, v2;
	v61 =	vsel vm5, $0x1, v2  }
0xb1: {  	v62 =	vsel vm6, $0x1, v2;
	v63 =	vsel vm7, $0x1, v2;
	v31 =	vsel vm8, $0x7D0, v47  }
0xb2: {  	v35 =	vsel vm9, $0x7D0, v46;
	v44 =	vsel vm11, $0x7D0, v44;
	v47 =	vsel vm12, $0x7D0, v43  }
0xb3: {  	vm13 =	vlt.s32 v18, v7;
	vm14 =	vlt.s32 v17, v7;
	vm15 =	vlt.s32 v16, v7  }
0xb4: {  	v22 =	vadd.s32 v37, v22;
	v20 =	vadd.s32 v56, v20;
	v23 =	vadd.s32 v57, v23  }
0xb5: {  	v25 =	vadd.s32 v33, v25;
	v29 =	vadd.s32 v32, v29;
	v22 =	vmax.u32 v22, $0x1  }
0xb6: {  	v30 =	vadd.s32 v61, v30;
	v28 =	vadd.s32 v62, v28;
	v22 =	vmin.u32 v22, $0xA  }
0xb7: {  	v26 =	vadd.s32 v63, v26;
	v20 =	vmax.u32 v20, $0x1;
	v22 =	vmul.u32 $0x7D8, v22  }
0xb8: {  	v37 =	vsel vm10, $0x7D0, v45;
	v50 =	vsel vm13, $0x7D0, v42;
	v20 =	vmin.u32 v20, $0xA  }
0xb9: {  	v23 =	vmax.u32 v23, $0x1;
	v20 =	vmul.u32 $0x7D8, v20;
	v22 =	vadd.s32 v31, v22  }
0xba: {  	v25 =	vmax.u32 v25, $0x1;
	v23 =	vmin.u32 v23, $0xA;
	v22 =	vadd.s32 $0xFFFFF828, v22  }
0xbb: {  	v23 =	vmul.u32 $0x7D8, v23;
	v20 =	vadd.s32 v35, v20;
	v34 =	vadd.s32 $0x4E70, v22  }
0xbc: {  	v29 =	vmax.u32 v29, $0x1;
	v25 =	vmin.u32 v25, $0xA;
	v36 =	vadd.s32 $0xFFFFF828, v20  }
0xbd: {  	v38 =	vmul.u32 $0x7D8, v25;
	v23 =	vadd.s32 v37, v23;
	v20 =	vadd.s32 $0x4698, v20  }
0xbe: {  	v30 =	vmax.u32 v30, $0x1;
	v29 =	vmin.u32 v29, $0xA;
	v39 =	vadd.s32 $0xFFFFF828, v23  }
0xbf: {  	v45 =	vmul.u32 $0x7D8, v29;
	v21 =	vadd.s32 v44, v38;
	v23 =	vadd.s32 $0x4698, v23;
	[tilespmem:v22+s2+$0x0] =	vst.idx.add.f32.msk $0xffff, v3  }
0xc0: {  	v28 =	vmax.u32 v28, $0x1;
	v30 =	vmin.u32 v30, $0xA;
	v46 =	vadd.s32 $0xFFFFF828, v21;
	[tilespmem:v34+s2+$0x0] =	vst.idx.add.f32.msk $0xffff, v55  }
0xc1: {  	v48 =	vmul.u32 $0x7D8, v30;
	v19 =	vadd.s32 v47, v45;
	v21 =	vadd.s32 $0x4698, v21;
	[tilespmem:v36+s2+$0x0] =	vst.idx.add.f32.msk $0xffff, v3  }
0xc2: {  	v26 =	vmax.u32 v26, $0x1;
	v28 =	vmin.u32 v28, $0xA;
	v49 =	vadd.s32 $0xFFFFF828, v19;
	[tilespmem:v20+s2+$0x0] =	vst.idx.add.f32.msk $0xffff, v58  }
0xc3: {  	v51 =	vmul.u32 $0x7D8, v28;
	v18 =	vadd.s32 v50, v48;
	v19 =	vadd.s32 $0x4698, v19;
	[tilespmem:v39+s2+$0x0] =	vst.idx.add.f32.msk $0xffff, v3  }
0xc4: {  	v53 =	vsel vm14, $0x7D0, v41;
	v26 =	vmin.u32 v26, $0xA;
	v52 =	vadd.s32 $0xFFFFF828, v18;
	[tilespmem:v23+s2+$0x0] =	vst.idx.add.f32.msk $0xffff, v59  }
0xc5: {  	v54 =	vadd.s32 v53, v51;
	v18 =	vadd.s32 $0x4698, v18;
	v55 =	vmul.u32 $0x7D8, v26;
	[tilespmem:v46+s2+$0x0] =	vst.idx.add.f32.msk $0xffff, v3  }
0xc6: {  	v57 =	vsel vm15, $0x7D0, v40;
	v56 =	vadd.s32 $0xFFFFF828, v54;
	[tilespmem:v21+s2+$0x0] =	vst.idx.add.f32.msk $0xffff, v60  }
0xc7: {  	v58 =	vand.u32 $0x7FFFFFFF, v11;
	v59 =	vadd.s32 $0x4698, v54;
	v60 =	vadd.s32 v57, v55;
	[tilespmem:v49+s2+$0x0] =	vst.idx.add.f32.msk $0xffff, v3  }
0xc8: {  	s11 =	sadd.s32 $0x1, s11;
	v61 =	vadd.s32 $0xFFFFF828, v60;
	[tilespmem:v19+s2+$0x0] =	vst.idx.add.f32.msk $0xffff, v58  }
0xc9: {  	p0 =	seq.s32 s11, $0x40;
	v62 =	vand.u32 $0x7FFFFFFF, v10;
	v63 =	vadd.s32 $0x4698, v60;
	[tilespmem:v52+s2+$0x0] =	vst.idx.add.f32.msk $0xffff, v3  }
.Ltmp5:
0xca: {  	[tilespmem:v18+s2+$0x0] =	vst.idx.add.f32.msk $0xffff, v62;
	(pc) =	sbr.rel @p0 .LBB2_7-.Ltmp5, $4  }
0xcb: {  	v8 =	vand.u32 $0x7FFFFFFF, v8;
	[tilespmem:v56+s2+$0x0] =	vst.idx.add.f32.msk $0xffff, v3  }
0xcc: {  	[tilespmem:v59+s2+$0x0] =	vst.idx.add.f32.msk $0xffff, v8  }
0xcd: {  	v8 =	vand.u32 $0x7FFFFFFF, v9;
	[tilespmem:v61+s2+$0x0] =	vst.idx.add.f32.msk $0xffff, v3  }
0xce: {  	[tilespmem:v63+s2+$0x0] =	vst.idx.add.f32.msk $0xffff, v8  }
.LBB2_5:
0xcf: {  	s12 =	sshll.u32 s11, $0x7  }
0xd0: {  	s13 =	sand.u32 $0x3FFFFF80, s12  }
0xd1: {  	v15 =	vld [tilespmem:s13+$0x880]  }
0xd2: {  	v14 =	vld [tilespmem:s13+$0x890]  }
0xd3: {  	v12 =	vld [tilespmem:s13+$0x8A0];
	_ =	sdelay $0x2  }
0xd4: {  	v8 =	vsub.f32 v15, v6;
	_ =	sdelay $0x1  }
0xd5: {  	v9 =	vsub.f32 v14, v6;
	v10 =	vsub.f32 v12, v6;
	v8 =	vmul.f32 v8, v4;
	_ =	sdelay $0x1  }
0xd6: {  	v13 =	vld [tilespmem:s13+$0x8B0];
	v9 =	vmul.f32 v9, v4;
	v10 =	vmul.f32 v10, v4;
	v8 =	vadd.f32 $5.000000000e-01, v8;
	_ =	sdelay $0x1  }
0xd7: {  	v9 =	vadd.f32 $5.000000000e-01, v9;
	v16 =	vadd.f32 $5.000000000e-01, v10;
	v8 =	vtrunc.f32 v8  }
0xd8: {  	v8 =	vcvt.f32.s32 v8  }
0xd9: {  	v11 =	vld [tilespmem:s13+$0x8C0];
	v9 =	vtrunc.f32 v9;
	v16 =	vtrunc.f32 v16  }
0xda: {  	v10 =	vld [tilespmem:s13+$0x8D0];
	v17 =	vcvt.f32.s32 v9;
	v9 =	vsub.f32 v13, v6;
	vm0 =	vgt.s32 v8, $0x0  }
0xdb: {  	v16 =	vcvt.f32.s32 v16;
	v18 =	vnsel vm0, $0x0, v8;
	v8 =	vld [tilespmem:s13+$0x8E0]  }
0xdc: {  	vm9 =	vgt.s32 v17, $0x0;
	v19 =	vmul.f32 v9, v4;
	v9 =	vld [tilespmem:s13+$0x8F0]  }
0xdd: {  	vm10 =	vgt.s32 v16, $0x0;
	v17 =	vnsel vm9, $0x0, v17  }
0xde: {  	v22 =	vmin.u32 v18, $0xA;
	v18 =	vadd.f32 $5.000000000e-01, v19;
	v19 =	vsub.f32 v11, v6  }
0xdf: {  	v16 =	vnsel vm10, $0x0, v16;
	v20 =	vmin.u32 v17, $0xA;
	v17 =	vsub.f32 v10, v6  }
0xe0: {  	v18 =	vtrunc.f32 v18;
	v19 =	vmul.f32 v19, v4;
	v21 =	vsub.f32 v8, v6  }
0xe1: {  	v17 =	vmul.f32 v17, v4;
	v18 =	vcvt.f32.s32 v18;
	v24 =	vsub.f32 v9, v6  }
0xe2: {  	v23 =	vmin.u32 v16, $0xA;
	v16 =	vadd.f32 $5.000000000e-01, v19;
	v19 =	vmul.f32 v21, v4  }
0xe3: {  	v17 =	vadd.f32 $5.000000000e-01, v17;
	vm11 =	vgt.s32 v18, $0x0;
	v21 =	vmul.f32 v24, v4  }
0xe4: {  	v18 =	vnsel vm11, $0x0, v18;
	v16 =	vtrunc.f32 v16;
	v19 =	vadd.f32 $5.000000000e-01, v19  }
0xe5: {  	v17 =	vtrunc.f32 v17;
	v16 =	vcvt.f32.s32 v16;
	v21 =	vadd.f32 $5.000000000e-01, v21  }
0xe6: {  	v25 =	vmin.u32 v18, $0xA;
	v17 =	vcvt.f32.s32 v17;
	v18 =	vtrunc.f32 v19  }
0xe7: {  	vm12 =	vgt.s32 v16, $0x0;
	v19 =	vtrunc.f32 v21;
	v18 =	vcvt.f32.s32 v18  }
0xe8: {  	vm13 =	vgt.s32 v17, $0x0;
	v16 =	vnsel vm12, $0x0, v16;
	v19 =	vcvt.f32.s32 v19  }
0xe9: {  	v29 =	vmin.u32 v16, $0xA;
	v16 =	vnsel vm13, $0x0, v17;
	vm14 =	vgt.s32 v18, $0x0  }
0xea: {  	p0 =	sgt.s32 s7, $0x7CF;
	s13 =	sor.u32 s9, s12;
	s12 =	sadd.s32 s12, s10;
	v37 =	vld.idx.msk [tilespmem:v22+s29+$0x0], $0xffff;
	v30 =	vmin.u32 v16, $0xA;
	vm15 =	vgt.s32 v19, $0x0;
	v16 =	vnsel vm14, $0x0, v18  }
0xeb: {  	p1 =	sgt.s32 @!p0 s5, s12;
	v38 =	vld.idx.msk [tilespmem:v20+s29+$0x0], $0xffff;
	v28 =	vmin.u32 v16, $0xA;
	v16 =	vnsel vm15, $0x0, v19  }
0xec: {  	p1 =	por p0, p1;
	v39 =	vld.idx.msk [tilespmem:v23+s29+$0x0], $0xffff;
	v26 =	vmin.u32 v16, $0xA  }
.Ltmp6:
0xed: {  	v33 =	vld.idx.msk [tilespmem:v25+s29+$0x0], $0xffff;
	(pc) =	sbr.rel @p1 .LBB2_6-.Ltmp6, $4  }
0xee: {  	s14 =	sor.u32 $0x10, s13;
	v32 =	vld.idx.msk [tilespmem:v29+s29+$0x0], $0xffff  }
0xef: {  	v40 =	vmov s7;
	s15 =	sor.u32 $0x20, s13;
	s16 =	sor.u32 $0x30, s13;
	v31 =	vor.u32 s13, v1;
	s17 =	sor.u32 $0x60, s13;
	v27 =	vor.u32 s14, v1;
	v35 =	vld.idx.msk [tilespmem:v30+s29+$0x0], $0xffff  }
0xf0: {  	v24 =	vor.u32 s15, v1;
	s15 =	sor.u32 $0x40, s13;
	v21 =	vor.u32 s16, v1;
	s16 =	sor.u32 $0x50, s13;
	s13 =	sor.u32 $0x70, s13;
	v17 =	vor.u32 s17, v1;
	v36 =	vld.idx.msk [tilespmem:v28+s29+$0x0], $0xffff  }
0xf1: {  	v18 =	vor.u32 s16, v1;
	v19 =	vor.u32 s15, v1;
	v16 =	vor.u32 s13, v1;
	v34 =	vld.idx.msk [tilespmem:v26+s29+$0x0], $0xffff  }
0xf2: {  	s13 =	sshll.u32 s7, $0x2  }
0xf3: {  	v41 =	vmov v40;
	v42 =	vmov v40;
	s13 =	sshra.s32 s13, $0x2  }
0xf4: {  	v43 =	vmovc v40;
	v44 =	vmovc v40;
	v45 =	vmov v40;
	v46 =	vmov v40;
	v47 =	vmov v40;
	s13 =	sadd.s32 $0x2, s13  }
.LBB2_13:
0xf5: {  	v48 =	vld [tilespmem:s13+$0x0];
	_ =	sdelay $0x4  }
0xf6: {  	(v2sf) =	vpush v48, $0x0;
	_ =	sdelay $0xc  }
0xf7: {  	vm0 =	vge.s32 v31, s5;
	vm12 =	vge.s32 v27, s5  }
0xf8: {  	vm13 =	vge.s32 v24, s5;
	vm1 =	vge.s32 v21, s5;
	vm14 =	vge.s32 v19, s5  }
0xf9: {  	vm15 =	vge.s32 v18, s5;
	vm2 =	vge.s32 v17, s5;
	vm3 =	vge.s32 v16, s5;
	p0 =	sgt.s32 s7, $0x7CE;
	s5 =	spop (v2sf)  }
0xfa: {  	p1 =	sle.s32 @!p0 s5, s12  }
0xfb: {  	v62 =	vsel vm0, $0x1, v2;
	p1 =	por p0, !p1  }
.Ltmp7:
0xfc: {  	v49 =	vsel vm12, $0x1, v2;
	v50 =	vsel vm13, $0x1, v2;
	v51 =	vsel vm1, $0x1, v2;
	(pc) =	sbr.rel @!p1 .LBB2_13-.Ltmp7, $4  }
0xfd: {  	v52 =	vsel vm14, $0x1, v2;
	v53 =	vsel vm15, $0x1, v2;
	v54 =	vsel vm2, $0x1, v2  }
0xfe: {  	v63 =	vsel vm3, $0x1, v2;
	v47 =	vadd.s32 v62, v47;
	v46 =	vadd.s32 v49, v46  }
0xff: {  	v45 =	vadd.s32 v50, v45;
	v44 =	vadd.s32 v51, v44;
	v43 =	vadd.s32 v52, v43  }
0x100: {  	s7 =	sadd.s32 $0x1, s7;
	s13 =	sadd.s32 $0x1, s13;
	v42 =	vadd.s32 v53, v42;
	v41 =	vadd.s32 v54, v41;
	v40 =	vadd.s32 v63, v40  }
.Ltmp8:
0x101: {  	(pc) =	sbr.rel .LBB2_15-.Ltmp8, $4  }
0x102: {  	_ = 	snop  }
0x103: {  	v47 =	vpsel p0, v47, v47;
	v46 =	vpsel p0, v46, v46  }
0x104: {  	v45 =	vpsel p0, v45, v45;
	v44 =	vpsel p0, v44, v44;
	v43 =	vpsel p0, v43, v43  }
0x105: {  	s7 =	smov.u32 @p0 s7;
	s5 =	smov.u32 @p0 s5;
	v42 =	vpsel p0, v42, v42;
	v41 =	vpsel p0, v41, v41;
	v40 =	vpsel p0, v40, v40  }
.LBB2_7:
0x106: {  	s8 =	sadd.s32 $0x1, s8  }
0x107: {  	p0 =	sge.s32 s8, s4  }
.Ltmp9:
0x108: {  	_ = 	snop;
	(pc) =	sbr.rel @p0 .LBB2_21-.Ltmp9, $1  }
0x109: {  	_ =	sdelay $0x3  }
.Ltmp10:
0x10a: {  	(pc) =	sbr.rel .LBB2_9-.Ltmp10, $2  }
0x10b: {  	_ =	sdelay $0x2  }
0x10c: {  	v5 =	vbroadcast v5, $0x0  }
.LBB2_20:
0x10d: {  	s8 =	sadd.s32 $0x1, s8  }
0x10e: {  	p0 =	slt.s32 s8, s4  }
.Ltmp11:
0x10f: {  	_ = 	snop;
	(pc) =	sbr.rel @!p0 .LBB2_21-.Ltmp11, $1  }
0x110: {  	_ =	sdelay $0x3  }
.LBB2_9:
0x111: {  	s9 =	sshll.u32 s8, $0xD  }
0x112: {  	s10 =	sshrl.u32 s9, $0x3  }
.Ltmp12:
0x113: {  	s11 =	sadd.s32 s1, s10;
	s10 =	simm.s32 $0x0;
	(pc) =	sbr.rel .LBB2_10-.Ltmp12, $4  }
0x114: {  	[tilespmem:s31], [sflag:$0x1] =	stream.linear.gather [hbm4b:s11+s10], $0x2000, $0x38;
	[tilespmem:$0xC580] =	vst v63  }
0x115: {  	_ =	swait.ge [sflag:s30], $0x2000  }
0x116: {  	[sflag:s30] =	ssyncset.done $0x0  }
0x117: {  	s11 =	sor.u32 $0x7F, s9;
	[sflag:s30] =	ssyncadd.s32 $0xFFFFE000  }
.LBB2_11:
0x118: {  	v37 =	vpsel p0, v30, v30;
	v36 =	vpsel p0, v30, v30  }
0x119: {  	v35 =	vpsel p0, v30, v30;
	v34 =	vpsel p0, v30, v30;
	v33 =	vpsel p0, v30, v30  }
0x11a: {  	s7 =	smov.u32 @p0 s7;
	s5 =	smov.u32 @p0 s5;
	v32 =	vpsel p0, v30, v30;
	v31 =	vpsel p0, v30, v30;
	v30 =	vpsel p0, v30, v30  }
.LBB2_19:
0x11b: {  	vm0 =	vlt.f32 v28, v13;
	vm9 =	vlt.f32 v29, v12  }
0x11c: {  	v40 =	vand.u32 $0x7FFFFFFF, v13;
	vm10 =	vlt.f32 v27, v11;
	v41 =	vand.u32 $0x7FFFFFFF, v12  }
0x11d: {  	v42 =	vand.u32 $0x7FFFFFFF, v11;
	vm11 =	vlt.f32 v26, v10;
	vm12 =	vlt.f32 v25, v9  }
0x11e: {  	vm13 =	vlt.f32 v24, v8;
	vm14 =	vlt.f32 v23, v6;
	vm15 =	vlt.f32 v22, v7  }
0x11f: {  	v28 =	vsel vm0, $0x1, v2;
	v39 =	vsel vm9, $0x1, v2;
	v27 =	vsel vm10, $0x1, v2  }
0x120: {  	v26 =	vsel vm11, $0x1, v2;
	v25 =	vsel vm12, $0x1, v2;
	v24 =	vsel vm13, $0x1, v2  }
0x121: {  	v44 =	vsel vm14, $0x1, v2;
	v46 =	vsel vm15, $0x1, v2;
	v16 =	vadd.s32 v28, v16  }
0x122: {  	v17 =	vadd.s32 v39, v17;
	v18 =	vadd.s32 v27, v18;
	v16 =	vmax.u32 v16, $0x1  }
0x123: {  	v19 =	vadd.s32 v26, v19;
	v21 =	vadd.s32 v25, v21;
	v16 =	vmin.u32 v16, $0xA  }
0x124: {  	v20 =	vadd.s32 v24, v20;
	v17 =	vmax.u32 v17, $0x1;
	v16 =	vmul.u32 $0x7D8, v16  }
0x125: {  	v15 =	vadd.s32 v44, v15;
	v14 =	vadd.s32 v46, v14;
	v17 =	vmin.u32 v17, $0xA  }
0x126: {  	v18 =	vmax.u32 v18, $0x1;
	v17 =	vmul.u32 $0x7D8, v17;
	v16 =	vadd.s32 v37, v16  }
0x127: {  	v19 =	vmax.u32 v19, $0x1;
	v18 =	vmin.u32 v18, $0xA;
	v16 =	vadd.s32 $0xFFFFF828, v16  }
0x128: {  	v18 =	vmul.u32 $0x7D8, v18;
	v17 =	vadd.s32 v36, v17;
	v43 =	vadd.s32 $0x4E70, v16  }
0x129: {  	v21 =	vmax.u32 v21, $0x1;
	v19 =	vmin.u32 v19, $0xA;
	v45 =	vadd.s32 $0xFFFFF828, v17  }
0x12a: {  	v19 =	vmul.u32 $0x7D8, v19;
	v18 =	vadd.s32 v35, v18;
	v17 =	vadd.s32 $0x4698, v17  }
0x12b: {  	v20 =	vmax.u32 v20, $0x1;
	v21 =	vmin.u32 v21, $0xA;
	v47 =	vadd.s32 $0xFFFFF828, v18  }
0x12c: {  	v50 =	vmul.u32 $0x7D8, v21;
	v49 =	vadd.s32 v34, v19;
	v48 =	vadd.s32 $0x4698, v18;
	[tilespmem:v16+s2+$0x0] =	vst.idx.add.f32.msk $0xffff, v3  }
0x12d: {  	v15 =	vmax.u32 v15, $0x1;
	v20 =	vmin.u32 v20, $0xA;
	v51 =	vadd.s32 $0xFFFFF828, v49;
	[tilespmem:v43+s2+$0x0] =	vst.idx.add.f32.msk $0xffff, v40  }
0x12e: {  	v20 =	vmul.u32 $0x7D8, v20;
	v19 =	vadd.s32 v33, v50;
	v18 =	vadd.s32 $0x4698, v49;
	[tilespmem:v45+s2+$0x0] =	vst.idx.add.f32.msk $0xffff, v3  }
0x12f: {  	v14 =	vmax.u32 v14, $0x1;
	v15 =	vmin.u32 v15, $0xA;
	v52 =	vadd.s32 $0xFFFFF828, v19;
	[tilespmem:v17+s2+$0x0] =	vst.idx.add.f32.msk $0xffff, v41  }
0x130: {  	v15 =	vmul.u32 $0x7D8, v15;
	v54 =	vadd.s32 v32, v20;
	v53 =	vadd.s32 $0x4698, v19;
	[tilespmem:v47+s2+$0x0] =	vst.idx.add.f32.msk $0xffff, v3  }
0x131: {  	v55 =	vand.u32 $0x7FFFFFFF, v10;
	v14 =	vmin.u32 v14, $0xA;
	v56 =	vadd.s32 $0xFFFFF828, v54;
	[tilespmem:v48+s2+$0x0] =	vst.idx.add.f32.msk $0xffff, v42  }
0x132: {  	v14 =	vmul.u32 $0x7D8, v14;
	v15 =	vadd.s32 v31, v15;
	v57 =	vadd.s32 $0x4698, v54;
	[tilespmem:v51+s2+$0x0] =	vst.idx.add.f32.msk $0xffff, v3  }
0x133: {  	v58 =	vadd.s32 $0xFFFFF828, v15;
	[tilespmem:v18+s2+$0x0] =	vst.idx.add.f32.msk $0xffff, v55  }
0x134: {  	v59 =	vand.u32 $0x7FFFFFFF, v9;
	v14 =	vadd.s32 v30, v14;
	v60 =	vadd.s32 $0x4698, v15;
	[tilespmem:v52+s2+$0x0] =	vst.idx.add.f32.msk $0xffff, v3  }
0x135: {  	s10 =	sadd.s32 $0x1, s10;
	v61 =	vadd.s32 $0xFFFFF828, v14;
	[tilespmem:v53+s2+$0x0] =	vst.idx.add.f32.msk $0xffff, v59  }
0x136: {  	v62 =	vand.u32 $0x7FFFFFFF, v8;
	p0 =	sne.s32 s10, $0x40;
	v63 =	vadd.s32 $0x4698, v14;
	[tilespmem:v56+s2+$0x0] =	vst.idx.add.f32.msk $0xffff, v3  }
.Ltmp13:
0x137: {  	[tilespmem:v57+s2+$0x0] =	vst.idx.add.f32.msk $0xffff, v62;
	(pc) =	sbr.rel @!p0 .LBB2_20-.Ltmp13, $4  }
0x138: {  	v6 =	vand.u32 $0x7FFFFFFF, v6;
	[tilespmem:v58+s2+$0x0] =	vst.idx.add.f32.msk $0xffff, v3  }
0x139: {  	[tilespmem:v60+s2+$0x0] =	vst.idx.add.f32.msk $0xffff, v6  }
0x13a: {  	v6 =	vand.u32 $0x7FFFFFFF, v7;
	[tilespmem:v61+s2+$0x0] =	vst.idx.add.f32.msk $0xffff, v3  }
0x13b: {  	[tilespmem:v63+s2+$0x0] =	vst.idx.add.f32.msk $0xffff, v6  }
.LBB2_10:
0x13c: {  	s12 =	sshll.u32 s10, $0x7  }
0x13d: {  	s13 =	sand.u32 $0x3FFFFF80, s12  }
0x13e: {  	v13 =	vld [tilespmem:s13+$0x880];
	_ =	sdelay $0x1  }
0x13f: {  	v12 =	vld [tilespmem:s13+$0x890];
	_ =	sdelay $0x1  }
0x140: {  	v11 =	vld [tilespmem:s13+$0x8A0]  }
0x141: {  	v6 =	vsub.f32 v13, v5;
	_ =	sdelay $0x1  }
0x142: {  	v7 =	vsub.f32 v12, v5;
	v6 =	vmul.f32 v6, v4;
	_ =	sdelay $0x1  }
0x143: {  	v10 =	vld [tilespmem:s13+$0x8B0];
	v8 =	vsub.f32 v11, v5;
	v7 =	vmul.f32 v7, v4;
	v6 =	vadd.f32 $5.000000000e-01, v6  }
0x144: {  	v9 =	vld [tilespmem:s13+$0x8C0]  }
0x145: {  	v8 =	vmul.f32 v8, v4;
	v7 =	vadd.f32 $5.000000000e-01, v7;
	v6 =	vtrunc.f32 v6  }
0x146: {  	v6 =	vcvt.f32.s32 v6  }
0x147: {  	v14 =	vadd.f32 $5.000000000e-01, v8;
	v7 =	vtrunc.f32 v7  }
0x148: {  	v8 =	vld [tilespmem:s13+$0x8D0];
	v15 =	vcvt.f32.s32 v7;
	v7 =	vsub.f32 v10, v5;
	vm0 =	vgt.s32 v6, $0x0  }
0x149: {  	v19 =	vsub.f32 v9, v5;
	v14 =	vtrunc.f32 v14;
	v16 =	vnsel vm0, $0x0, v6;
	v6 =	vld [tilespmem:s13+$0x8E0]  }
0x14a: {  	v14 =	vcvt.f32.s32 v14;
	v17 =	vmul.f32 v7, v4;
	v7 =	vld [tilespmem:s13+$0x8F0]  }
0x14b: {  	v19 =	vmul.f32 v19, v4;
	vm9 =	vgt.s32 v15, $0x0  }
0x14c: {  	vm10 =	vgt.s32 v14, $0x0;
	v15 =	vnsel vm9, $0x0, v15;
	v18 =	vadd.f32 $5.000000000e-01, v17  }
0x14d: {  	v14 =	vnsel vm10, $0x0, v14;
	v17 =	vmin.u32 v15, $0xA;
	v15 =	vsub.f32 v8, v5  }
0x14e: {  	v16 =	vmin.u32 v16, $0xA;
	v18 =	vtrunc.f32 v18;
	v20 =	vsub.f32 v6, v5  }
0x14f: {  	v15 =	vmul.f32 v15, v4;
	v21 =	vcvt.f32.s32 v18;
	v22 =	vsub.f32 v7, v5  }
0x150: {  	v18 =	vmin.u32 v14, $0xA;
	v14 =	vadd.f32 $5.000000000e-01, v19;
	v19 =	vmul.f32 v20, v4  }
0x151: {  	v15 =	vadd.f32 $5.000000000e-01, v15;
	vm11 =	vgt.s32 v21, $0x0;
	v20 =	vmul.f32 v22, v4  }
0x152: {  	v14 =	vtrunc.f32 v14;
	v21 =	vnsel vm11, $0x0, v21;
	v22 =	vadd.f32 $5.000000000e-01, v19  }
0x153: {  	v14 =	vcvt.f32.s32 v14;
	v15 =	vtrunc.f32 v15;
	v20 =	vadd.f32 $5.000000000e-01, v20  }
0x154: {  	v15 =	vcvt.f32.s32 v15;
	v19 =	vmin.u32 v21, $0xA;
	v21 =	vtrunc.f32 v22  }
0x155: {  	vm12 =	vgt.s32 v14, $0x0;
	v20 =	vtrunc.f32 v20;
	v22 =	vcvt.f32.s32 v21  }
0x156: {  	v14 =	vnsel vm12, $0x0, v14;
	vm13 =	vgt.s32 v15, $0x0;
	v23 =	vcvt.f32.s32 v20  }
0x157: {  	v21 =	vmin.u32 v14, $0xA;
	v14 =	vnsel vm13, $0x0, v15;
	vm14 =	vgt.s32 v22, $0x0  }
0x158: {  	v28 =	vld.idx.msk [tilespmem:v16+s29+$0x0], $0xffff;
	v20 =	vmin.u32 v14, $0xA;
	vm15 =	vgt.s32 v23, $0x0;
	v14 =	vnsel vm14, $0x0, v22  }
0x159: {  	p0 =	sgt.s32 s7, $0x7CF;
	s13 =	sadd.s32 s12, s11;
	v29 =	vld.idx.msk [tilespmem:v17+s29+$0x0], $0xffff;
	v15 =	vmin.u32 v14, $0xA;
	v14 =	vnsel vm15, $0x0, v23  }
0x15a: {  	p1 =	sgt.s32 @!p0 s5, s13;
	v27 =	vld.idx.msk [tilespmem:v18+s29+$0x0], $0xffff;
	v14 =	vmin.u32 v14, $0xA  }
0x15b: {  	p1 =	por p0, p1;
	v26 =	vld.idx.msk [tilespmem:v19+s29+$0x0], $0xffff  }
.Ltmp14:
0x15c: {  	v25 =	vld.idx.msk [tilespmem:v21+s29+$0x0], $0xffff;
	(pc) =	sbr.rel @p1 .LBB2_11-.Ltmp14, $4  }
0x15d: {  	v24 =	vld.idx.msk [tilespmem:v20+s29+$0x0], $0xffff  }
0x15e: {  	v23 =	vld.idx.msk [tilespmem:v15+s29+$0x0], $0xffff  }
0x15f: {  	v22 =	vld.idx.msk [tilespmem:v14+s29+$0x0], $0xffff  }
0x160: {  	v30 =	vmov s7  }
0x161: {  	s12 =	sor.u32 s9, s12  }
0x162: {  	s17 =	sshll.u32 s7, $0x2;
	s14 =	sor.u32 $0x10, s12;
	s15 =	sor.u32 $0x20, s12  }
0x163: {  	v38 =	vmovc v30;
	v39 =	vmovc v30;
	v40 =	vmov v30;
	s16 =	sor.u32 $0x30, s12;
	v34 =	vor.u32 s12, v1;
	s17 =	sshra.s32 s17, $0x2;
	v31 =	vor.u32 s14, v1;
	s14 =	sor.u32 $0x40, s12  }
0x164: {  	v42 =	vmovc v30;
	v43 =	vmovc v30;
	v32 =	vor.u32 s15, v1;
	s15 =	sor.u32 $0x50, s12;
	v33 =	vor.u32 s16, v1;
	s16 =	sor.u32 $0x60, s12;
	s12 =	sor.u32 $0x70, s12;
	v35 =	vor.u32 s14, v1  }
0x165: {  	v44 =	vmovc v30;
	v45 =	vmovc v30;
	v36 =	vor.u32 s15, v1;
	v37 =	vor.u32 s16, v1;
	v41 =	vor.u32 s12, v1;
	s12 =	sadd.s32 $0x2, s17  }
.LBB2_17:
0x166: {  	v46 =	vld [tilespmem:s12+$0x0];
	_ =	sdelay $0x4  }
0x167: {  	(v2sf) =	vpush v46, $0x0;
	_ =	sdelay $0xc  }
0x168: {  	vm0 =	vge.s32 v34, s5;
	vm12 =	vge.s32 v31, s5  }
0x169: {  	vm13 =	vge.s32 v32, s5;
	vm1 =	vge.s32 v33, s5;
	vm14 =	vge.s32 v35, s5  }
0x16a: {  	vm15 =	vge.s32 v36, s5;
	vm2 =	vge.s32 v37, s5;
	vm3 =	vge.s32 v41, s5;
	p0 =	sgt.s32 s7, $0x7CE;
	s5 =	spop (v2sf)  }
0x16b: {  	p1 =	sle.s32 @!p0 s5, s13  }
0x16c: {  	v62 =	vsel vm0, $0x1, v2;
	p1 =	por p0, !p1  }
.Ltmp15:
0x16d: {  	v47 =	vsel vm12, $0x1, v2;
	v48 =	vsel vm13, $0x1, v2;
	v49 =	vsel vm1, $0x1, v2;
	(pc) =	sbr.rel @!p1 .LBB2_17-.Ltmp15, $4  }
0x16e: {  	v50 =	vsel vm14, $0x1, v2;
	v51 =	vsel vm15, $0x1, v2;
	v52 =	vsel vm2, $0x1, v2  }
0x16f: {  	v63 =	vsel vm3, $0x1, v2;
	v45 =	vadd.s32 v62, v45;
	v44 =	vadd.s32 v47, v44  }
0x170: {  	v43 =	vadd.s32 v48, v43;
	v42 =	vadd.s32 v49, v42;
	v40 =	vadd.s32 v50, v40  }
0x171: {  	s7 =	sadd.s32 $0x1, s7;
	s12 =	sadd.s32 $0x1, s12;
	v39 =	vadd.s32 v51, v39;
	v38 =	vadd.s32 v52, v38;
	v30 =	vadd.s32 v63, v30  }
.Ltmp16:
0x172: {  	(pc) =	sbr.rel .LBB2_19-.Ltmp16, $4  }
0x173: {  	_ = 	snop  }
0x174: {  	v37 =	vpsel p0, v45, v45;
	v36 =	vpsel p0, v44, v44  }
0x175: {  	v35 =	vpsel p0, v43, v43;
	v34 =	vpsel p0, v42, v42;
	v33 =	vpsel p0, v40, v40  }
0x176: {  	s7 =	smov.u32 @p0 s7;
	s5 =	smov.u32 @p0 s5;
	v32 =	vpsel p0, v39, v39;
	v31 =	vpsel p0, v38, v38;
	v30 =	vpsel p0, v30, v30  }
.LBB2_22:
0x177: {  	_ =	sfence.sel $0x180000  }
0x178: {  	[bflag:$0x0] =	sbarrier.arrive $0xFFFF  }
0x179: {  	_ =	strace $0x90000047  }
0x17a: {  	s0 =	stileid.u32;
	[bflag:$0x2] =	sbarrier.arrive $0xFFFF  }
0x17b: {  	p0 =	sne.s32 s0, $0x0;
	s0 =	rddreg [dreg:$0x3]  }
0x17c: {  	s0 =	sadd.s32 @!p0 $0x100000, s0  }
0x17d: {  	[sflag:s0] =	ssyncadd.tile.s32 @!p0 $0x1;
	_ =	shalt  }
.Lfunc_end2:
_tile_overlayer_lowered:
.L_overlay_start_2:
0x17e: {  	(tag) =	ssettag $0x2  }
0x17f: {  	s0 =	rddreg [dreg:$0x0];
	s2 =	stileid.u32  }
0x180: {  	s1 =	rddreg [dreg:$0x1];
	p0 =	sne.s32 s2, $0x0  }
0x181: {  	s3 =	rddreg [dreg:$0x2];
	[bflag:$0x3] =	sbarrier.arrive $0xFFFF;
	s2 =	simm.s32 @!p0 $0x1C02  }
0x182: {  	[timem:s3], [sflag:s2] =	dma.local @!p0 [hbm:s0], s1  }
0x183: {  	s0 =	simm.s32 @!p0 $0x2  }
0x184: {  	_ =	swait.ge @!p0 [sflag:s0], s1  }
0x185: {  	s1 =	ssub.s32 @!p0 $0x0, s1;
	[sflag:s0] =	ssyncset.done @!p0 $0x0  }
0x186: {  	[sflag:s0] =	ssyncadd.s32 @!p0 s1  }
0x187: {  	[bflag:$0x3] =	sbarrier.arrive $0xFFFF  }
0x188: {  	_ =	shalt  }

</sc_bundles>
